<compile_context>
chip_gen: v7x
topology: tpu7x:2x2x1
jax: 0.10.2.dev20260603
libtpu: 0.0.44.dev20260713+nightly
codegen_flags: <defaults>
</compile_context>

<pallas_src>
import jax
import jax.numpy as jnp
from jax import lax
from jax.experimental import pallas as pl
from jax.experimental.pallas import tpu as pltpu
from jax.experimental.pallas import tpu_sc as plsc

NC = 2
NS = 16
NW = NC * NS

B, L, D = 4, 2048, 1024
N = B * L
R = N // NW
C = 16
NCH = R // C
VPR = D // 16
NBUF = 3


def _body(x_hbm, table_hbm, pe_hbm, out_hbm, idx_v, *scratch):
    bufs = scratch[0:NBUF]
    pes = scratch[NBUF:2 * NBUF]
    gsems = scratch[2 * NBUF:3 * NBUF]
    psems = scratch[3 * NBUF:4 * NBUF]
    ssems = scratch[4 * NBUF:5 * NBUF]

    wid = lax.axis_index("s") * NC + lax.axis_index("c")
    base = wid * R
    pos = base % L

    pltpu.sync_copy(x_hbm.at[pl.ds(base, R)], idx_v)
    g_d = [None] * NBUF
    p_d = [None] * NBUF
    s_d = [None] * NBUF

    def issue(c):
        s = c % NBUF
        if s_d[s] is not None:
            s_d[s].wait()
        g_d[s] = pltpu.async_copy(
            table_hbm.at[idx_v.at[pl.ds(c * C, C)]], bufs[s], gsems[s])
        p_d[s] = pltpu.async_copy(
            pe_hbm.at[pl.ds(pos + c * C, C)], pes[s], psems[s])

    for c in range(NBUF - 1):
        issue(c)
    for c in range(NCH):
        s = c % NBUF
        g_d[s].wait()
        p_d[s].wait()
        buf = bufs[s]
        peb = pes[s]

        @plsc.parallel_loop(0, C * D, 2 * 16, unroll=2)
        def row_add(e):
            r, col = divmod(e, D)
            for u in range(2):
                sl = pl.ds(col + u * 16, 16)
                buf[r, sl] = buf[r, sl] + peb[r, sl]
        s_d[s] = pltpu.async_copy(
            buf, out_hbm.at[pl.ds(base + c * C, C)], ssems[s])
        if c + NBUF - 1 < NCH:
            issue(c + NBUF - 1)
    for s in range(NBUF):
        if s_d[s] is not None:
            s_d[s].wait()


def kernel(x, tok_table, pe):
    x_flat = x.reshape(N).astype(jnp.int32)
    mesh = plsc.VectorSubcoreMesh(core_axis_name="c", subcore_axis_name="s")
    out = pl.kernel(
        _body,
        out_type=jax.ShapeDtypeStruct((N, D), jnp.float32),
        mesh=mesh,
        scratch_types=[
            pltpu.VMEM((R,), jnp.int32),
        ] + [pltpu.VMEM((C, D), jnp.float32)] * (2 * NBUF)
          + [pltpu.SemaphoreType.DMA] * (3 * NBUF),
    )(x_flat, tok_table, pe)
    return out.reshape(B, L, D)

# --- scband reference (transcript-rebuilt; emitter-appended) ---
"""Pipeline reference for scband-transformer-embedding-71588514890482 (READ-ONLY COPY).

The authoritative reference and input builder live on the scoring server;
editing this copy changes nothing except your own understanding.
"""

import jax, jax.numpy as jnp
import numpy as np

VOCAB = 100000
D_MODEL = 1024
MAX_LEN = 8192
PAD_IDX = 1


def _make_pe(d_model, max_len):
    pos = np.arange(max_len, dtype=np.float32)[:, None]
    div = np.exp(np.arange(0, d_model, 2, dtype=np.float32) * (-np.log(10000.0) / d_model))
    pe = np.zeros((max_len, d_model), dtype=np.float32)
    pe[:, 0::2] = np.sin(pos * div)
    pe[:, 1::2] = np.cos(pos * div)
    return jnp.asarray(pe)


def setup_inputs(seed: int = 0) -> dict:
    key = jax.random.key(seed)
    k_x, k_w = jax.random.split(key)
    x = jax.random.randint(k_x, (4, 2048), 0, VOCAB, dtype=jnp.int64 if jax.config.read('jax_enable_x64') else jnp.int32)
    tok_table = jax.random.normal(k_w, (VOCAB, D_MODEL), dtype=jnp.float32) * 0.02
    # nn.Embedding(vocab, d, padding_idx=1): padding row initialized to zero
    tok_table = tok_table.at[PAD_IDX].set(0.0)
    pe = _make_pe(D_MODEL, MAX_LEN)
    return {"x": x, "tok_table": tok_table, "pe": pe}


def reference(x, tok_table, pe):
    # tok_embed: gather rows of embedding table
    emb = jnp.take(tok_table, x, axis=0)  # [B, L, D]
    # AbsolutePositionalEncoding: add sinusoidal PE for first L positions
    seq_len = x.shape[1]
    out = emb + pe[:seq_len][None, :, :]
    # dropout with p=0.0 is identity
    return out

if __name__ == "__main__":
    import jax
    _d = setup_inputs()
    print(jax.jit(kernel)(*tuple(_d.values())))

</pallas_src>

<mosaic_0001>
#map = affine_map<(d0, d1) -> (0)>
#map1 = affine_map<(d0, d1) -> (0, 0)>
module attributes {stable_mosaic.version = 14 : i64} {
  func.func @_body(%arg0: i32, %arg1: i32, %arg2: memref<8192xi32, #tpu.memory_space<hbm>>, %arg3: memref<100000x1024xf32, #tpu.memory_space<hbm>>, %arg4: memref<8192x1024xf32, #tpu.memory_space<hbm>>, %arg5: memref<8192x1024xf32, #tpu.memory_space<hbm>>, %arg6: memref<256xi32, #tpu.memory_space<vmem>>, %arg7: memref<16x1024xf32, #tpu.memory_space<vmem>>, %arg8: memref<16x1024xf32, #tpu.memory_space<vmem>>, %arg9: memref<16x1024xf32, #tpu.memory_space<vmem>>, %arg10: memref<16x1024xf32, #tpu.memory_space<vmem>>, %arg11: memref<16x1024xf32, #tpu.memory_space<vmem>>, %arg12: memref<16x1024xf32, #tpu.memory_space<vmem>>, %arg13: memref<!tpu.dma_semaphore, #tpu.memory_space<semaphore_mem>>, %arg14: memref<!tpu.dma_semaphore, #tpu.memory_space<semaphore_mem>>, %arg15: memref<!tpu.dma_semaphore, #tpu.memory_space<semaphore_mem>>, %arg16: memref<!tpu.dma_semaphore, #tpu.memory_space<semaphore_mem>>, %arg17: memref<!tpu.dma_semaphore, #tpu.memory_space<semaphore_mem>>, %arg18: memref<!tpu.dma_semaphore, #tpu.memory_space<semaphore_mem>>, %arg19: memref<!tpu.dma_semaphore, #tpu.memory_space<semaphore_mem>>, %arg20: memref<!tpu.dma_semaphore, #tpu.memory_space<semaphore_mem>>, %arg21: memref<!tpu.dma_semaphore, #tpu.memory_space<semaphore_mem>>) attributes {dimension_semantics = [#tpu.dimension_semantics<core_parallel>, #tpu.dimension_semantics<subcore_parallel>], iteration_bounds = array<i64: 2, 16>, scalar_prefetch = 0 : i64, scratch_operands = 16 : i64, tpu.core_type = #tpu.core_type<sc_vector_subcore>, window_params = [{transform_indices = #map}, {transform_indices = #map1}, {transform_indices = #map1}, {transform_indices = #map1}]} {
    %mul3A = arith.constant 2 : i32
    %mul3A_0 = arith.muli %arg1, %mul3A : i32
    %add3A = arith.addi %mul3A_0, %arg0 : i32
    %mul3A_1 = arith.constant 256 : i32
    %mul3A_2 = arith.muli %add3A, %mul3A_1 : i32
    %jit3A = arith.constant 2048 : i32
    %eq3A = arith.constant 0 : i32
    %eq3A_3 = arith.cmpi eq, %jit3A, %eq3A : i32
    %jit3A_4 = arith.constant 1 : i32
    %select_n3A = arith.select %eq3A_3, %jit3A_4, %jit3A : i32
    %rem3A = arith.remsi %mul3A_2, %select_n3A : i32
    %ne3A = arith.constant 0 : i32
    %ne3A_5 = arith.cmpi ne, %rem3A, %ne3A : i32
    %lt3A = arith.constant 0 : i32
    %lt3A_6 = arith.cmpi slt, %rem3A, %lt3A : i32
    %lt3A_7 = arith.constant 0 : i32
    %lt3A_8 = arith.cmpi slt, %select_n3A, %lt3A_7 : i32
    %ne3A_9 = arith.xori %lt3A_6, %lt3A_8 : i1
    %and3A = arith.andi %ne3A_9, %ne3A_5 : i1
    %add3A_10 = arith.addi %rem3A, %select_n3A : i32
    %select_n3A_11 = arith.select %and3A, %add3A_10, %rem3A : i32
    "tpu.region"() ({
      %run_scoped3A = tpu.sem_alloc : memref<!tpu.dma_semaphore, #tpu.memory_space<semaphore_mem>>
      %dma_start3A_537 = tpu.memref_slice %arg2[%mul3A_2] : memref<8192xi32, #tpu.memory_space<hbm>> -> memref<256xi32, #tpu.memory_space<hbm>>
      %dma_start3A_538 = tpu.memref_slice %arg2[%mul3A_2] : memref<8192xi32, #tpu.memory_space<hbm>> -> memref<256xi32, #tpu.memory_space<hbm>>
      tpu.enqueue_dma source(%dma_start3A_538 : memref<256xi32, #tpu.memory_space<hbm>>) target(%arg6 : memref<256xi32, #tpu.memory_space<vmem>>) target_semaphore(%run_scoped3A : memref<!tpu.dma_semaphore, #tpu.memory_space<semaphore_mem>>)
      %dma_wait3A_539 = tpu.memref_slice %arg2[%mul3A_2] : memref<8192xi32, #tpu.memory_space<hbm>> -> memref<256xi32, #tpu.memory_space<hbm>>
      %dma_wait3A_540 = tpu.memref_slice %arg2[%mul3A_2] : memref<8192xi32, #tpu.memory_space<hbm>> -> memref<256xi32, #tpu.memory_space<hbm>>
      tpu.wait_dma2 semaphore(%run_scoped3A : memref<!tpu.dma_semaphore, #tpu.memory_space<semaphore_mem>>) src(%dma_wait3A_540 : memref<256xi32, #tpu.memory_space<hbm>>) dst(%arg6 : memref<256xi32, #tpu.memory_space<vmem>>)
      tpu.yield
    }) : () -> ()
    %dma_start3A = arith.constant 0 : i32
    %dma_start3A_12 = tpu.memref_slice %arg6[%dma_start3A] : memref<256xi32, #tpu.memory_space<vmem>> -> memref<16xi32, #tpu.memory_space<vmem>>
    %dma_start3A_13 = arith.constant 0 : i32
    %dma_start3A_14 = arith.constant 0 : i32
    %dma_start3A_15 = tpu.memref_slice %arg3[%dma_start3A_13, %dma_start3A_14] : memref<100000x1024xf32, #tpu.memory_space<hbm>> -> memref<100000x1024xf32, #tpu.memory_space<hbm>>
    tpu.enqueue_indirect_dma source(%dma_start3A_15 : memref<100000x1024xf32, #tpu.memory_space<hbm>>) target(%arg7 : memref<16x1024xf32, #tpu.memory_space<vmem>>) offsets(%dma_start3A_12 : memref<16xi32, #tpu.memory_space<vmem>>) semaphore(%arg13 : memref<!tpu.dma_semaphore, #tpu.memory_space<semaphore_mem>>)
    %add3A_16 = arith.constant 0 : i32
    %add3A_17 = arith.addi %select_n3A_11, %add3A_16 : i32
    %dma_start3A_18 = arith.constant 0 : i32
    %dma_start3A_19 = tpu.memref_slice %arg4[%add3A_17, %dma_start3A_18] : memref<8192x1024xf32, #tpu.memory_space<hbm>> -> memref<16x1024xf32, #tpu.memory_space<hbm>>
    %dma_start3A_20 = arith.constant 0 : i32
    %dma_start3A_21 = tpu.memref_slice %arg4[%add3A_17, %dma_start3A_20] : memref<8192x1024xf32, #tpu.memory_space<hbm>> -> memref<16x1024xf32, #tpu.memory_space<hbm>>
    tpu.enqueue_dma source(%dma_start3A_21 : memref<16x1024xf32, #tpu.memory_space<hbm>>) target(%arg10 : memref<16x1024xf32, #tpu.memory_space<vmem>>) target_semaphore(%arg16 : memref<!tpu.dma_semaphore, #tpu.memory_space<semaphore_mem>>)
    %dma_start3A_22 = arith.constant 16 : i32
    %dma_start3A_23 = tpu.memref_slice %arg6[%dma_start3A_22] : memref<256xi32, #tpu.memory_space<vmem>> -> memref<16xi32, #tpu.memory_space<vmem>>
    %dma_start3A_24 = arith.constant 0 : i32
    %dma_start3A_25 = arith.constant 0 : i32
    %dma_start3A_26 = tpu.memref_slice %arg3[%dma_start3A_24, %dma_start3A_25] : memref<100000x1024xf32, #tpu.memory_space<hbm>> -> memref<100000x1024xf32, #tpu.memory_space<hbm>>
    tpu.enqueue_indirect_dma source(%dma_start3A_26 : memref<100000x1024xf32, #tpu.memory_space<hbm>>) target(%arg8 : memref<16x1024xf32, #tpu.memory_space<vmem>>) offsets(%dma_start3A_23 : memref<16xi32, #tpu.memory_space<vmem>>) semaphore(%arg14 : memref<!tpu.dma_semaphore, #tpu.memory_space<semaphore_mem>>)
    %add3A_27 = arith.constant 16 : i32
    %add3A_28 = arith.addi %select_n3A_11, %add3A_27 : i32
    %dma_start3A_29 = arith.constant 0 : i32
    %dma_start3A_30 = tpu.memref_slice %arg4[%add3A_28, %dma_start3A_29] : memref<8192x1024xf32, #tpu.memory_space<hbm>> -> memref<16x1024xf32, #tpu.memory_space<hbm>>
    %dma_start3A_31 = arith.constant 0 : i32
    %dma_start3A_32 = tpu.memref_slice %arg4[%add3A_28, %dma_start3A_31] : memref<8192x1024xf32, #tpu.memory_space<hbm>> -> memref<16x1024xf32, #tpu.memory_space<hbm>>
    tpu.enqueue_dma source(%dma_start3A_32 : memref<16x1024xf32, #tpu.memory_space<hbm>>) target(%arg11 : memref<16x1024xf32, #tpu.memory_space<vmem>>) target_semaphore(%arg17 : memref<!tpu.dma_semaphore, #tpu.memory_space<semaphore_mem>>)
    %dma_wait3A = arith.constant 0 : i32
    %dma_wait3A_33 = tpu.memref_slice %arg6[%dma_wait3A] : memref<256xi32, #tpu.memory_space<vmem>> -> memref<16xi32, #tpu.memory_space<vmem>>
    %dma_wait3A_34 = arith.constant 0 : i32
    %dma_wait3A_35 = arith.constant 0 : i32
    %dma_wait3A_36 = tpu.memref_slice %arg3[%dma_wait3A_34, %dma_wait3A_35] : memref<100000x1024xf32, #tpu.memory_space<hbm>> -> memref<100000x1024xf32, #tpu.memory_space<hbm>>
    tpu.wait_indirect_dma semaphore(%arg13 : memref<!tpu.dma_semaphore, #tpu.memory_space<semaphore_mem>>) src(%dma_wait3A_36 : memref<100000x1024xf32, #tpu.memory_space<hbm>>) dst(%arg7 : memref<16x1024xf32, #tpu.memory_space<vmem>>)
    %dma_wait3A_37 = arith.constant 0 : i32
    %dma_wait3A_38 = tpu.memref_slice %arg4[%add3A_17, %dma_wait3A_37] : memref<8192x1024xf32, #tpu.memory_space<hbm>> -> memref<16x1024xf32, #tpu.memory_space<hbm>>
    %dma_wait3A_39 = arith.constant 0 : i32
    %dma_wait3A_40 = tpu.memref_slice %arg4[%add3A_17, %dma_wait3A_39] : memref<8192x1024xf32, #tpu.memory_space<hbm>> -> memref<16x1024xf32, #tpu.memory_space<hbm>>
    tpu.wait_dma2 semaphore(%arg16 : memref<!tpu.dma_semaphore, #tpu.memory_space<semaphore_mem>>) src(%dma_wait3A_40 : memref<16x1024xf32, #tpu.memory_space<hbm>>) dst(%arg10 : memref<16x1024xf32, #tpu.memory_space<vmem>>)
    %parallel_loop3A = arith.constant 0 : i32
    %parallel_loop3A_41 = arith.constant 16384 : i32
    %parallel_loop3A_42 = arith.constant 32 : i32
    scf.for %parallel_loop3A_537 = %parallel_loop3A to %parallel_loop3A_41 step %parallel_loop3A_42  : i32 {
      %parallel_loop3A_538 = arith.constant 1024 : i32
      %parallel_loop3A_539 = arith.divsi %parallel_loop3A_537, %parallel_loop3A_538 : i32
      %parallel_loop3A_540 = arith.constant 0 : i32
      %parallel_loop3A_541 = arith.cmpi sgt, %parallel_loop3A_537, %parallel_loop3A_540 : i32
      %parallel_loop3A_542 = arith.extui %parallel_loop3A_541 : i1 to i32
      %parallel_loop3A_543 = arith.constant 0 : i32
      %parallel_loop3A_544 = arith.cmpi slt, %parallel_loop3A_537, %parallel_loop3A_543 : i32
      %parallel_loop3A_545 = arith.extui %parallel_loop3A_544 : i1 to i32
      %parallel_loop3A_546 = arith.subi %parallel_loop3A_542, %parallel_loop3A_545 : i32
      %parallel_loop3A_547 = arith.constant 0 : i32
      %parallel_loop3A_548 = arith.cmpi sgt, %parallel_loop3A_538, %parallel_loop3A_547 : i32
      %parallel_loop3A_549 = arith.extui %parallel_loop3A_548 : i1 to i32
      %parallel_loop3A_550 = arith.constant 0 : i32
      %parallel_loop3A_551 = arith.cmpi slt, %parallel_loop3A_538, %parallel_loop3A_550 : i32
      %parallel_loop3A_552 = arith.extui %parallel_loop3A_551 : i1 to i32
      %parallel_loop3A_553 = arith.subi %parallel_loop3A_549, %parallel_loop3A_552 : i32
      %parallel_loop3A_554 = arith.cmpi ne, %parallel_loop3A_546, %parallel_loop3A_553 : i32
      %parallel_loop3A_555 = arith.remsi %parallel_loop3A_537, %parallel_loop3A_538 : i32
      %parallel_loop3A_556 = arith.constant 0 : i32
      %parallel_loop3A_557 = arith.cmpi ne, %parallel_loop3A_555, %parallel_loop3A_556 : i32
      %parallel_loop3A_558 = arith.andi %parallel_loop3A_554, %parallel_loop3A_557 : i1
      %parallel_loop3A_559 = arith.constant 1 : i32
      %parallel_loop3A_560 = arith.subi %parallel_loop3A_539, %parallel_loop3A_559 : i32
      %parallel_loop3A_561 = arith.select %parallel_loop3A_558, %parallel_loop3A_560, %parallel_loop3A_539 : i32
      %parallel_loop3A_562 = arith.constant 0 : i32
      %parallel_loop3A_563 = arith.cmpi eq, %parallel_loop3A_538, %parallel_loop3A_562 : i32
      %parallel_loop3A_564 = arith.constant 1 : i32
      %parallel_loop3A_565 = arith.select %parallel_loop3A_563, %parallel_loop3A_564, %parallel_loop3A_538 : i32
      %parallel_loop3A_566 = arith.remsi %parallel_loop3A_537, %parallel_loop3A_565 : i32
      %parallel_loop3A_567 = arith.constant 0 : i32
      %parallel_loop3A_568 = arith.cmpi ne, %parallel_loop3A_566, %parallel_loop3A_567 : i32
      %parallel_loop3A_569 = arith.constant 0 : i32
      %parallel_loop3A_570 = arith.cmpi slt, %parallel_loop3A_566, %parallel_loop3A_569 : i32
      %parallel_loop3A_571 = arith.constant 0 : i32
      %parallel_loop3A_572 = arith.cmpi slt, %parallel_loop3A_565, %parallel_loop3A_571 : i32
      %parallel_loop3A_573 = arith.xori %parallel_loop3A_570, %parallel_loop3A_572 : i1
      %parallel_loop3A_574 = arith.andi %parallel_loop3A_573, %parallel_loop3A_568 : i1
      %parallel_loop3A_575 = arith.addi %parallel_loop3A_566, %parallel_loop3A_565 : i32
      %parallel_loop3A_576 = arith.select %parallel_loop3A_574, %parallel_loop3A_575, %parallel_loop3A_566 : i32
      %parallel_loop3A_577 = arith.constant 0 : i32
      %parallel_loop3A_578 = arith.addi %parallel_loop3A_576, %parallel_loop3A_577 : i32
      %parallel_loop3A_579 = arith.index_cast %parallel_loop3A_561 : i32 to index
      %parallel_loop3A_580 = arith.index_cast %parallel_loop3A_578 : i32 to index
      %parallel_loop3A_581 = tpu.vector_load %arg7[%parallel_loop3A_579, %parallel_loop3A_580] {strides = array<i32>} : memref<16x1024xf32, #tpu.memory_space<vmem>>, vector<1x16xf32>,
      %parallel_loop3A_582 = vector.shape_cast %parallel_loop3A_581 : vector<1x16xf32> to vector<16xf32>
      %parallel_loop3A_583 = arith.index_cast %parallel_loop3A_561 : i32 to index
      %parallel_loop3A_584 = arith.index_cast %parallel_loop3A_578 : i32 to index
      %parallel_loop3A_585 = tpu.vector_load %arg10[%parallel_loop3A_583, %parallel_loop3A_584] {strides = array<i32>} : memref<16x1024xf32, #tpu.memory_space<vmem>>, vector<1x16xf32>,
      %parallel_loop3A_586 = vector.shape_cast %parallel_loop3A_585 : vector<1x16xf32> to vector<16xf32>
      %parallel_loop3A_587 = arith.addf %parallel_loop3A_582, %parallel_loop3A_586 : vector<16xf32>
      %parallel_loop3A_588 = arith.index_cast %parallel_loop3A_561 : i32 to index
      %parallel_loop3A_589 = arith.index_cast %parallel_loop3A_578 : i32 to index
      %parallel_loop3A_590 = tpu.vector_load %arg7[%parallel_loop3A_588, %parallel_loop3A_589] {strides = array<i32>} : memref<16x1024xf32, #tpu.memory_space<vmem>>, vector<1x16xf32>,
      %parallel_loop3A_591 = vector.shape_cast %parallel_loop3A_590 : vector<1x16xf32> to vector<16xf32>
      %parallel_loop3A_592 = vector.shape_cast %parallel_loop3A_587 : vector<16xf32> to vector<1x16xf32>
      tpu.vector_store %arg7[%parallel_loop3A_588, %parallel_loop3A_589], %parallel_loop3A_592 {strides = array<i32>} : memref<16x1024xf32, #tpu.memory_space<vmem>>, vector<1x16xf32>,
      %parallel_loop3A_593 = arith.constant 16 : i32
      %parallel_loop3A_594 = arith.addi %parallel_loop3A_576, %parallel_loop3A_593 : i32
      %parallel_loop3A_595 = arith.index_cast %parallel_loop3A_561 : i32 to index
      %parallel_loop3A_596 = arith.index_cast %parallel_loop3A_594 : i32 to index
      %parallel_loop3A_597 = tpu.vector_load %arg7[%parallel_loop3A_595, %parallel_loop3A_596] {strides = array<i32>} : memref<16x1024xf32, #tpu.memory_space<vmem>>, vector<1x16xf32>,
      %parallel_loop3A_598 = vector.shape_cast %parallel_loop3A_597 : vector<1x16xf32> to vector<16xf32>
      %parallel_loop3A_599 = arith.index_cast %parallel_loop3A_561 : i32 to index
      %parallel_loop3A_600 = arith.index_cast %parallel_loop3A_594 : i32 to index
      %parallel_loop3A_601 = tpu.vector_load %arg10[%parallel_loop3A_599, %parallel_loop3A_600] {strides = array<i32>} : memref<16x1024xf32, #tpu.memory_space<vmem>>, vector<1x16xf32>,
      %parallel_loop3A_602 = vector.shape_cast %parallel_loop3A_601 : vector<1x16xf32> to vector<16xf32>
      %parallel_loop3A_603 = arith.addf %parallel_loop3A_598, %parallel_loop3A_602 : vector<16xf32>
      %parallel_loop3A_604 = arith.index_cast %parallel_loop3A_561 : i32 to index
      %parallel_loop3A_605 = arith.index_cast %parallel_loop3A_594 : i32 to index
      %parallel_loop3A_606 = tpu.vector_load %arg7[%parallel_loop3A_604, %parallel_loop3A_605] {strides = array<i32>} : memref<16x1024xf32, #tpu.memory_space<vmem>>, vector<1x16xf32>,
      %parallel_loop3A_607 = vector.shape_cast %parallel_loop3A_606 : vector<1x16xf32> to vector<16xf32>
      %parallel_loop3A_608 = vector.shape_cast %parallel_loop3A_603 : vector<16xf32> to vector<1x16xf32>
      tpu.vector_store %arg7[%parallel_loop3A_604, %parallel_loop3A_605], %parallel_loop3A_608 {strides = array<i32>} : memref<16x1024xf32, #tpu.memory_space<vmem>>, vector<1x16xf32>,
    } {sc.loop_unroll_factor = 2 : i64, sc.parallel_access}
    %add3A_43 = arith.constant 0 : i32
    %add3A_44 = arith.addi %mul3A_2, %add3A_43 : i32
    %dma_start3A_45 = arith.constant 0 : i32
    %dma_start3A_46 = tpu.memref_slice %arg5[%add3A_44, %dma_start3A_45] : memref<8192x1024xf32, #tpu.memory_space<hbm>> -> memref<16x1024xf32, #tpu.memory_space<hbm>>
    %dma_start3A_47 = arith.constant 0 : i32
    %dma_start3A_48 = tpu.memref_slice %arg5[%add3A_44, %dma_start3A_47] : memref<8192x1024xf32, #tpu.memory_space<hbm>> -> memref<16x1024xf32, #tpu.memory_space<hbm>>
    tpu.enqueue_dma source(%arg7 : memref<16x1024xf32, #tpu.memory_space<vmem>>) target(%dma_start3A_48 : memref<16x1024xf32, #tpu.memory_space<hbm>>) target_semaphore(%arg19 : memref<!tpu.dma_semaphore, #tpu.memory_space<semaphore_mem>>)
    %dma_start3A_49 = arith.constant 32 : i32
    %dma_start3A_50 = tpu.memref_slice %arg6[%dma_start3A_49] : memref<256xi32, #tpu.memory_space<vmem>> -> memref<16xi32, #tpu.memory_space<vmem>>
    %dma_start3A_51 = arith.constant 0 : i32
    %dma_start3A_52 = arith.constant 0 : i32
    %dma_start3A_53 = tpu.memref_slice %arg3[%dma_start3A_51, %dma_start3A_52] : memref<100000x1024xf32, #tpu.memory_space<hbm>> -> memref<100000x1024xf32, #tpu.memory_space<hbm>>
    tpu.enqueue_indirect_dma source(%dma_start3A_53 : memref<100000x1024xf32, #tpu.memory_space<hbm>>) target(%arg9 : memref<16x1024xf32, #tpu.memory_space<vmem>>) offsets(%dma_start3A_50 : memref<16xi32, #tpu.memory_space<vmem>>) semaphore(%arg15 : memref<!tpu.dma_semaphore, #tpu.memory_space<semaphore_mem>>)
    %add3A_54 = arith.constant 32 : i32
    %add3A_55 = arith.addi %select_n3A_11, %add3A_54 : i32
    %dma_start3A_56 = arith.constant 0 : i32
    %dma_start3A_57 = tpu.memref_slice %arg4[%add3A_55, %dma_start3A_56] : memref<8192x1024xf32, #tpu.memory_space<hbm>> -> memref<16x1024xf32, #tpu.memory_space<hbm>>
    %dma_start3A_58 = arith.constant 0 : i32
    %dma_start3A_59 = tpu.memref_slice %arg4[%add3A_55, %dma_start3A_58] : memref<8192x1024xf32, #tpu.memory_space<hbm>> -> memref<16x1024xf32, #tpu.memory_space<hbm>>
    tpu.enqueue_dma source(%dma_start3A_59 : memref<16x1024xf32, #tpu.memory_space<hbm>>) target(%arg12 : memref<16x1024xf32, #tpu.memory_space<vmem>>) target_semaphore(%arg18 : memref<!tpu.dma_semaphore, #tpu.memory_space<semaphore_mem>>)
    %dma_wait3A_60 = arith.constant 16 : i32
    %dma_wait3A_61 = tpu.memref_slice %arg6[%dma_wait3A_60] : memref<256xi32, #tpu.memory_space<vmem>> -> memref<16xi32, #tpu.memory_space<vmem>>
    %dma_wait3A_62 = arith.constant 0 : i32
    %dma_wait3A_63 = arith.constant 0 : i32
    %dma_wait3A_64 = tpu.memref_slice %arg3[%dma_wait3A_62, %dma_wait3A_63] : memref<100000x1024xf32, #tpu.memory_space<hbm>> -> memref<100000x1024xf32, #tpu.memory_space<hbm>>
    tpu.wait_indirect_dma semaphore(%arg14 : memref<!tpu.dma_semaphore, #tpu.memory_space<semaphore_mem>>) src(%dma_wait3A_64 : memref<100000x1024xf32, #tpu.memory_space<hbm>>) dst(%arg8 : memref<16x1024xf32, #tpu.memory_space<vmem>>)
    %dma_wait3A_65 = arith.constant 0 : i32
    %dma_wait3A_66 = tpu.memref_slice %arg4[%add3A_28, %dma_wait3A_65] : memref<8192x1024xf32, #tpu.memory_space<hbm>> -> memref<16x1024xf32, #tpu.memory_space<hbm>>
    %dma_wait3A_67 = arith.constant 0 : i32
    %dma_wait3A_68 = tpu.memref_slice %arg4[%add3A_28, %dma_wait3A_67] : memref<8192x1024xf32, #tpu.memory_space<hbm>> -> memref<16x1024xf32, #tpu.memory_space<hbm>>
    tpu.wait_dma2 semaphore(%arg17 : memref<!tpu.dma_semaphore, #tpu.memory_space<semaphore_mem>>) src(%dma_wait3A_68 : memref<16x1024xf32, #tpu.memory_space<hbm>>) dst(%arg11 : memref<16x1024xf32, #tpu.memory_space<vmem>>)
    %parallel_loop3A_69 = arith.constant 0 : i32
    %parallel_loop3A_70 = arith.constant 16384 : i32
    %parallel_loop3A_71 = arith.constant 32 : i32
    scf.for %parallel_loop3A_537 = %parallel_loop3A_69 to %parallel_loop3A_70 step %parallel_loop3A_71  : i32 {
      %parallel_loop3A_538 = arith.constant 1024 : i32
      %parallel_loop3A_539 = arith.divsi %parallel_loop3A_537, %parallel_loop3A_538 : i32
      %parallel_loop3A_540 = arith.constant 0 : i32
      %parallel_loop3A_541 = arith.cmpi sgt, %parallel_loop3A_537, %parallel_loop3A_540 : i32
      %parallel_loop3A_542 = arith.extui %parallel_loop3A_541 : i1 to i32
      %parallel_loop3A_543 = arith.constant 0 : i32
      %parallel_loop3A_544 = arith.cmpi slt, %parallel_loop3A_537, %parallel_loop3A_543 : i32
      %parallel_loop3A_545 = arith.extui %parallel_loop3A_544 : i1 to i32
      %parallel_loop3A_546 = arith.subi %parallel_loop3A_542, %parallel_loop3A_545 : i32
      %parallel_loop3A_547 = arith.constant 0 : i32
      %parallel_loop3A_548 = arith.cmpi sgt, %parallel_loop3A_538, %parallel_loop3A_547 : i32
      %parallel_loop3A_549 = arith.extui %parallel_loop3A_548 : i1 to i32
      %parallel_loop3A_550 = arith.constant 0 : i32
      %parallel_loop3A_551 = arith.cmpi slt, %parallel_loop3A_538, %parallel_loop3A_550 : i32
      %parallel_loop3A_552 = arith.extui %parallel_loop3A_551 : i1 to i32
      %parallel_loop3A_553 = arith.subi %parallel_loop3A_549, %parallel_loop3A_552 : i32
      %parallel_loop3A_554 = arith.cmpi ne, %parallel_loop3A_546, %parallel_loop3A_553 : i32
      %parallel_loop3A_555 = arith.remsi %parallel_loop3A_537, %parallel_loop3A_538 : i32
      %parallel_loop3A_556 = arith.constant 0 : i32
      %parallel_loop3A_557 = arith.cmpi ne, %parallel_loop3A_555, %parallel_loop3A_556 : i32
      %parallel_loop3A_558 = arith.andi %parallel_loop3A_554, %parallel_loop3A_557 : i1
      %parallel_loop3A_559 = arith.constant 1 : i32
      %parallel_loop3A_560 = arith.subi %parallel_loop3A_539, %parallel_loop3A_559 : i32
      %parallel_loop3A_561 = arith.select %parallel_loop3A_558, %parallel_loop3A_560, %parallel_loop3A_539 : i32
      %parallel_loop3A_562 = arith.constant 0 : i32
      %parallel_loop3A_563 = arith.cmpi eq, %parallel_loop3A_538, %parallel_loop3A_562 : i32
      %parallel_loop3A_564 = arith.constant 1 : i32
      %parallel_loop3A_565 = arith.select %parallel_loop3A_563, %parallel_loop3A_564, %parallel_loop3A_538 : i32
      %parallel_loop3A_566 = arith.remsi %parallel_loop3A_537, %parallel_loop3A_565 : i32
      %parallel_loop3A_567 = arith.constant 0 : i32
      %parallel_loop3A_568 = arith.cmpi ne, %parallel_loop3A_566, %parallel_loop3A_567 : i32
      %parallel_loop3A_569 = arith.constant 0 : i32
      %parallel_loop3A_570 = arith.cmpi slt, %parallel_loop3A_566, %parallel_loop3A_569 : i32
      %parallel_loop3A_571 = arith.constant 0 : i32
      %parallel_loop3A_572 = arith.cmpi slt, %parallel_loop3A_565, %parallel_loop3A_571 : i32
      %parallel_loop3A_573 = arith.xori %parallel_loop3A_570, %parallel_loop3A_572 : i1
      %parallel_loop3A_574 = arith.andi %parallel_loop3A_573, %parallel_loop3A_568 : i1
      %parallel_loop3A_575 = arith.addi %parallel_loop3A_566, %parallel_loop3A_565 : i32
      %parallel_loop3A_576 = arith.select %parallel_loop3A_574, %parallel_loop3A_575, %parallel_loop3A_566 : i32
      %parallel_loop3A_577 = arith.constant 0 : i32
      %parallel_loop3A_578 = arith.addi %parallel_loop3A_576, %parallel_loop3A_577 : i32
      %parallel_loop3A_579 = arith.index_cast %parallel_loop3A_561 : i32 to index
      %parallel_loop3A_580 = arith.index_cast %parallel_loop3A_578 : i32 to index
      %parallel_loop3A_581 = tpu.vector_load %arg8[%parallel_loop3A_579, %parallel_loop3A_580] {strides = array<i32>} : memref<16x1024xf32, #tpu.memory_space<vmem>>, vector<1x16xf32>,
      %parallel_loop3A_582 = vector.shape_cast %parallel_loop3A_581 : vector<1x16xf32> to vector<16xf32>
      %parallel_loop3A_583 = arith.index_cast %parallel_loop3A_561 : i32 to index
      %parallel_loop3A_584 = arith.index_cast %parallel_loop3A_578 : i32 to index
      %parallel_loop3A_585 = tpu.vector_load %arg11[%parallel_loop3A_583, %parallel_loop3A_584] {strides = array<i32>} : memref<16x1024xf32, #tpu.memory_space<vmem>>, vector<1x16xf32>,
      %parallel_loop3A_586 = vector.shape_cast %parallel_loop3A_585 : vector<1x16xf32> to vector<16xf32>
      %parallel_loop3A_587 = arith.addf %parallel_loop3A_582, %parallel_loop3A_586 : vector<16xf32>
      %parallel_loop3A_588 = arith.index_cast %parallel_loop3A_561 : i32 to index
      %parallel_loop3A_589 = arith.index_cast %parallel_loop3A_578 : i32 to index
      %parallel_loop3A_590 = tpu.vector_load %arg8[%parallel_loop3A_588, %parallel_loop3A_589] {strides = array<i32>} : memref<16x1024xf32, #tpu.memory_space<vmem>>, vector<1x16xf32>,
      %parallel_loop3A_591 = vector.shape_cast %parallel_loop3A_590 : vector<1x16xf32> to vector<16xf32>
      %parallel_loop3A_592 = vector.shape_cast %parallel_loop3A_587 : vector<16xf32> to vector<1x16xf32>
      tpu.vector_store %arg8[%parallel_loop3A_588, %parallel_loop3A_589], %parallel_loop3A_592 {strides = array<i32>} : memref<16x1024xf32, #tpu.memory_space<vmem>>, vector<1x16xf32>,
      %parallel_loop3A_593 = arith.constant 16 : i32
      %parallel_loop3A_594 = arith.addi %parallel_loop3A_576, %parallel_loop3A_593 : i32
      %parallel_loop3A_595 = arith.index_cast %parallel_loop3A_561 : i32 to index
      %parallel_loop3A_596 = arith.index_cast %parallel_loop3A_594 : i32 to index
      %parallel_loop3A_597 = tpu.vector_load %arg8[%parallel_loop3A_595, %parallel_loop3A_596] {strides = array<i32>} : memref<16x1024xf32, #tpu.memory_space<vmem>>, vector<1x16xf32>,
      %parallel_loop3A_598 = vector.shape_cast %parallel_loop3A_597 : vector<1x16xf32> to vector<16xf32>
      %parallel_loop3A_599 = arith.index_cast %parallel_loop3A_561 : i32 to index
      %parallel_loop3A_600 = arith.index_cast %parallel_loop3A_594 : i32 to index
      %parallel_loop3A_601 = tpu.vector_load %arg11[%parallel_loop3A_599, %parallel_loop3A_600] {strides = array<i32>} : memref<16x1024xf32, #tpu.memory_space<vmem>>, vector<1x16xf32>,
      %parallel_loop3A_602 = vector.shape_cast %parallel_loop3A_601 : vector<1x16xf32> to vector<16xf32>
      %parallel_loop3A_603 = arith.addf %parallel_loop3A_598, %parallel_loop3A_602 : vector<16xf32>
      %parallel_loop3A_604 = arith.index_cast %parallel_loop3A_561 : i32 to index
      %parallel_loop3A_605 = arith.index_cast %parallel_loop3A_594 : i32 to index
      %parallel_loop3A_606 = tpu.vector_load %arg8[%parallel_loop3A_604, %parallel_loop3A_605] {strides = array<i32>} : memref<16x1024xf32, #tpu.memory_space<vmem>>, vector<1x16xf32>,
      %parallel_loop3A_607 = vector.shape_cast %parallel_loop3A_606 : vector<1x16xf32> to vector<16xf32>
      %parallel_loop3A_608 = vector.shape_cast %parallel_loop3A_603 : vector<16xf32> to vector<1x16xf32>
      tpu.vector_store %arg8[%parallel_loop3A_604, %parallel_loop3A_605], %parallel_loop3A_608 {strides = array<i32>} : memref<16x1024xf32, #tpu.memory_space<vmem>>, vector<1x16xf32>,
    } {sc.loop_unroll_factor = 2 : i64, sc.parallel_access}
    %add3A_72 = arith.constant 16 : i32
    %add3A_73 = arith.addi %mul3A_2, %add3A_72 : i32
    %dma_start3A_74 = arith.constant 0 : i32
    %dma_start3A_75 = tpu.memref_slice %arg5[%add3A_73, %dma_start3A_74] : memref<8192x1024xf32, #tpu.memory_space<hbm>> -> memref<16x1024xf32, #tpu.memory_space<hbm>>
    %dma_start3A_76 = arith.constant 0 : i32
    %dma_start3A_77 = tpu.memref_slice %arg5[%add3A_73, %dma_start3A_76] : memref<8192x1024xf32, #tpu.memory_space<hbm>> -> memref<16x1024xf32, #tpu.memory_space<hbm>>
    tpu.enqueue_dma source(%arg8 : memref<16x1024xf32, #tpu.memory_space<vmem>>) target(%dma_start3A_77 : memref<16x1024xf32, #tpu.memory_space<hbm>>) target_semaphore(%arg20 : memref<!tpu.dma_semaphore, #tpu.memory_space<semaphore_mem>>)
    %dma_wait3A_78 = arith.constant 0 : i32
    %dma_wait3A_79 = tpu.memref_slice %arg5[%add3A_44, %dma_wait3A_78] : memref<8192x1024xf32, #tpu.memory_space<hbm>> -> memref<16x1024xf32, #tpu.memory_space<hbm>>
    %dma_wait3A_80 = arith.constant 0 : i32
    %dma_wait3A_81 = tpu.memref_slice %arg5[%add3A_44, %dma_wait3A_80] : memref<8192x1024xf32, #tpu.memory_space<hbm>> -> memref<16x1024xf32, #tpu.memory_space<hbm>>
    tpu.wait_dma2 semaphore(%arg19 : memref<!tpu.dma_semaphore, #tpu.memory_space<semaphore_mem>>) src(%arg7 : memref<16x1024xf32, #tpu.memory_space<vmem>>) dst(%dma_wait3A_81 : memref<16x1024xf32, #tpu.memory_space<hbm>>)
    %dma_start3A_82 = arith.constant 48 : i32
    %dma_start3A_83 = tpu.memref_slice %arg6[%dma_start3A_82] : memref<256xi32, #tpu.memory_space<vmem>> -> memref<16xi32, #tpu.memory_space<vmem>>
    %dma_start3A_84 = arith.constant 0 : i32
    %dma_start3A_85 = arith.constant 0 : i32
    %dma_start3A_86 = tpu.memref_slice %arg3[%dma_start3A_84, %dma_start3A_85] : memref<100000x1024xf32, #tpu.memory_space<hbm>> -> memref<100000x1024xf32, #tpu.memory_space<hbm>>
    tpu.enqueue_indirect_dma source(%dma_start3A_86 : memref<100000x1024xf32, #tpu.memory_space<hbm>>) target(%arg7 : memref<16x1024xf32, #tpu.memory_space<vmem>>) offsets(%dma_start3A_83 : memref<16xi32, #tpu.memory_space<vmem>>) semaphore(%arg13 : memref<!tpu.dma_semaphore, #tpu.memory_space<semaphore_mem>>)
    %add3A_87 = arith.constant 48 : i32
    %add3A_88 = arith.addi %select_n3A_11, %add3A_87 : i32
    %dma_start3A_89 = arith.constant 0 : i32
    %dma_start3A_90 = tpu.memref_slice %arg4[%add3A_88, %dma_start3A_89] : memref<8192x1024xf32, #tpu.memory_space<hbm>> -> memref<16x1024xf32, #tpu.memory_space<hbm>>
    %dma_start3A_91 = arith.constant 0 : i32
    %dma_start3A_92 = tpu.memref_slice %arg4[%add3A_88, %dma_start3A_91] : memref<8192x1024xf32, #tpu.memory_space<hbm>> -> memref<16x1024xf32, #tpu.memory_space<hbm>>
    tpu.enqueue_dma source(%dma_start3A_92 : memref<16x1024xf32, #tpu.memory_space<hbm>>) target(%arg10 : memref<16x1024xf32, #tpu.memory_space<vmem>>) target_semaphore(%arg16 : memref<!tpu.dma_semaphore, #tpu.memory_space<semaphore_mem>>)
    %dma_wait3A_93 = arith.constant 32 : i32
    %dma_wait3A_94 = tpu.memref_slice %arg6[%dma_wait3A_93] : memref<256xi32, #tpu.memory_space<vmem>> -> memref<16xi32, #tpu.memory_space<vmem>>
    %dma_wait3A_95 = arith.constant 0 : i32
    %dma_wait3A_96 = arith.constant 0 : i32
    %dma_wait3A_97 = tpu.memref_slice %arg3[%dma_wait3A_95, %dma_wait3A_96] : memref<100000x1024xf32, #tpu.memory_space<hbm>> -> memref<100000x1024xf32, #tpu.memory_space<hbm>>
    tpu.wait_indirect_dma semaphore(%arg15 : memref<!tpu.dma_semaphore, #tpu.memory_space<semaphore_mem>>) src(%dma_wait3A_97 : memref<100000x1024xf32, #tpu.memory_space<hbm>>) dst(%arg9 : memref<16x1024xf32, #tpu.memory_space<vmem>>)
    %dma_wait3A_98 = arith.constant 0 : i32
    %dma_wait3A_99 = tpu.memref_slice %arg4[%add3A_55, %dma_wait3A_98] : memref<8192x1024xf32, #tpu.memory_space<hbm>> -> memref<16x1024xf32, #tpu.memory_space<hbm>>
    %dma_wait3A_100 = arith.constant 0 : i32
    %dma_wait3A_101 = tpu.memref_slice %arg4[%add3A_55, %dma_wait3A_100] : memref<8192x1024xf32, #tpu.memory_space<hbm>> -> memref<16x1024xf32, #tpu.memory_space<hbm>>
    tpu.wait_dma2 semaphore(%arg18 : memref<!tpu.dma_semaphore, #tpu.memory_space<semaphore_mem>>) src(%dma_wait3A_101 : memref<16x1024xf32, #tpu.memory_space<hbm>>) dst(%arg12 : memref<16x1024xf32, #tpu.memory_space<vmem>>)
    %parallel_loop3A_102 = arith.constant 0 : i32
    %parallel_loop3A_103 = arith.constant 16384 : i32
    %parallel_loop3A_104 = arith.constant 32 : i32
    scf.for %parallel_loop3A_537 = %parallel_loop3A_102 to %parallel_loop3A_103 step %parallel_loop3A_104  : i32 {
      %parallel_loop3A_538 = arith.constant 1024 : i32
      %parallel_loop3A_539 = arith.divsi %parallel_loop3A_537, %parallel_loop3A_538 : i32
      %parallel_loop3A_540 = arith.constant 0 : i32
      %parallel_loop3A_541 = arith.cmpi sgt, %parallel_loop3A_537, %parallel_loop3A_540 : i32
      %parallel_loop3A_542 = arith.extui %parallel_loop3A_541 : i1 to i32
      %parallel_loop3A_543 = arith.constant 0 : i32
      %parallel_loop3A_544 = arith.cmpi slt, %parallel_loop3A_537, %parallel_loop3A_543 : i32
      %parallel_loop3A_545 = arith.extui %parallel_loop3A_544 : i1 to i32
      %parallel_loop3A_546 = arith.subi %parallel_loop3A_542, %parallel_loop3A_545 : i32
      %parallel_loop3A_547 = arith.constant 0 : i32
      %parallel_loop3A_548 = arith.cmpi sgt, %parallel_loop3A_538, %parallel_loop3A_547 : i32
      %parallel_loop3A_549 = arith.extui %parallel_loop3A_548 : i1 to i32
      %parallel_loop3A_550 = arith.constant 0 : i32
      %parallel_loop3A_551 = arith.cmpi slt, %parallel_loop3A_538, %parallel_loop3A_550 : i32
      %parallel_loop3A_552 = arith.extui %parallel_loop3A_551 : i1 to i32
      %parallel_loop3A_553 = arith.subi %parallel_loop3A_549, %parallel_loop3A_552 : i32
      %parallel_loop3A_554 = arith.cmpi ne, %parallel_loop3A_546, %parallel_loop3A_553 : i32
      %parallel_loop3A_555 = arith.remsi %parallel_loop3A_537, %parallel_loop3A_538 : i32
      %parallel_loop3A_556 = arith.constant 0 : i32
      %parallel_loop3A_557 = arith.cmpi ne, %parallel_loop3A_555, %parallel_loop3A_556 : i32
      %parallel_loop3A_558 = arith.andi %parallel_loop3A_554, %parallel_loop3A_557 : i1
      %parallel_loop3A_559 = arith.constant 1 : i32
      %parallel_loop3A_560 = arith.subi %parallel_loop3A_539, %parallel_loop3A_559 : i32
      %parallel_loop3A_561 = arith.select %parallel_loop3A_558, %parallel_loop3A_560, %parallel_loop3A_539 : i32
      %parallel_loop3A_562 = arith.constant 0 : i32
      %parallel_loop3A_563 = arith.cmpi eq, %parallel_loop3A_538, %parallel_loop3A_562 : i32
      %parallel_loop3A_564 = arith.constant 1 : i32
      %parallel_loop3A_565 = arith.select %parallel_loop3A_563, %parallel_loop3A_564, %parallel_loop3A_538 : i32
      %parallel_loop3A_566 = arith.remsi %parallel_loop3A_537, %parallel_loop3A_565 : i32
      %parallel_loop3A_567 = arith.constant 0 : i32
      %parallel_loop3A_568 = arith.cmpi ne, %parallel_loop3A_566, %parallel_loop3A_567 : i32
      %parallel_loop3A_569 = arith.constant 0 : i32
      %parallel_loop3A_570 = arith.cmpi slt, %parallel_loop3A_566, %parallel_loop3A_569 : i32
      %parallel_loop3A_571 = arith.constant 0 : i32
      %parallel_loop3A_572 = arith.cmpi slt, %parallel_loop3A_565, %parallel_loop3A_571 : i32
      %parallel_loop3A_573 = arith.xori %parallel_loop3A_570, %parallel_loop3A_572 : i1
      %parallel_loop3A_574 = arith.andi %parallel_loop3A_573, %parallel_loop3A_568 : i1
      %parallel_loop3A_575 = arith.addi %parallel_loop3A_566, %parallel_loop3A_565 : i32
      %parallel_loop3A_576 = arith.select %parallel_loop3A_574, %parallel_loop3A_575, %parallel_loop3A_566 : i32
      %parallel_loop3A_577 = arith.constant 0 : i32
      %parallel_loop3A_578 = arith.addi %parallel_loop3A_576, %parallel_loop3A_577 : i32
      %parallel_loop3A_579 = arith.index_cast %parallel_loop3A_561 : i32 to index
      %parallel_loop3A_580 = arith.index_cast %parallel_loop3A_578 : i32 to index
      %parallel_loop3A_581 = tpu.vector_load %arg9[%parallel_loop3A_579, %parallel_loop3A_580] {strides = array<i32>} : memref<16x1024xf32, #tpu.memory_space<vmem>>, vector<1x16xf32>,
      %parallel_loop3A_582 = vector.shape_cast %parallel_loop3A_581 : vector<1x16xf32> to vector<16xf32>
      %parallel_loop3A_583 = arith.index_cast %parallel_loop3A_561 : i32 to index
      %parallel_loop3A_584 = arith.index_cast %parallel_loop3A_578 : i32 to index
      %parallel_loop3A_585 = tpu.vector_load %arg12[%parallel_loop3A_583, %parallel_loop3A_584] {strides = array<i32>} : memref<16x1024xf32, #tpu.memory_space<vmem>>, vector<1x16xf32>,
      %parallel_loop3A_586 = vector.shape_cast %parallel_loop3A_585 : vector<1x16xf32> to vector<16xf32>
      %parallel_loop3A_587 = arith.addf %parallel_loop3A_582, %parallel_loop3A_586 : vector<16xf32>
      %parallel_loop3A_588 = arith.index_cast %parallel_loop3A_561 : i32 to index
      %parallel_loop3A_589 = arith.index_cast %parallel_loop3A_578 : i32 to index
      %parallel_loop3A_590 = tpu.vector_load %arg9[%parallel_loop3A_588, %parallel_loop3A_589] {strides = array<i32>} : memref<16x1024xf32, #tpu.memory_space<vmem>>, vector<1x16xf32>,
      %parallel_loop3A_591 = vector.shape_cast %parallel_loop3A_590 : vector<1x16xf32> to vector<16xf32>
      %parallel_loop3A_592 = vector.shape_cast %parallel_loop3A_587 : vector<16xf32> to vector<1x16xf32>
      tpu.vector_store %arg9[%parallel_loop3A_588, %parallel_loop3A_589], %parallel_loop3A_592 {strides = array<i32>} : memref<16x1024xf32, #tpu.memory_space<vmem>>, vector<1x16xf32>,
      %parallel_loop3A_593 = arith.constant 16 : i32
      %parallel_loop3A_594 = arith.addi %parallel_loop3A_576, %parallel_loop3A_593 : i32
      %parallel_loop3A_595 = arith.index_cast %parallel_loop3A_561 : i32 to index
      %parallel_loop3A_596 = arith.index_cast %parallel_loop3A_594 : i32 to index
      %parallel_loop3A_597 = tpu.vector_load %arg9[%parallel_loop3A_595, %parallel_loop3A_596] {strides = array<i32>} : memref<16x1024xf32, #tpu.memory_space<vmem>>, vector<1x16xf32>,
      %parallel_loop3A_598 = vector.shape_cast %parallel_loop3A_597 : vector<1x16xf32> to vector<16xf32>
      %parallel_loop3A_599 = arith.index_cast %parallel_loop3A_561 : i32 to index
      %parallel_loop3A_600 = arith.index_cast %parallel_loop3A_594 : i32 to index
      %parallel_loop3A_601 = tpu.vector_load %arg12[%parallel_loop3A_599, %parallel_loop3A_600] {strides = array<i32>} : memref<16x1024xf32, #tpu.memory_space<vmem>>, vector<1x16xf32>,
      %parallel_loop3A_602 = vector.shape_cast %parallel_loop3A_601 : vector<1x16xf32> to vector<16xf32>
      %parallel_loop3A_603 = arith.addf %parallel_loop3A_598, %parallel_loop3A_602 : vector<16xf32>
      %parallel_loop3A_604 = arith.index_cast %parallel_loop3A_561 : i32 to index
      %parallel_loop3A_605 = arith.index_cast %parallel_loop3A_594 : i32 to index
      %parallel_loop3A_606 = tpu.vector_load %arg9[%parallel_loop3A_604, %parallel_loop3A_605] {strides = array<i32>} : memref<16x1024xf32, #tpu.memory_space<vmem>>, vector<1x16xf32>,
      %parallel_loop3A_607 = vector.shape_cast %parallel_loop3A_606 : vector<1x16xf32> to vector<16xf32>
      %parallel_loop3A_608 = vector.shape_cast %parallel_loop3A_603 : vector<16xf32> to vector<1x16xf32>
      tpu.vector_store %arg9[%parallel_loop3A_604, %parallel_loop3A_605], %parallel_loop3A_608 {strides = array<i32>} : memref<16x1024xf32, #tpu.memory_space<vmem>>, vector<1x16xf32>,
    } {sc.loop_unroll_factor = 2 : i64, sc.parallel_access}
    %add3A_105 = arith.constant 32 : i32
    %add3A_106 = arith.addi %mul3A_2, %add3A_105 : i32
    %dma_start3A_107 = arith.constant 0 : i32
    %dma_start3A_108 = tpu.memref_slice %arg5[%add3A_106, %dma_start3A_107] : memref<8192x1024xf32, #tpu.memory_space<hbm>> -> memref<16x1024xf32, #tpu.memory_space<hbm>>
    %dma_start3A_109 = arith.constant 0 : i32
    %dma_start3A_110 = tpu.memref_slice %arg5[%add3A_106, %dma_start3A_109] : memref<8192x1024xf32, #tpu.memory_space<hbm>> -> memref<16x1024xf32, #tpu.memory_space<hbm>>
    tpu.enqueue_dma source(%arg9 : memref<16x1024xf32, #tpu.memory_space<vmem>>) target(%dma_start3A_110 : memref<16x1024xf32, #tpu.memory_space<hbm>>) target_semaphore(%arg21 : memref<!tpu.dma_semaphore, #tpu.memory_space<semaphore_mem>>)
    %dma_wait3A_111 = arith.constant 0 : i32
    %dma_wait3A_112 = tpu.memref_slice %arg5[%add3A_73, %dma_wait3A_111] : memref<8192x1024xf32, #tpu.memory_space<hbm>> -> memref<16x1024xf32, #tpu.memory_space<hbm>>
    %dma_wait3A_113 = arith.constant 0 : i32
    %dma_wait3A_114 = tpu.memref_slice %arg5[%add3A_73, %dma_wait3A_113] : memref<8192x1024xf32, #tpu.memory_space<hbm>> -> memref<16x1024xf32, #tpu.memory_space<hbm>>
    tpu.wait_dma2 semaphore(%arg20 : memref<!tpu.dma_semaphore, #tpu.memory_space<semaphore_mem>>) src(%arg8 : memref<16x1024xf32, #tpu.memory_space<vmem>>) dst(%dma_wait3A_114 : memref<16x1024xf32, #tpu.memory_space<hbm>>)
    %dma_start3A_115 = arith.constant 64 : i32
    %dma_start3A_116 = tpu.memref_slice %arg6[%dma_start3A_115] : memref<256xi32, #tpu.memory_space<vmem>> -> memref<16xi32, #tpu.memory_space<vmem>>
    %dma_start3A_117 = arith.constant 0 : i32
    %dma_start3A_118 = arith.constant 0 : i32
    %dma_start3A_119 = tpu.memref_slice %arg3[%dma_start3A_117, %dma_start3A_118] : memref<100000x1024xf32, #tpu.memory_space<hbm>> -> memref<100000x1024xf32, #tpu.memory_space<hbm>>
    tpu.enqueue_indirect_dma source(%dma_start3A_119 : memref<100000x1024xf32, #tpu.memory_space<hbm>>) target(%arg8 : memref<16x1024xf32, #tpu.memory_space<vmem>>) offsets(%dma_start3A_116 : memref<16xi32, #tpu.memory_space<vmem>>) semaphore(%arg14 : memref<!tpu.dma_semaphore, #tpu.memory_space<semaphore_mem>>)
    %add3A_120 = arith.constant 64 : i32
    %add3A_121 = arith.addi %select_n3A_11, %add3A_120 : i32
    %dma_start3A_122 = arith.constant 0 : i32
    %dma_start3A_123 = tpu.memref_slice %arg4[%add3A_121, %dma_start3A_122] : memref<8192x1024xf32, #tpu.memory_space<hbm>> -> memref<16x1024xf32, #tpu.memory_space<hbm>>
    %dma_start3A_124 = arith.constant 0 : i32
    %dma_start3A_125 = tpu.memref_slice %arg4[%add3A_121, %dma_start3A_124] : memref<8192x1024xf32, #tpu.memory_space<hbm>> -> memref<16x1024xf32, #tpu.memory_space<hbm>>
    tpu.enqueue_dma source(%dma_start3A_125 : memref<16x1024xf32, #tpu.memory_space<hbm>>) target(%arg11 : memref<16x1024xf32, #tpu.memory_space<vmem>>) target_semaphore(%arg17 : memref<!tpu.dma_semaphore, #tpu.memory_space<semaphore_mem>>)
    %dma_wait3A_126 = arith.constant 48 : i32
    %dma_wait3A_127 = tpu.memref_slice %arg6[%dma_wait3A_126] : memref<256xi32, #tpu.memory_space<vmem>> -> memref<16xi32, #tpu.memory_space<vmem>>
    %dma_wait3A_128 = arith.constant 0 : i32
    %dma_wait3A_129 = arith.constant 0 : i32
    %dma_wait3A_130 = tpu.memref_slice %arg3[%dma_wait3A_128, %dma_wait3A_129] : memref<100000x1024xf32, #tpu.memory_space<hbm>> -> memref<100000x1024xf32, #tpu.memory_space<hbm>>
    tpu.wait_indirect_dma semaphore(%arg13 : memref<!tpu.dma_semaphore, #tpu.memory_space<semaphore_mem>>) src(%dma_wait3A_130 : memref<100000x1024xf32, #tpu.memory_space<hbm>>) dst(%arg7 : memref<16x1024xf32, #tpu.memory_space<vmem>>)
    %dma_wait3A_131 = arith.constant 0 : i32
    %dma_wait3A_132 = tpu.memref_slice %arg4[%add3A_88, %dma_wait3A_131] : memref<8192x1024xf32, #tpu.memory_space<hbm>> -> memref<16x1024xf32, #tpu.memory_space<hbm>>
    %dma_wait3A_133 = arith.constant 0 : i32
    %dma_wait3A_134 = tpu.memref_slice %arg4[%add3A_88, %dma_wait3A_133] : memref<8192x1024xf32, #tpu.memory_space<hbm>> -> memref<16x1024xf32, #tpu.memory_space<hbm>>
    tpu.wait_dma2 semaphore(%arg16 : memref<!tpu.dma_semaphore, #tpu.memory_space<semaphore_mem>>) src(%dma_wait3A_134 : memref<16x1024xf32, #tpu.memory_space<hbm>>) dst(%arg10 : memref<16x1024xf32, #tpu.memory_space<vmem>>)
    %parallel_loop3A_135 = arith.constant 0 : i32
    %parallel_loop3A_136 = arith.constant 16384 : i32
    %parallel_loop3A_137 = arith.constant 32 : i32
    scf.for %parallel_loop3A_537 = %parallel_loop3A_135 to %parallel_loop3A_136 step %parallel_loop3A_137  : i32 {
      %parallel_loop3A_538 = arith.constant 1024 : i32
      %parallel_loop3A_539 = arith.divsi %parallel_loop3A_537, %parallel_loop3A_538 : i32
      %parallel_loop3A_540 = arith.constant 0 : i32
      %parallel_loop3A_541 = arith.cmpi sgt, %parallel_loop3A_537, %parallel_loop3A_540 : i32
      %parallel_loop3A_542 = arith.extui %parallel_loop3A_541 : i1 to i32
      %parallel_loop3A_543 = arith.constant 0 : i32
      %parallel_loop3A_544 = arith.cmpi slt, %parallel_loop3A_537, %parallel_loop3A_543 : i32
      %parallel_loop3A_545 = arith.extui %parallel_loop3A_544 : i1 to i32
      %parallel_loop3A_546 = arith.subi %parallel_loop3A_542, %parallel_loop3A_545 : i32
      %parallel_loop3A_547 = arith.constant 0 : i32
      %parallel_loop3A_548 = arith.cmpi sgt, %parallel_loop3A_538, %parallel_loop3A_547 : i32
      %parallel_loop3A_549 = arith.extui %parallel_loop3A_548 : i1 to i32
      %parallel_loop3A_550 = arith.constant 0 : i32
      %parallel_loop3A_551 = arith.cmpi slt, %parallel_loop3A_538, %parallel_loop3A_550 : i32
      %parallel_loop3A_552 = arith.extui %parallel_loop3A_551 : i1 to i32
      %parallel_loop3A_553 = arith.subi %parallel_loop3A_549, %parallel_loop3A_552 : i32
      %parallel_loop3A_554 = arith.cmpi ne, %parallel_loop3A_546, %parallel_loop3A_553 : i32
      %parallel_loop3A_555 = arith.remsi %parallel_loop3A_537, %parallel_loop3A_538 : i32
      %parallel_loop3A_556 = arith.constant 0 : i32
      %parallel_loop3A_557 = arith.cmpi ne, %parallel_loop3A_555, %parallel_loop3A_556 : i32
      %parallel_loop3A_558 = arith.andi %parallel_loop3A_554, %parallel_loop3A_557 : i1
      %parallel_loop3A_559 = arith.constant 1 : i32
      %parallel_loop3A_560 = arith.subi %parallel_loop3A_539, %parallel_loop3A_559 : i32
      %parallel_loop3A_561 = arith.select %parallel_loop3A_558, %parallel_loop3A_560, %parallel_loop3A_539 : i32
      %parallel_loop3A_562 = arith.constant 0 : i32
      %parallel_loop3A_563 = arith.cmpi eq, %parallel_loop3A_538, %parallel_loop3A_562 : i32
      %parallel_loop3A_564 = arith.constant 1 : i32
      %parallel_loop3A_565 = arith.select %parallel_loop3A_563, %parallel_loop3A_564, %parallel_loop3A_538 : i32
      %parallel_loop3A_566 = arith.remsi %parallel_loop3A_537, %parallel_loop3A_565 : i32
      %parallel_loop3A_567 = arith.constant 0 : i32
      %parallel_loop3A_568 = arith.cmpi ne, %parallel_loop3A_566, %parallel_loop3A_567 : i32
      %parallel_loop3A_569 = arith.constant 0 : i32
      %parallel_loop3A_570 = arith.cmpi slt, %parallel_loop3A_566, %parallel_loop3A_569 : i32
      %parallel_loop3A_571 = arith.constant 0 : i32
      %parallel_loop3A_572 = arith.cmpi slt, %parallel_loop3A_565, %parallel_loop3A_571 : i32
      %parallel_loop3A_573 = arith.xori %parallel_loop3A_570, %parallel_loop3A_572 : i1
      %parallel_loop3A_574 = arith.andi %parallel_loop3A_573, %parallel_loop3A_568 : i1
      %parallel_loop3A_575 = arith.addi %parallel_loop3A_566, %parallel_loop3A_565 : i32
      %parallel_loop3A_576 = arith.select %parallel_loop3A_574, %parallel_loop3A_575, %parallel_loop3A_566 : i32
      %parallel_loop3A_577 = arith.constant 0 : i32
      %parallel_loop3A_578 = arith.addi %parallel_loop3A_576, %parallel_loop3A_577 : i32
      %parallel_loop3A_579 = arith.index_cast %parallel_loop3A_561 : i32 to index
      %parallel_loop3A_580 = arith.index_cast %parallel_loop3A_578 : i32 to index
      %parallel_loop3A_581 = tpu.vector_load %arg7[%parallel_loop3A_579, %parallel_loop3A_580] {strides = array<i32>} : memref<16x1024xf32, #tpu.memory_space<vmem>>, vector<1x16xf32>,
      %parallel_loop3A_582 = vector.shape_cast %parallel_loop3A_581 : vector<1x16xf32> to vector<16xf32>
      %parallel_loop3A_583 = arith.index_cast %parallel_loop3A_561 : i32 to index
      %parallel_loop3A_584 = arith.index_cast %parallel_loop3A_578 : i32 to index
      %parallel_loop3A_585 = tpu.vector_load %arg10[%parallel_loop3A_583, %parallel_loop3A_584] {strides = array<i32>} : memref<16x1024xf32, #tpu.memory_space<vmem>>, vector<1x16xf32>,
      %parallel_loop3A_586 = vector.shape_cast %parallel_loop3A_585 : vector<1x16xf32> to vector<16xf32>
      %parallel_loop3A_587 = arith.addf %parallel_loop3A_582, %parallel_loop3A_586 : vector<16xf32>
      %parallel_loop3A_588 = arith.index_cast %parallel_loop3A_561 : i32 to index
      %parallel_loop3A_589 = arith.index_cast %parallel_loop3A_578 : i32 to index
      %parallel_loop3A_590 = tpu.vector_load %arg7[%parallel_loop3A_588, %parallel_loop3A_589] {strides = array<i32>} : memref<16x1024xf32, #tpu.memory_space<vmem>>, vector<1x16xf32>,
      %parallel_loop3A_591 = vector.shape_cast %parallel_loop3A_590 : vector<1x16xf32> to vector<16xf32>
      %parallel_loop3A_592 = vector.shape_cast %parallel_loop3A_587 : vector<16xf32> to vector<1x16xf32>
      tpu.vector_store %arg7[%parallel_loop3A_588, %parallel_loop3A_589], %parallel_loop3A_592 {strides = array<i32>} : memref<16x1024xf32, #tpu.memory_space<vmem>>, vector<1x16xf32>,
      %parallel_loop3A_593 = arith.constant 16 : i32
      %parallel_loop3A_594 = arith.addi %parallel_loop3A_576, %parallel_loop3A_593 : i32
      %parallel_loop3A_595 = arith.index_cast %parallel_loop3A_561 : i32 to index
      %parallel_loop3A_596 = arith.index_cast %parallel_loop3A_594 : i32 to index
      %parallel_loop3A_597 = tpu.vector_load %arg7[%parallel_loop3A_595, %parallel_loop3A_596] {strides = array<i32>} : memref<16x1024xf32, #tpu.memory_space<vmem>>, vector<1x16xf32>,
      %parallel_loop3A_598 = vector.shape_cast %parallel_loop3A_597 : vector<1x16xf32> to vector<16xf32>
      %parallel_loop3A_599 = arith.index_cast %parallel_loop3A_561 : i32 to index
      %parallel_loop3A_600 = arith.index_cast %parallel_loop3A_594 : i32 to index
      %parallel_loop3A_601 = tpu.vector_load %arg10[%parallel_loop3A_599, %parallel_loop3A_600] {strides = array<i32>} : memref<16x1024xf32, #tpu.memory_space<vmem>>, vector<1x16xf32>,
      %parallel_loop3A_602 = vector.shape_cast %parallel_loop3A_601 : vector<1x16xf32> to vector<16xf32>
      %parallel_loop3A_603 = arith.addf %parallel_loop3A_598, %parallel_loop3A_602 : vector<16xf32>
      %parallel_loop3A_604 = arith.index_cast %parallel_loop3A_561 : i32 to index
      %parallel_loop3A_605 = arith.index_cast %parallel_loop3A_594 : i32 to index
      %parallel_loop3A_606 = tpu.vector_load %arg7[%parallel_loop3A_604, %parallel_loop3A_605] {strides = array<i32>} : memref<16x1024xf32, #tpu.memory_space<vmem>>, vector<1x16xf32>,
      %parallel_loop3A_607 = vector.shape_cast %parallel_loop3A_606 : vector<1x16xf32> to vector<16xf32>
      %parallel_loop3A_608 = vector.shape_cast %parallel_loop3A_603 : vector<16xf32> to vector<1x16xf32>
      tpu.vector_store %arg7[%parallel_loop3A_604, %parallel_loop3A_605], %parallel_loop3A_608 {strides = array<i32>} : memref<16x1024xf32, #tpu.memory_space<vmem>>, vector<1x16xf32>,
    } {sc.loop_unroll_factor = 2 : i64, sc.parallel_access}
    %add3A_138 = arith.constant 48 : i32
    %add3A_139 = arith.addi %mul3A_2, %add3A_138 : i32
    %dma_start3A_140 = arith.constant 0 : i32
    %dma_start3A_141 = tpu.memref_slice %arg5[%add3A_139, %dma_start3A_140] : memref<8192x1024xf32, #tpu.memory_space<hbm>> -> memref<16x1024xf32, #tpu.memory_space<hbm>>
    %dma_start3A_142 = arith.constant 0 : i32
    %dma_start3A_143 = tpu.memref_slice %arg5[%add3A_139, %dma_start3A_142] : memref<8192x1024xf32, #tpu.memory_space<hbm>> -> memref<16x1024xf32, #tpu.memory_space<hbm>>
    tpu.enqueue_dma source(%arg7 : memref<16x1024xf32, #tpu.memory_space<vmem>>) target(%dma_start3A_143 : memref<16x1024xf32, #tpu.memory_space<hbm>>) target_semaphore(%arg19 : memref<!tpu.dma_semaphore, #tpu.memory_space<semaphore_mem>>)
    %dma_wait3A_144 = arith.constant 0 : i32
    %dma_wait3A_145 = tpu.memref_slice %arg5[%add3A_106, %dma_wait3A_144] : memref<8192x1024xf32, #tpu.memory_space<hbm>> -> memref<16x1024xf32, #tpu.memory_space<hbm>>
    %dma_wait3A_146 = arith.constant 0 : i32
    %dma_wait3A_147 = tpu.memref_slice %arg5[%add3A_106, %dma_wait3A_146] : memref<8192x1024xf32, #tpu.memory_space<hbm>> -> memref<16x1024xf32, #tpu.memory_space<hbm>>
    tpu.wait_dma2 semaphore(%arg21 : memref<!tpu.dma_semaphore, #tpu.memory_space<semaphore_mem>>) src(%arg9 : memref<16x1024xf32, #tpu.memory_space<vmem>>) dst(%dma_wait3A_147 : memref<16x1024xf32, #tpu.memory_space<hbm>>)
    %dma_start3A_148 = arith.constant 80 : i32
    %dma_start3A_149 = tpu.memref_slice %arg6[%dma_start3A_148] : memref<256xi32, #tpu.memory_space<vmem>> -> memref<16xi32, #tpu.memory_space<vmem>>
    %dma_start3A_150 = arith.constant 0 : i32
    %dma_start3A_151 = arith.constant 0 : i32
    %dma_start3A_152 = tpu.memref_slice %arg3[%dma_start3A_150, %dma_start3A_151] : memref<100000x1024xf32, #tpu.memory_space<hbm>> -> memref<100000x1024xf32, #tpu.memory_space<hbm>>
    tpu.enqueue_indirect_dma source(%dma_start3A_152 : memref<100000x1024xf32, #tpu.memory_space<hbm>>) target(%arg9 : memref<16x1024xf32, #tpu.memory_space<vmem>>) offsets(%dma_start3A_149 : memref<16xi32, #tpu.memory_space<vmem>>) semaphore(%arg15 : memref<!tpu.dma_semaphore, #tpu.memory_space<semaphore_mem>>)
    %add3A_153 = arith.constant 80 : i32
    %add3A_154 = arith.addi %select_n3A_11, %add3A_153 : i32
    %dma_start3A_155 = arith.constant 0 : i32
    %dma_start3A_156 = tpu.memref_slice %arg4[%add3A_154, %dma_start3A_155] : memref<8192x1024xf32, #tpu.memory_space<hbm>> -> memref<16x1024xf32, #tpu.memory_space<hbm>>
    %dma_start3A_157 = arith.constant 0 : i32
    %dma_start3A_158 = tpu.memref_slice %arg4[%add3A_154, %dma_start3A_157] : memref<8192x1024xf32, #tpu.memory_space<hbm>> -> memref<16x1024xf32, #tpu.memory_space<hbm>>
    tpu.enqueue_dma source(%dma_start3A_158 : memref<16x1024xf32, #tpu.memory_space<hbm>>) target(%arg12 : memref<16x1024xf32, #tpu.memory_space<vmem>>) target_semaphore(%arg18 : memref<!tpu.dma_semaphore, #tpu.memory_space<semaphore_mem>>)
    %dma_wait3A_159 = arith.constant 64 : i32
    %dma_wait3A_160 = tpu.memref_slice %arg6[%dma_wait3A_159] : memref<256xi32, #tpu.memory_space<vmem>> -> memref<16xi32, #tpu.memory_space<vmem>>
    %dma_wait3A_161 = arith.constant 0 : i32
    %dma_wait3A_162 = arith.constant 0 : i32
    %dma_wait3A_163 = tpu.memref_slice %arg3[%dma_wait3A_161, %dma_wait3A_162] : memref<100000x1024xf32, #tpu.memory_space<hbm>> -> memref<100000x1024xf32, #tpu.memory_space<hbm>>
    tpu.wait_indirect_dma semaphore(%arg14 : memref<!tpu.dma_semaphore, #tpu.memory_space<semaphore_mem>>) src(%dma_wait3A_163 : memref<100000x1024xf32, #tpu.memory_space<hbm>>) dst(%arg8 : memref<16x1024xf32, #tpu.memory_space<vmem>>)
    %dma_wait3A_164 = arith.constant 0 : i32
    %dma_wait3A_165 = tpu.memref_slice %arg4[%add3A_121, %dma_wait3A_164] : memref<8192x1024xf32, #tpu.memory_space<hbm>> -> memref<16x1024xf32, #tpu.memory_space<hbm>>
    %dma_wait3A_166 = arith.constant 0 : i32
    %dma_wait3A_167 = tpu.memref_slice %arg4[%add3A_121, %dma_wait3A_166] : memref<8192x1024xf32, #tpu.memory_space<hbm>> -> memref<16x1024xf32, #tpu.memory_space<hbm>>
    tpu.wait_dma2 semaphore(%arg17 : memref<!tpu.dma_semaphore, #tpu.memory_space<semaphore_mem>>) src(%dma_wait3A_167 : memref<16x1024xf32, #tpu.memory_space<hbm>>) dst(%arg11 : memref<16x1024xf32, #tpu.memory_space<vmem>>)
    %parallel_loop3A_168 = arith.constant 0 : i32
    %parallel_loop3A_169 = arith.constant 16384 : i32
    %parallel_loop3A_170 = arith.constant 32 : i32
    scf.for %parallel_loop3A_537 = %parallel_loop3A_168 to %parallel_loop3A_169 step %parallel_loop3A_170  : i32 {
      %parallel_loop3A_538 = arith.constant 1024 : i32
      %parallel_loop3A_539 = arith.divsi %parallel_loop3A_537, %parallel_loop3A_538 : i32
      %parallel_loop3A_540 = arith.constant 0 : i32
      %parallel_loop3A_541 = arith.cmpi sgt, %parallel_loop3A_537, %parallel_loop3A_540 : i32
      %parallel_loop3A_542 = arith.extui %parallel_loop3A_541 : i1 to i32
      %parallel_loop3A_543 = arith.constant 0 : i32
      %parallel_loop3A_544 = arith.cmpi slt, %parallel_loop3A_537, %parallel_loop3A_543 : i32
      %parallel_loop3A_545 = arith.extui %parallel_loop3A_544 : i1 to i32
      %parallel_loop3A_546 = arith.subi %parallel_loop3A_542, %parallel_loop3A_545 : i32
      %parallel_loop3A_547 = arith.constant 0 : i32
      %parallel_loop3A_548 = arith.cmpi sgt, %parallel_loop3A_538, %parallel_loop3A_547 : i32
      %parallel_loop3A_549 = arith.extui %parallel_loop3A_548 : i1 to i32
      %parallel_loop3A_550 = arith.constant 0 : i32
      %parallel_loop3A_551 = arith.cmpi slt, %parallel_loop3A_538, %parallel_loop3A_550 : i32
      %parallel_loop3A_552 = arith.extui %parallel_loop3A_551 : i1 to i32
      %parallel_loop3A_553 = arith.subi %parallel_loop3A_549, %parallel_loop3A_552 : i32
      %parallel_loop3A_554 = arith.cmpi ne, %parallel_loop3A_546, %parallel_loop3A_553 : i32
      %parallel_loop3A_555 = arith.remsi %parallel_loop3A_537, %parallel_loop3A_538 : i32
      %parallel_loop3A_556 = arith.constant 0 : i32
      %parallel_loop3A_557 = arith.cmpi ne, %parallel_loop3A_555, %parallel_loop3A_556 : i32
      %parallel_loop3A_558 = arith.andi %parallel_loop3A_554, %parallel_loop3A_557 : i1
      %parallel_loop3A_559 = arith.constant 1 : i32
      %parallel_loop3A_560 = arith.subi %parallel_loop3A_539, %parallel_loop3A_559 : i32
      %parallel_loop3A_561 = arith.select %parallel_loop3A_558, %parallel_loop3A_560, %parallel_loop3A_539 : i32
      %parallel_loop3A_562 = arith.constant 0 : i32
      %parallel_loop3A_563 = arith.cmpi eq, %parallel_loop3A_538, %parallel_loop3A_562 : i32
      %parallel_loop3A_564 = arith.constant 1 : i32
      %parallel_loop3A_565 = arith.select %parallel_loop3A_563, %parallel_loop3A_564, %parallel_loop3A_538 : i32
      %parallel_loop3A_566 = arith.remsi %parallel_loop3A_537, %parallel_loop3A_565 : i32
      %parallel_loop3A_567 = arith.constant 0 : i32
      %parallel_loop3A_568 = arith.cmpi ne, %parallel_loop3A_566, %parallel_loop3A_567 : i32
      %parallel_loop3A_569 = arith.constant 0 : i32
      %parallel_loop3A_570 = arith.cmpi slt, %parallel_loop3A_566, %parallel_loop3A_569 : i32
      %parallel_loop3A_571 = arith.constant 0 : i32
      %parallel_loop3A_572 = arith.cmpi slt, %parallel_loop3A_565, %parallel_loop3A_571 : i32
      %parallel_loop3A_573 = arith.xori %parallel_loop3A_570, %parallel_loop3A_572 : i1
      %parallel_loop3A_574 = arith.andi %parallel_loop3A_573, %parallel_loop3A_568 : i1
      %parallel_loop3A_575 = arith.addi %parallel_loop3A_566, %parallel_loop3A_565 : i32
      %parallel_loop3A_576 = arith.select %parallel_loop3A_574, %parallel_loop3A_575, %parallel_loop3A_566 : i32
      %parallel_loop3A_577 = arith.constant 0 : i32
      %parallel_loop3A_578 = arith.addi %parallel_loop3A_576, %parallel_loop3A_577 : i32
      %parallel_loop3A_579 = arith.index_cast %parallel_loop3A_561 : i32 to index
      %parallel_loop3A_580 = arith.index_cast %parallel_loop3A_578 : i32 to index
      %parallel_loop3A_581 = tpu.vector_load %arg8[%parallel_loop3A_579, %parallel_loop3A_580] {strides = array<i32>} : memref<16x1024xf32, #tpu.memory_space<vmem>>, vector<1x16xf32>,
      %parallel_loop3A_582 = vector.shape_cast %parallel_loop3A_581 : vector<1x16xf32> to vector<16xf32>
      %parallel_loop3A_583 = arith.index_cast %parallel_loop3A_561 : i32 to index
      %parallel_loop3A_584 = arith.index_cast %parallel_loop3A_578 : i32 to index
      %parallel_loop3A_585 = tpu.vector_load %arg11[%parallel_loop3A_583, %parallel_loop3A_584] {strides = array<i32>} : memref<16x1024xf32, #tpu.memory_space<vmem>>, vector<1x16xf32>,
      %parallel_loop3A_586 = vector.shape_cast %parallel_loop3A_585 : vector<1x16xf32> to vector<16xf32>
      %parallel_loop3A_587 = arith.addf %parallel_loop3A_582, %parallel_loop3A_586 : vector<16xf32>
      %parallel_loop3A_588 = arith.index_cast %parallel_loop3A_561 : i32 to index
      %parallel_loop3A_589 = arith.index_cast %parallel_loop3A_578 : i32 to index
      %parallel_loop3A_590 = tpu.vector_load %arg8[%parallel_loop3A_588, %parallel_loop3A_589] {strides = array<i32>} : memref<16x1024xf32, #tpu.memory_space<vmem>>, vector<1x16xf32>,
      %parallel_loop3A_591 = vector.shape_cast %parallel_loop3A_590 : vector<1x16xf32> to vector<16xf32>
      %parallel_loop3A_592 = vector.shape_cast %parallel_loop3A_587 : vector<16xf32> to vector<1x16xf32>
      tpu.vector_store %arg8[%parallel_loop3A_588, %parallel_loop3A_589], %parallel_loop3A_592 {strides = array<i32>} : memref<16x1024xf32, #tpu.memory_space<vmem>>, vector<1x16xf32>,
      %parallel_loop3A_593 = arith.constant 16 : i32
      %parallel_loop3A_594 = arith.addi %parallel_loop3A_576, %parallel_loop3A_593 : i32
      %parallel_loop3A_595 = arith.index_cast %parallel_loop3A_561 : i32 to index
      %parallel_loop3A_596 = arith.index_cast %parallel_loop3A_594 : i32 to index
      %parallel_loop3A_597 = tpu.vector_load %arg8[%parallel_loop3A_595, %parallel_loop3A_596] {strides = array<i32>} : memref<16x1024xf32, #tpu.memory_space<vmem>>, vector<1x16xf32>,
      %parallel_loop3A_598 = vector.shape_cast %parallel_loop3A_597 : vector<1x16xf32> to vector<16xf32>
      %parallel_loop3A_599 = arith.index_cast %parallel_loop3A_561 : i32 to index
      %parallel_loop3A_600 = arith.index_cast %parallel_loop3A_594 : i32 to index
      %parallel_loop3A_601 = tpu.vector_load %arg11[%parallel_loop3A_599, %parallel_loop3A_600] {strides = array<i32>} : memref<16x1024xf32, #tpu.memory_space<vmem>>, vector<1x16xf32>,
      %parallel_loop3A_602 = vector.shape_cast %parallel_loop3A_601 : vector<1x16xf32> to vector<16xf32>
      %parallel_loop3A_603 = arith.addf %parallel_loop3A_598, %parallel_loop3A_602 : vector<16xf32>
      %parallel_loop3A_604 = arith.index_cast %parallel_loop3A_561 : i32 to index
      %parallel_loop3A_605 = arith.index_cast %parallel_loop3A_594 : i32 to index
      %parallel_loop3A_606 = tpu.vector_load %arg8[%parallel_loop3A_604, %parallel_loop3A_605] {strides = array<i32>} : memref<16x1024xf32, #tpu.memory_space<vmem>>, vector<1x16xf32>,
      %parallel_loop3A_607 = vector.shape_cast %parallel_loop3A_606 : vector<1x16xf32> to vector<16xf32>
      %parallel_loop3A_608 = vector.shape_cast %parallel_loop3A_603 : vector<16xf32> to vector<1x16xf32>
      tpu.vector_store %arg8[%parallel_loop3A_604, %parallel_loop3A_605], %parallel_loop3A_608 {strides = array<i32>} : memref<16x1024xf32, #tpu.memory_space<vmem>>, vector<1x16xf32>,
    } {sc.loop_unroll_factor = 2 : i64, sc.parallel_access}
    %add3A_171 = arith.constant 64 : i32
    %add3A_172 = arith.addi %mul3A_2, %add3A_171 : i32
    %dma_start3A_173 = arith.constant 0 : i32
    %dma_start3A_174 = tpu.memref_slice %arg5[%add3A_172, %dma_start3A_173] : memref<8192x1024xf32, #tpu.memory_space<hbm>> -> memref<16x1024xf32, #tpu.memory_space<hbm>>
    %dma_start3A_175 = arith.constant 0 : i32
    %dma_start3A_176 = tpu.memref_slice %arg5[%add3A_172, %dma_start3A_175] : memref<8192x1024xf32, #tpu.memory_space<hbm>> -> memref<16x1024xf32, #tpu.memory_space<hbm>>
    tpu.enqueue_dma source(%arg8 : memref<16x1024xf32, #tpu.memory_space<vmem>>) target(%dma_start3A_176 : memref<16x1024xf32, #tpu.memory_space<hbm>>) target_semaphore(%arg20 : memref<!tpu.dma_semaphore, #tpu.memory_space<semaphore_mem>>)
    %dma_wait3A_177 = arith.constant 0 : i32
    %dma_wait3A_178 = tpu.memref_slice %arg5[%add3A_139, %dma_wait3A_177] : memref<8192x1024xf32, #tpu.memory_space<hbm>> -> memref<16x1024xf32, #tpu.memory_space<hbm>>
    %dma_wait3A_179 = arith.constant 0 : i32
    %dma_wait3A_180 = tpu.memref_slice %arg5[%add3A_139, %dma_wait3A_179] : memref<8192x1024xf32, #tpu.memory_space<hbm>> -> memref<16x1024xf32, #tpu.memory_space<hbm>>
    tpu.wait_dma2 semaphore(%arg19 : memref<!tpu.dma_semaphore, #tpu.memory_space<semaphore_mem>>) src(%arg7 : memref<16x1024xf32, #tpu.memory_space<vmem>>) dst(%dma_wait3A_180 : memref<16x1024xf32, #tpu.memory_space<hbm>>)
    %dma_start3A_181 = arith.constant 96 : i32
    %dma_start3A_182 = tpu.memref_slice %arg6[%dma_start3A_181] : memref<256xi32, #tpu.memory_space<vmem>> -> memref<16xi32, #tpu.memory_space<vmem>>
    %dma_start3A_183 = arith.constant 0 : i32
    %dma_start3A_184 = arith.constant 0 : i32
    %dma_start3A_185 = tpu.memref_slice %arg3[%dma_start3A_183, %dma_start3A_184] : memref<100000x1024xf32, #tpu.memory_space<hbm>> -> memref<100000x1024xf32, #tpu.memory_space<hbm>>
    tpu.enqueue_indirect_dma source(%dma_start3A_185 : memref<100000x1024xf32, #tpu.memory_space<hbm>>) target(%arg7 : memref<16x1024xf32, #tpu.memory_space<vmem>>) offsets(%dma_start3A_182 : memref<16xi32, #tpu.memory_space<vmem>>) semaphore(%arg13 : memref<!tpu.dma_semaphore, #tpu.memory_space<semaphore_mem>>)
    %add3A_186 = arith.constant 96 : i32
    %add3A_187 = arith.addi %select_n3A_11, %add3A_186 : i32
    %dma_start3A_188 = arith.constant 0 : i32
    %dma_start3A_189 = tpu.memref_slice %arg4[%add3A_187, %dma_start3A_188] : memref<8192x1024xf32, #tpu.memory_space<hbm>> -> memref<16x1024xf32, #tpu.memory_space<hbm>>
    %dma_start3A_190 = arith.constant 0 : i32
    %dma_start3A_191 = tpu.memref_slice %arg4[%add3A_187, %dma_start3A_190] : memref<8192x1024xf32, #tpu.memory_space<hbm>> -> memref<16x1024xf32, #tpu.memory_space<hbm>>
    tpu.enqueue_dma source(%dma_start3A_191 : memref<16x1024xf32, #tpu.memory_space<hbm>>) target(%arg10 : memref<16x1024xf32, #tpu.memory_space<vmem>>) target_semaphore(%arg16 : memref<!tpu.dma_semaphore, #tpu.memory_space<semaphore_mem>>)
    %dma_wait3A_192 = arith.constant 80 : i32
    %dma_wait3A_193 = tpu.memref_slice %arg6[%dma_wait3A_192] : memref<256xi32, #tpu.memory_space<vmem>> -> memref<16xi32, #tpu.memory_space<vmem>>
    %dma_wait3A_194 = arith.constant 0 : i32
    %dma_wait3A_195 = arith.constant 0 : i32
    %dma_wait3A_196 = tpu.memref_slice %arg3[%dma_wait3A_194, %dma_wait3A_195] : memref<100000x1024xf32, #tpu.memory_space<hbm>> -> memref<100000x1024xf32, #tpu.memory_space<hbm>>
    tpu.wait_indirect_dma semaphore(%arg15 : memref<!tpu.dma_semaphore, #tpu.memory_space<semaphore_mem>>) src(%dma_wait3A_196 : memref<100000x1024xf32, #tpu.memory_space<hbm>>) dst(%arg9 : memref<16x1024xf32, #tpu.memory_space<vmem>>)
    %dma_wait3A_197 = arith.constant 0 : i32
    %dma_wait3A_198 = tpu.memref_slice %arg4[%add3A_154, %dma_wait3A_197] : memref<8192x1024xf32, #tpu.memory_space<hbm>> -> memref<16x1024xf32, #tpu.memory_space<hbm>>
    %dma_wait3A_199 = arith.constant 0 : i32
    %dma_wait3A_200 = tpu.memref_slice %arg4[%add3A_154, %dma_wait3A_199] : memref<8192x1024xf32, #tpu.memory_space<hbm>> -> memref<16x1024xf32, #tpu.memory_space<hbm>>
    tpu.wait_dma2 semaphore(%arg18 : memref<!tpu.dma_semaphore, #tpu.memory_space<semaphore_mem>>) src(%dma_wait3A_200 : memref<16x1024xf32, #tpu.memory_space<hbm>>) dst(%arg12 : memref<16x1024xf32, #tpu.memory_space<vmem>>)
    %parallel_loop3A_201 = arith.constant 0 : i32
    %parallel_loop3A_202 = arith.constant 16384 : i32
    %parallel_loop3A_203 = arith.constant 32 : i32
    scf.for %parallel_loop3A_537 = %parallel_loop3A_201 to %parallel_loop3A_202 step %parallel_loop3A_203  : i32 {
      %parallel_loop3A_538 = arith.constant 1024 : i32
      %parallel_loop3A_539 = arith.divsi %parallel_loop3A_537, %parallel_loop3A_538 : i32
      %parallel_loop3A_540 = arith.constant 0 : i32
      %parallel_loop3A_541 = arith.cmpi sgt, %parallel_loop3A_537, %parallel_loop3A_540 : i32
      %parallel_loop3A_542 = arith.extui %parallel_loop3A_541 : i1 to i32
      %parallel_loop3A_543 = arith.constant 0 : i32
      %parallel_loop3A_544 = arith.cmpi slt, %parallel_loop3A_537, %parallel_loop3A_543 : i32
      %parallel_loop3A_545 = arith.extui %parallel_loop3A_544 : i1 to i32
      %parallel_loop3A_546 = arith.subi %parallel_loop3A_542, %parallel_loop3A_545 : i32
      %parallel_loop3A_547 = arith.constant 0 : i32
      %parallel_loop3A_548 = arith.cmpi sgt, %parallel_loop3A_538, %parallel_loop3A_547 : i32
      %parallel_loop3A_549 = arith.extui %parallel_loop3A_548 : i1 to i32
      %parallel_loop3A_550 = arith.constant 0 : i32
      %parallel_loop3A_551 = arith.cmpi slt, %parallel_loop3A_538, %parallel_loop3A_550 : i32
      %parallel_loop3A_552 = arith.extui %parallel_loop3A_551 : i1 to i32
      %parallel_loop3A_553 = arith.subi %parallel_loop3A_549, %parallel_loop3A_552 : i32
      %parallel_loop3A_554 = arith.cmpi ne, %parallel_loop3A_546, %parallel_loop3A_553 : i32
      %parallel_loop3A_555 = arith.remsi %parallel_loop3A_537, %parallel_loop3A_538 : i32
      %parallel_loop3A_556 = arith.constant 0 : i32
      %parallel_loop3A_557 = arith.cmpi ne, %parallel_loop3A_555, %parallel_loop3A_556 : i32
      %parallel_loop3A_558 = arith.andi %parallel_loop3A_554, %parallel_loop3A_557 : i1
      %parallel_loop3A_559 = arith.constant 1 : i32
      %parallel_loop3A_560 = arith.subi %parallel_loop3A_539, %parallel_loop3A_559 : i32
      %parallel_loop3A_561 = arith.select %parallel_loop3A_558, %parallel_loop3A_560, %parallel_loop3A_539 : i32
      %parallel_loop3A_562 = arith.constant 0 : i32
      %parallel_loop3A_563 = arith.cmpi eq, %parallel_loop3A_538, %parallel_loop3A_562 : i32
      %parallel_loop3A_564 = arith.constant 1 : i32
      %parallel_loop3A_565 = arith.select %parallel_loop3A_563, %parallel_loop3A_564, %parallel_loop3A_538 : i32
      %parallel_loop3A_566 = arith.remsi %parallel_loop3A_537, %parallel_loop3A_565 : i32
      %parallel_loop3A_567 = arith.constant 0 : i32
      %parallel_loop3A_568 = arith.cmpi ne, %parallel_loop3A_566, %parallel_loop3A_567 : i32
      %parallel_loop3A_569 = arith.constant 0 : i32
      %parallel_loop3A_570 = arith.cmpi slt, %parallel_loop3A_566, %parallel_loop3A_569 : i32
      %parallel_loop3A_571 = arith.constant 0 : i32
      %parallel_loop3A_572 = arith.cmpi slt, %parallel_loop3A_565, %parallel_loop3A_571 : i32
      %parallel_loop3A_573 = arith.xori %parallel_loop3A_570, %parallel_loop3A_572 : i1
      %parallel_loop3A_574 = arith.andi %parallel_loop3A_573, %parallel_loop3A_568 : i1
      %parallel_loop3A_575 = arith.addi %parallel_loop3A_566, %parallel_loop3A_565 : i32
      %parallel_loop3A_576 = arith.select %parallel_loop3A_574, %parallel_loop3A_575, %parallel_loop3A_566 : i32
      %parallel_loop3A_577 = arith.constant 0 : i32
      %parallel_loop3A_578 = arith.addi %parallel_loop3A_576, %parallel_loop3A_577 : i32
      %parallel_loop3A_579 = arith.index_cast %parallel_loop3A_561 : i32 to index
      %parallel_loop3A_580 = arith.index_cast %parallel_loop3A_578 : i32 to index
      %parallel_loop3A_581 = tpu.vector_load %arg9[%parallel_loop3A_579, %parallel_loop3A_580] {strides = array<i32>} : memref<16x1024xf32, #tpu.memory_space<vmem>>, vector<1x16xf32>,
      %parallel_loop3A_582 = vector.shape_cast %parallel_loop3A_581 : vector<1x16xf32> to vector<16xf32>
      %parallel_loop3A_583 = arith.index_cast %parallel_loop3A_561 : i32 to index
      %parallel_loop3A_584 = arith.index_cast %parallel_loop3A_578 : i32 to index
      %parallel_loop3A_585 = tpu.vector_load %arg12[%parallel_loop3A_583, %parallel_loop3A_584] {strides = array<i32>} : memref<16x1024xf32, #tpu.memory_space<vmem>>, vector<1x16xf32>,
      %parallel_loop3A_586 = vector.shape_cast %parallel_loop3A_585 : vector<1x16xf32> to vector<16xf32>
      %parallel_loop3A_587 = arith.addf %parallel_loop3A_582, %parallel_loop3A_586 : vector<16xf32>
      %parallel_loop3A_588 = arith.index_cast %parallel_loop3A_561 : i32 to index
      %parallel_loop3A_589 = arith.index_cast %parallel_loop3A_578 : i32 to index
      %parallel_loop3A_590 = tpu.vector_load %arg9[%parallel_loop3A_588, %parallel_loop3A_589] {strides = array<i32>} : memref<16x1024xf32, #tpu.memory_space<vmem>>, vector<1x16xf32>,
      %parallel_loop3A_591 = vector.shape_cast %parallel_loop3A_590 : vector<1x16xf32> to vector<16xf32>
      %parallel_loop3A_592 = vector.shape_cast %parallel_loop3A_587 : vector<16xf32> to vector<1x16xf32>
      tpu.vector_store %arg9[%parallel_loop3A_588, %parallel_loop3A_589], %parallel_loop3A_592 {strides = array<i32>} : memref<16x1024xf32, #tpu.memory_space<vmem>>, vector<1x16xf32>,
      %parallel_loop3A_593 = arith.constant 16 : i32
      %parallel_loop3A_594 = arith.addi %parallel_loop3A_576, %parallel_loop3A_593 : i32
      %parallel_loop3A_595 = arith.index_cast %parallel_loop3A_561 : i32 to index
      %parallel_loop3A_596 = arith.index_cast %parallel_loop3A_594 : i32 to index
      %parallel_loop3A_597 = tpu.vector_load %arg9[%parallel_loop3A_595, %parallel_loop3A_596] {strides = array<i32>} : memref<16x1024xf32, #tpu.memory_space<vmem>>, vector<1x16xf32>,
      %parallel_loop3A_598 = vector.shape_cast %parallel_loop3A_597 : vector<1x16xf32> to vector<16xf32>
      %parallel_loop3A_599 = arith.index_cast %parallel_loop3A_561 : i32 to index
      %parallel_loop3A_600 = arith.index_cast %parallel_loop3A_594 : i32 to index
      %parallel_loop3A_601 = tpu.vector_load %arg12[%parallel_loop3A_599, %parallel_loop3A_600] {strides = array<i32>} : memref<16x1024xf32, #tpu.memory_space<vmem>>, vector<1x16xf32>,
      %parallel_loop3A_602 = vector.shape_cast %parallel_loop3A_601 : vector<1x16xf32> to vector<16xf32>
      %parallel_loop3A_603 = arith.addf %parallel_loop3A_598, %parallel_loop3A_602 : vector<16xf32>
      %parallel_loop3A_604 = arith.index_cast %parallel_loop3A_561 : i32 to index
      %parallel_loop3A_605 = arith.index_cast %parallel_loop3A_594 : i32 to index
      %parallel_loop3A_606 = tpu.vector_load %arg9[%parallel_loop3A_604, %parallel_loop3A_605] {strides = array<i32>} : memref<16x1024xf32, #tpu.memory_space<vmem>>, vector<1x16xf32>,
      %parallel_loop3A_607 = vector.shape_cast %parallel_loop3A_606 : vector<1x16xf32> to vector<16xf32>
      %parallel_loop3A_608 = vector.shape_cast %parallel_loop3A_603 : vector<16xf32> to vector<1x16xf32>
      tpu.vector_store %arg9[%parallel_loop3A_604, %parallel_loop3A_605], %parallel_loop3A_608 {strides = array<i32>} : memref<16x1024xf32, #tpu.memory_space<vmem>>, vector<1x16xf32>,
    } {sc.loop_unroll_factor = 2 : i64, sc.parallel_access}
    %add3A_204 = arith.constant 80 : i32
    %add3A_205 = arith.addi %mul3A_2, %add3A_204 : i32
    %dma_start3A_206 = arith.constant 0 : i32
    %dma_start3A_207 = tpu.memref_slice %arg5[%add3A_205, %dma_start3A_206] : memref<8192x1024xf32, #tpu.memory_space<hbm>> -> memref<16x1024xf32, #tpu.memory_space<hbm>>
    %dma_start3A_208 = arith.constant 0 : i32
    %dma_start3A_209 = tpu.memref_slice %arg5[%add3A_205, %dma_start3A_208] : memref<8192x1024xf32, #tpu.memory_space<hbm>> -> memref<16x1024xf32, #tpu.memory_space<hbm>>
    tpu.enqueue_dma source(%arg9 : memref<16x1024xf32, #tpu.memory_space<vmem>>) target(%dma_start3A_209 : memref<16x1024xf32, #tpu.memory_space<hbm>>) target_semaphore(%arg21 : memref<!tpu.dma_semaphore, #tpu.memory_space<semaphore_mem>>)
    %dma_wait3A_210 = arith.constant 0 : i32
    %dma_wait3A_211 = tpu.memref_slice %arg5[%add3A_172, %dma_wait3A_210] : memref<8192x1024xf32, #tpu.memory_space<hbm>> -> memref<16x1024xf32, #tpu.memory_space<hbm>>
    %dma_wait3A_212 = arith.constant 0 : i32
    %dma_wait3A_213 = tpu.memref_slice %arg5[%add3A_172, %dma_wait3A_212] : memref<8192x1024xf32, #tpu.memory_space<hbm>> -> memref<16x1024xf32, #tpu.memory_space<hbm>>
    tpu.wait_dma2 semaphore(%arg20 : memref<!tpu.dma_semaphore, #tpu.memory_space<semaphore_mem>>) src(%arg8 : memref<16x1024xf32, #tpu.memory_space<vmem>>) dst(%dma_wait3A_213 : memref<16x1024xf32, #tpu.memory_space<hbm>>)
    %dma_start3A_214 = arith.constant 112 : i32
    %dma_start3A_215 = tpu.memref_slice %arg6[%dma_start3A_214] : memref<256xi32, #tpu.memory_space<vmem>> -> memref<16xi32, #tpu.memory_space<vmem>>
    %dma_start3A_216 = arith.constant 0 : i32
    %dma_start3A_217 = arith.constant 0 : i32
    %dma_start3A_218 = tpu.memref_slice %arg3[%dma_start3A_216, %dma_start3A_217] : memref<100000x1024xf32, #tpu.memory_space<hbm>> -> memref<100000x1024xf32, #tpu.memory_space<hbm>>
    tpu.enqueue_indirect_dma source(%dma_start3A_218 : memref<100000x1024xf32, #tpu.memory_space<hbm>>) target(%arg8 : memref<16x1024xf32, #tpu.memory_space<vmem>>) offsets(%dma_start3A_215 : memref<16xi32, #tpu.memory_space<vmem>>) semaphore(%arg14 : memref<!tpu.dma_semaphore, #tpu.memory_space<semaphore_mem>>)
    %add3A_219 = arith.constant 112 : i32
    %add3A_220 = arith.addi %select_n3A_11, %add3A_219 : i32
    %dma_start3A_221 = arith.constant 0 : i32
    %dma_start3A_222 = tpu.memref_slice %arg4[%add3A_220, %dma_start3A_221] : memref<8192x1024xf32, #tpu.memory_space<hbm>> -> memref<16x1024xf32, #tpu.memory_space<hbm>>
    %dma_start3A_223 = arith.constant 0 : i32
    %dma_start3A_224 = tpu.memref_slice %arg4[%add3A_220, %dma_start3A_223] : memref<8192x1024xf32, #tpu.memory_space<hbm>> -> memref<16x1024xf32, #tpu.memory_space<hbm>>
    tpu.enqueue_dma source(%dma_start3A_224 : memref<16x1024xf32, #tpu.memory_space<hbm>>) target(%arg11 : memref<16x1024xf32, #tpu.memory_space<vmem>>) target_semaphore(%arg17 : memref<!tpu.dma_semaphore, #tpu.memory_space<semaphore_mem>>)
    %dma_wait3A_225 = arith.constant 96 : i32
    %dma_wait3A_226 = tpu.memref_slice %arg6[%dma_wait3A_225] : memref<256xi32, #tpu.memory_space<vmem>> -> memref<16xi32, #tpu.memory_space<vmem>>
    %dma_wait3A_227 = arith.constant 0 : i32
    %dma_wait3A_228 = arith.constant 0 : i32
    %dma_wait3A_229 = tpu.memref_slice %arg3[%dma_wait3A_227, %dma_wait3A_228] : memref<100000x1024xf32, #tpu.memory_space<hbm>> -> memref<100000x1024xf32, #tpu.memory_space<hbm>>
    tpu.wait_indirect_dma semaphore(%arg13 : memref<!tpu.dma_semaphore, #tpu.memory_space<semaphore_mem>>) src(%dma_wait3A_229 : memref<100000x1024xf32, #tpu.memory_space<hbm>>) dst(%arg7 : memref<16x1024xf32, #tpu.memory_space<vmem>>)
    %dma_wait3A_230 = arith.constant 0 : i32
    %dma_wait3A_231 = tpu.memref_slice %arg4[%add3A_187, %dma_wait3A_230] : memref<8192x1024xf32, #tpu.memory_space<hbm>> -> memref<16x1024xf32, #tpu.memory_space<hbm>>
    %dma_wait3A_232 = arith.constant 0 : i32
    %dma_wait3A_233 = tpu.memref_slice %arg4[%add3A_187, %dma_wait3A_232] : memref<8192x1024xf32, #tpu.memory_space<hbm>> -> memref<16x1024xf32, #tpu.memory_space<hbm>>
    tpu.wait_dma2 semaphore(%arg16 : memref<!tpu.dma_semaphore, #tpu.memory_space<semaphore_mem>>) src(%dma_wait3A_233 : memref<16x1024xf32, #tpu.memory_space<hbm>>) dst(%arg10 : memref<16x1024xf32, #tpu.memory_space<vmem>>)
    %parallel_loop3A_234 = arith.constant 0 : i32
    %parallel_loop3A_235 = arith.constant 16384 : i32
    %parallel_loop3A_236 = arith.constant 32 : i32
    scf.for %parallel_loop3A_537 = %parallel_loop3A_234 to %parallel_loop3A_235 step %parallel_loop3A_236  : i32 {
      %parallel_loop3A_538 = arith.constant 1024 : i32
      %parallel_loop3A_539 = arith.divsi %parallel_loop3A_537, %parallel_loop3A_538 : i32
      %parallel_loop3A_540 = arith.constant 0 : i32
      %parallel_loop3A_541 = arith.cmpi sgt, %parallel_loop3A_537, %parallel_loop3A_540 : i32
      %parallel_loop3A_542 = arith.extui %parallel_loop3A_541 : i1 to i32
      %parallel_loop3A_543 = arith.constant 0 : i32
      %parallel_loop3A_544 = arith.cmpi slt, %parallel_loop3A_537, %parallel_loop3A_543 : i32
      %parallel_loop3A_545 = arith.extui %parallel_loop3A_544 : i1 to i32
      %parallel_loop3A_546 = arith.subi %parallel_loop3A_542, %parallel_loop3A_545 : i32
      %parallel_loop3A_547 = arith.constant 0 : i32
      %parallel_loop3A_548 = arith.cmpi sgt, %parallel_loop3A_538, %parallel_loop3A_547 : i32
      %parallel_loop3A_549 = arith.extui %parallel_loop3A_548 : i1 to i32
      %parallel_loop3A_550 = arith.constant 0 : i32
      %parallel_loop3A_551 = arith.cmpi slt, %parallel_loop3A_538, %parallel_loop3A_550 : i32
      %parallel_loop3A_552 = arith.extui %parallel_loop3A_551 : i1 to i32
      %parallel_loop3A_553 = arith.subi %parallel_loop3A_549, %parallel_loop3A_552 : i32
      %parallel_loop3A_554 = arith.cmpi ne, %parallel_loop3A_546, %parallel_loop3A_553 : i32
      %parallel_loop3A_555 = arith.remsi %parallel_loop3A_537, %parallel_loop3A_538 : i32
      %parallel_loop3A_556 = arith.constant 0 : i32
      %parallel_loop3A_557 = arith.cmpi ne, %parallel_loop3A_555, %parallel_loop3A_556 : i32
      %parallel_loop3A_558 = arith.andi %parallel_loop3A_554, %parallel_loop3A_557 : i1
      %parallel_loop3A_559 = arith.constant 1 : i32
      %parallel_loop3A_560 = arith.subi %parallel_loop3A_539, %parallel_loop3A_559 : i32
      %parallel_loop3A_561 = arith.select %parallel_loop3A_558, %parallel_loop3A_560, %parallel_loop3A_539 : i32
      %parallel_loop3A_562 = arith.constant 0 : i32
      %parallel_loop3A_563 = arith.cmpi eq, %parallel_loop3A_538, %parallel_loop3A_562 : i32
      %parallel_loop3A_564 = arith.constant 1 : i32
      %parallel_loop3A_565 = arith.select %parallel_loop3A_563, %parallel_loop3A_564, %parallel_loop3A_538 : i32
      %parallel_loop3A_566 = arith.remsi %parallel_loop3A_537, %parallel_loop3A_565 : i32
      %parallel_loop3A_567 = arith.constant 0 : i32
      %parallel_loop3A_568 = arith.cmpi ne, %parallel_loop3A_566, %parallel_loop3A_567 : i32
      %parallel_loop3A_569 = arith.constant 0 : i32
      %parallel_loop3A_570 = arith.cmpi slt, %parallel_loop3A_566, %parallel_loop3A_569 : i32
      %parallel_loop3A_571 = arith.constant 0 : i32
      %parallel_loop3A_572 = arith.cmpi slt, %parallel_loop3A_565, %parallel_loop3A_571 : i32
      %parallel_loop3A_573 = arith.xori %parallel_loop3A_570, %parallel_loop3A_572 : i1
      %parallel_loop3A_574 = arith.andi %parallel_loop3A_573, %parallel_loop3A_568 : i1
      %parallel_loop3A_575 = arith.addi %parallel_loop3A_566, %parallel_loop3A_565 : i32
      %parallel_loop3A_576 = arith.select %parallel_loop3A_574, %parallel_loop3A_575, %parallel_loop3A_566 : i32
      %parallel_loop3A_577 = arith.constant 0 : i32
      %parallel_loop3A_578 = arith.addi %parallel_loop3A_576, %parallel_loop3A_577 : i32
      %parallel_loop3A_579 = arith.index_cast %parallel_loop3A_561 : i32 to index
      %parallel_loop3A_580 = arith.index_cast %parallel_loop3A_578 : i32 to index
      %parallel_loop3A_581 = tpu.vector_load %arg7[%parallel_loop3A_579, %parallel_loop3A_580] {strides = array<i32>} : memref<16x1024xf32, #tpu.memory_space<vmem>>, vector<1x16xf32>,
      %parallel_loop3A_582 = vector.shape_cast %parallel_loop3A_581 : vector<1x16xf32> to vector<16xf32>
      %parallel_loop3A_583 = arith.index_cast %parallel_loop3A_561 : i32 to index
      %parallel_loop3A_584 = arith.index_cast %parallel_loop3A_578 : i32 to index
      %parallel_loop3A_585 = tpu.vector_load %arg10[%parallel_loop3A_583, %parallel_loop3A_584] {strides = array<i32>} : memref<16x1024xf32, #tpu.memory_space<vmem>>, vector<1x16xf32>,
      %parallel_loop3A_586 = vector.shape_cast %parallel_loop3A_585 : vector<1x16xf32> to vector<16xf32>
      %parallel_loop3A_587 = arith.addf %parallel_loop3A_582, %parallel_loop3A_586 : vector<16xf32>
      %parallel_loop3A_588 = arith.index_cast %parallel_loop3A_561 : i32 to index
      %parallel_loop3A_589 = arith.index_cast %parallel_loop3A_578 : i32 to index
      %parallel_loop3A_590 = tpu.vector_load %arg7[%parallel_loop3A_588, %parallel_loop3A_589] {strides = array<i32>} : memref<16x1024xf32, #tpu.memory_space<vmem>>, vector<1x16xf32>,
      %parallel_loop3A_591 = vector.shape_cast %parallel_loop3A_590 : vector<1x16xf32> to vector<16xf32>
      %parallel_loop3A_592 = vector.shape_cast %parallel_loop3A_587 : vector<16xf32> to vector<1x16xf32>
      tpu.vector_store %arg7[%parallel_loop3A_588, %parallel_loop3A_589], %parallel_loop3A_592 {strides = array<i32>} : memref<16x1024xf32, #tpu.memory_space<vmem>>, vector<1x16xf32>,
      %parallel_loop3A_593 = arith.constant 16 : i32
      %parallel_loop3A_594 = arith.addi %parallel_loop3A_576, %parallel_loop3A_593 : i32
      %parallel_loop3A_595 = arith.index_cast %parallel_loop3A_561 : i32 to index
      %parallel_loop3A_596 = arith.index_cast %parallel_loop3A_594 : i32 to index
      %parallel_loop3A_597 = tpu.vector_load %arg7[%parallel_loop3A_595, %parallel_loop3A_596] {strides = array<i32>} : memref<16x1024xf32, #tpu.memory_space<vmem>>, vector<1x16xf32>,
      %parallel_loop3A_598 = vector.shape_cast %parallel_loop3A_597 : vector<1x16xf32> to vector<16xf32>
      %parallel_loop3A_599 = arith.index_cast %parallel_loop3A_561 : i32 to index
      %parallel_loop3A_600 = arith.index_cast %parallel_loop3A_594 : i32 to index
      %parallel_loop3A_601 = tpu.vector_load %arg10[%parallel_loop3A_599, %parallel_loop3A_600] {strides = array<i32>} : memref<16x1024xf32, #tpu.memory_space<vmem>>, vector<1x16xf32>,
      %parallel_loop3A_602 = vector.shape_cast %parallel_loop3A_601 : vector<1x16xf32> to vector<16xf32>
      %parallel_loop3A_603 = arith.addf %parallel_loop3A_598, %parallel_loop3A_602 : vector<16xf32>
      %parallel_loop3A_604 = arith.index_cast %parallel_loop3A_561 : i32 to index
      %parallel_loop3A_605 = arith.index_cast %parallel_loop3A_594 : i32 to index
      %parallel_loop3A_606 = tpu.vector_load %arg7[%parallel_loop3A_604, %parallel_loop3A_605] {strides = array<i32>} : memref<16x1024xf32, #tpu.memory_space<vmem>>, vector<1x16xf32>,
      %parallel_loop3A_607 = vector.shape_cast %parallel_loop3A_606 : vector<1x16xf32> to vector<16xf32>
      %parallel_loop3A_608 = vector.shape_cast %parallel_loop3A_603 : vector<16xf32> to vector<1x16xf32>
      tpu.vector_store %arg7[%parallel_loop3A_604, %parallel_loop3A_605], %parallel_loop3A_608 {strides = array<i32>} : memref<16x1024xf32, #tpu.memory_space<vmem>>, vector<1x16xf32>,
    } {sc.loop_unroll_factor = 2 : i64, sc.parallel_access}
    %add3A_237 = arith.constant 96 : i32
    %add3A_238 = arith.addi %mul3A_2, %add3A_237 : i32
    %dma_start3A_239 = arith.constant 0 : i32
    %dma_start3A_240 = tpu.memref_slice %arg5[%add3A_238, %dma_start3A_239] : memref<8192x1024xf32, #tpu.memory_space<hbm>> -> memref<16x1024xf32, #tpu.memory_space<hbm>>
    %dma_start3A_241 = arith.constant 0 : i32
    %dma_start3A_242 = tpu.memref_slice %arg5[%add3A_238, %dma_start3A_241] : memref<8192x1024xf32, #tpu.memory_space<hbm>> -> memref<16x1024xf32, #tpu.memory_space<hbm>>
    tpu.enqueue_dma source(%arg7 : memref<16x1024xf32, #tpu.memory_space<vmem>>) target(%dma_start3A_242 : memref<16x1024xf32, #tpu.memory_space<hbm>>) target_semaphore(%arg19 : memref<!tpu.dma_semaphore, #tpu.memory_space<semaphore_mem>>)
    %dma_wait3A_243 = arith.constant 0 : i32
    %dma_wait3A_244 = tpu.memref_slice %arg5[%add3A_205, %dma_wait3A_243] : memref<8192x1024xf32, #tpu.memory_space<hbm>> -> memref<16x1024xf32, #tpu.memory_space<hbm>>
    %dma_wait3A_245 = arith.constant 0 : i32
    %dma_wait3A_246 = tpu.memref_slice %arg5[%add3A_205, %dma_wait3A_245] : memref<8192x1024xf32, #tpu.memory_space<hbm>> -> memref<16x1024xf32, #tpu.memory_space<hbm>>
    tpu.wait_dma2 semaphore(%arg21 : memref<!tpu.dma_semaphore, #tpu.memory_space<semaphore_mem>>) src(%arg9 : memref<16x1024xf32, #tpu.memory_space<vmem>>) dst(%dma_wait3A_246 : memref<16x1024xf32, #tpu.memory_space<hbm>>)
    %dma_start3A_247 = arith.constant 128 : i32
    %dma_start3A_248 = tpu.memref_slice %arg6[%dma_start3A_247] : memref<256xi32, #tpu.memory_space<vmem>> -> memref<16xi32, #tpu.memory_space<vmem>>
    %dma_start3A_249 = arith.constant 0 : i32
    %dma_start3A_250 = arith.constant 0 : i32
    %dma_start3A_251 = tpu.memref_slice %arg3[%dma_start3A_249, %dma_start3A_250] : memref<100000x1024xf32, #tpu.memory_space<hbm>> -> memref<100000x1024xf32, #tpu.memory_space<hbm>>
    tpu.enqueue_indirect_dma source(%dma_start3A_251 : memref<100000x1024xf32, #tpu.memory_space<hbm>>) target(%arg9 : memref<16x1024xf32, #tpu.memory_space<vmem>>) offsets(%dma_start3A_248 : memref<16xi32, #tpu.memory_space<vmem>>) semaphore(%arg15 : memref<!tpu.dma_semaphore, #tpu.memory_space<semaphore_mem>>)
    %add3A_252 = arith.constant 128 : i32
    %add3A_253 = arith.addi %select_n3A_11, %add3A_252 : i32
    %dma_start3A_254 = arith.constant 0 : i32
    %dma_start3A_255 = tpu.memref_slice %arg4[%add3A_253, %dma_start3A_254] : memref<8192x1024xf32, #tpu.memory_space<hbm>> -> memref<16x1024xf32, #tpu.memory_space<hbm>>
    %dma_start3A_256 = arith.constant 0 : i32
    %dma_start3A_257 = tpu.memref_slice %arg4[%add3A_253, %dma_start3A_256] : memref<8192x1024xf32, #tpu.memory_space<hbm>> -> memref<16x1024xf32, #tpu.memory_space<hbm>>
    tpu.enqueue_dma source(%dma_start3A_257 : memref<16x1024xf32, #tpu.memory_space<hbm>>) target(%arg12 : memref<16x1024xf32, #tpu.memory_space<vmem>>) target_semaphore(%arg18 : memref<!tpu.dma_semaphore, #tpu.memory_space<semaphore_mem>>)
    %dma_wait3A_258 = arith.constant 112 : i32
    %dma_wait3A_259 = tpu.memref_slice %arg6[%dma_wait3A_258] : memref<256xi32, #tpu.memory_space<vmem>> -> memref<16xi32, #tpu.memory_space<vmem>>
    %dma_wait3A_260 = arith.constant 0 : i32
    %dma_wait3A_261 = arith.constant 0 : i32
    %dma_wait3A_262 = tpu.memref_slice %arg3[%dma_wait3A_260, %dma_wait3A_261] : memref<100000x1024xf32, #tpu.memory_space<hbm>> -> memref<100000x1024xf32, #tpu.memory_space<hbm>>
    tpu.wait_indirect_dma semaphore(%arg14 : memref<!tpu.dma_semaphore, #tpu.memory_space<semaphore_mem>>) src(%dma_wait3A_262 : memref<100000x1024xf32, #tpu.memory_space<hbm>>) dst(%arg8 : memref<16x1024xf32, #tpu.memory_space<vmem>>)
    %dma_wait3A_263 = arith.constant 0 : i32
    %dma_wait3A_264 = tpu.memref_slice %arg4[%add3A_220, %dma_wait3A_263] : memref<8192x1024xf32, #tpu.memory_space<hbm>> -> memref<16x1024xf32, #tpu.memory_space<hbm>>
    %dma_wait3A_265 = arith.constant 0 : i32
    %dma_wait3A_266 = tpu.memref_slice %arg4[%add3A_220, %dma_wait3A_265] : memref<8192x1024xf32, #tpu.memory_space<hbm>> -> memref<16x1024xf32, #tpu.memory_space<hbm>>
    tpu.wait_dma2 semaphore(%arg17 : memref<!tpu.dma_semaphore, #tpu.memory_space<semaphore_mem>>) src(%dma_wait3A_266 : memref<16x1024xf32, #tpu.memory_space<hbm>>) dst(%arg11 : memref<16x1024xf32, #tpu.memory_space<vmem>>)
    %parallel_loop3A_267 = arith.constant 0 : i32
    %parallel_loop3A_268 = arith.constant 16384 : i32
    %parallel_loop3A_269 = arith.constant 32 : i32
    scf.for %parallel_loop3A_537 = %parallel_loop3A_267 to %parallel_loop3A_268 step %parallel_loop3A_269  : i32 {
      %parallel_loop3A_538 = arith.constant 1024 : i32
      %parallel_loop3A_539 = arith.divsi %parallel_loop3A_537, %parallel_loop3A_538 : i32
      %parallel_loop3A_540 = arith.constant 0 : i32
      %parallel_loop3A_541 = arith.cmpi sgt, %parallel_loop3A_537, %parallel_loop3A_540 : i32
      %parallel_loop3A_542 = arith.extui %parallel_loop3A_541 : i1 to i32
      %parallel_loop3A_543 = arith.constant 0 : i32
      %parallel_loop3A_544 = arith.cmpi slt, %parallel_loop3A_537, %parallel_loop3A_543 : i32
      %parallel_loop3A_545 = arith.extui %parallel_loop3A_544 : i1 to i32
      %parallel_loop3A_546 = arith.subi %parallel_loop3A_542, %parallel_loop3A_545 : i32
      %parallel_loop3A_547 = arith.constant 0 : i32
      %parallel_loop3A_548 = arith.cmpi sgt, %parallel_loop3A_538, %parallel_loop3A_547 : i32
      %parallel_loop3A_549 = arith.extui %parallel_loop3A_548 : i1 to i32
      %parallel_loop3A_550 = arith.constant 0 : i32
      %parallel_loop3A_551 = arith.cmpi slt, %parallel_loop3A_538, %parallel_loop3A_550 : i32
      %parallel_loop3A_552 = arith.extui %parallel_loop3A_551 : i1 to i32
      %parallel_loop3A_553 = arith.subi %parallel_loop3A_549, %parallel_loop3A_552 : i32
      %parallel_loop3A_554 = arith.cmpi ne, %parallel_loop3A_546, %parallel_loop3A_553 : i32
      %parallel_loop3A_555 = arith.remsi %parallel_loop3A_537, %parallel_loop3A_538 : i32
      %parallel_loop3A_556 = arith.constant 0 : i32
      %parallel_loop3A_557 = arith.cmpi ne, %parallel_loop3A_555, %parallel_loop3A_556 : i32
      %parallel_loop3A_558 = arith.andi %parallel_loop3A_554, %parallel_loop3A_557 : i1
      %parallel_loop3A_559 = arith.constant 1 : i32
      %parallel_loop3A_560 = arith.subi %parallel_loop3A_539, %parallel_loop3A_559 : i32
      %parallel_loop3A_561 = arith.select %parallel_loop3A_558, %parallel_loop3A_560, %parallel_loop3A_539 : i32
      %parallel_loop3A_562 = arith.constant 0 : i32
      %parallel_loop3A_563 = arith.cmpi eq, %parallel_loop3A_538, %parallel_loop3A_562 : i32
      %parallel_loop3A_564 = arith.constant 1 : i32
      %parallel_loop3A_565 = arith.select %parallel_loop3A_563, %parallel_loop3A_564, %parallel_loop3A_538 : i32
      %parallel_loop3A_566 = arith.remsi %parallel_loop3A_537, %parallel_loop3A_565 : i32
      %parallel_loop3A_567 = arith.constant 0 : i32
      %parallel_loop3A_568 = arith.cmpi ne, %parallel_loop3A_566, %parallel_loop3A_567 : i32
      %parallel_loop3A_569 = arith.constant 0 : i32
      %parallel_loop3A_570 = arith.cmpi slt, %parallel_loop3A_566, %parallel_loop3A_569 : i32
      %parallel_loop3A_571 = arith.constant 0 : i32
      %parallel_loop3A_572 = arith.cmpi slt, %parallel_loop3A_565, %parallel_loop3A_571 : i32
      %parallel_loop3A_573 = arith.xori %parallel_loop3A_570, %parallel_loop3A_572 : i1
      %parallel_loop3A_574 = arith.andi %parallel_loop3A_573, %parallel_loop3A_568 : i1
      %parallel_loop3A_575 = arith.addi %parallel_loop3A_566, %parallel_loop3A_565 : i32
      %parallel_loop3A_576 = arith.select %parallel_loop3A_574, %parallel_loop3A_575, %parallel_loop3A_566 : i32
      %parallel_loop3A_577 = arith.constant 0 : i32
      %parallel_loop3A_578 = arith.addi %parallel_loop3A_576, %parallel_loop3A_577 : i32
      %parallel_loop3A_579 = arith.index_cast %parallel_loop3A_561 : i32 to index
      %parallel_loop3A_580 = arith.index_cast %parallel_loop3A_578 : i32 to index
      %parallel_loop3A_581 = tpu.vector_load %arg8[%parallel_loop3A_579, %parallel_loop3A_580] {strides = array<i32>} : memref<16x1024xf32, #tpu.memory_space<vmem>>, vector<1x16xf32>,
      %parallel_loop3A_582 = vector.shape_cast %parallel_loop3A_581 : vector<1x16xf32> to vector<16xf32>
      %parallel_loop3A_583 = arith.index_cast %parallel_loop3A_561 : i32 to index
      %parallel_loop3A_584 = arith.index_cast %parallel_loop3A_578 : i32 to index
      %parallel_loop3A_585 = tpu.vector_load %arg11[%parallel_loop3A_583, %parallel_loop3A_584] {strides = array<i32>} : memref<16x1024xf32, #tpu.memory_space<vmem>>, vector<1x16xf32>,
      %parallel_loop3A_586 = vector.shape_cast %parallel_loop3A_585 : vector<1x16xf32> to vector<16xf32>
      %parallel_loop3A_587 = arith.addf %parallel_loop3A_582, %parallel_loop3A_586 : vector<16xf32>
      %parallel_loop3A_588 = arith.index_cast %parallel_loop3A_561 : i32 to index
      %parallel_loop3A_589 = arith.index_cast %parallel_loop3A_578 : i32 to index
      %parallel_loop3A_590 = tpu.vector_load %arg8[%parallel_loop3A_588, %parallel_loop3A_589] {strides = array<i32>} : memref<16x1024xf32, #tpu.memory_space<vmem>>, vector<1x16xf32>,
      %parallel_loop3A_591 = vector.shape_cast %parallel_loop3A_590 : vector<1x16xf32> to vector<16xf32>
      %parallel_loop3A_592 = vector.shape_cast %parallel_loop3A_587 : vector<16xf32> to vector<1x16xf32>
      tpu.vector_store %arg8[%parallel_loop3A_588, %parallel_loop3A_589], %parallel_loop3A_592 {strides = array<i32>} : memref<16x1024xf32, #tpu.memory_space<vmem>>, vector<1x16xf32>,
      %parallel_loop3A_593 = arith.constant 16 : i32
      %parallel_loop3A_594 = arith.addi %parallel_loop3A_576, %parallel_loop3A_593 : i32
      %parallel_loop3A_595 = arith.index_cast %parallel_loop3A_561 : i32 to index
      %parallel_loop3A_596 = arith.index_cast %parallel_loop3A_594 : i32 to index
      %parallel_loop3A_597 = tpu.vector_load %arg8[%parallel_loop3A_595, %parallel_loop3A_596] {strides = array<i32>} : memref<16x1024xf32, #tpu.memory_space<vmem>>, vector<1x16xf32>,
      %parallel_loop3A_598 = vector.shape_cast %parallel_loop3A_597 : vector<1x16xf32> to vector<16xf32>
      %parallel_loop3A_599 = arith.index_cast %parallel_loop3A_561 : i32 to index
      %parallel_loop3A_600 = arith.index_cast %parallel_loop3A_594 : i32 to index
      %parallel_loop3A_601 = tpu.vector_load %arg11[%parallel_loop3A_599, %parallel_loop3A_600] {strides = array<i32>} : memref<16x1024xf32, #tpu.memory_space<vmem>>, vector<1x16xf32>,
      %parallel_loop3A_602 = vector.shape_cast %parallel_loop3A_601 : vector<1x16xf32> to vector<16xf32>
      %parallel_loop3A_603 = arith.addf %parallel_loop3A_598, %parallel_loop3A_602 : vector<16xf32>
      %parallel_loop3A_604 = arith.index_cast %parallel_loop3A_561 : i32 to index
      %parallel_loop3A_605 = arith.index_cast %parallel_loop3A_594 : i32 to index
      %parallel_loop3A_606 = tpu.vector_load %arg8[%parallel_loop3A_604, %parallel_loop3A_605] {strides = array<i32>} : memref<16x1024xf32, #tpu.memory_space<vmem>>, vector<1x16xf32>,
      %parallel_loop3A_607 = vector.shape_cast %parallel_loop3A_606 : vector<1x16xf32> to vector<16xf32>
      %parallel_loop3A_608 = vector.shape_cast %parallel_loop3A_603 : vector<16xf32> to vector<1x16xf32>
      tpu.vector_store %arg8[%parallel_loop3A_604, %parallel_loop3A_605], %parallel_loop3A_608 {strides = array<i32>} : memref<16x1024xf32, #tpu.memory_space<vmem>>, vector<1x16xf32>,
    } {sc.loop_unroll_factor = 2 : i64, sc.parallel_access}
    %add3A_270 = arith.constant 112 : i32
    %add3A_271 = arith.addi %mul3A_2, %add3A_270 : i32
    %dma_start3A_272 = arith.constant 0 : i32
    %dma_start3A_273 = tpu.memref_slice %arg5[%add3A_271, %dma_start3A_272] : memref<8192x1024xf32, #tpu.memory_space<hbm>> -> memref<16x1024xf32, #tpu.memory_space<hbm>>
    %dma_start3A_274 = arith.constant 0 : i32
    %dma_start3A_275 = tpu.memref_slice %arg5[%add3A_271, %dma_start3A_274] : memref<8192x1024xf32, #tpu.memory_space<hbm>> -> memref<16x1024xf32, #tpu.memory_space<hbm>>
    tpu.enqueue_dma source(%arg8 : memref<16x1024xf32, #tpu.memory_space<vmem>>) target(%dma_start3A_275 : memref<16x1024xf32, #tpu.memory_space<hbm>>) target_semaphore(%arg20 : memref<!tpu.dma_semaphore, #tpu.memory_space<semaphore_mem>>)
    %dma_wait3A_276 = arith.constant 0 : i32
    %dma_wait3A_277 = tpu.memref_slice %arg5[%add3A_238, %dma_wait3A_276] : memref<8192x1024xf32, #tpu.memory_space<hbm>> -> memref<16x1024xf32, #tpu.memory_space<hbm>>
    %dma_wait3A_278 = arith.constant 0 : i32
    %dma_wait3A_279 = tpu.memref_slice %arg5[%add3A_238, %dma_wait3A_278] : memref<8192x1024xf32, #tpu.memory_space<hbm>> -> memref<16x1024xf32, #tpu.memory_space<hbm>>
    tpu.wait_dma2 semaphore(%arg19 : memref<!tpu.dma_semaphore, #tpu.memory_space<semaphore_mem>>) src(%arg7 : memref<16x1024xf32, #tpu.memory_space<vmem>>) dst(%dma_wait3A_279 : memref<16x1024xf32, #tpu.memory_space<hbm>>)
    %dma_start3A_280 = arith.constant 144 : i32
    %dma_start3A_281 = tpu.memref_slice %arg6[%dma_start3A_280] : memref<256xi32, #tpu.memory_space<vmem>> -> memref<16xi32, #tpu.memory_space<vmem>>
    %dma_start3A_282 = arith.constant 0 : i32
    %dma_start3A_283 = arith.constant 0 : i32
    %dma_start3A_284 = tpu.memref_slice %arg3[%dma_start3A_282, %dma_start3A_283] : memref<100000x1024xf32, #tpu.memory_space<hbm>> -> memref<100000x1024xf32, #tpu.memory_space<hbm>>
    tpu.enqueue_indirect_dma source(%dma_start3A_284 : memref<100000x1024xf32, #tpu.memory_space<hbm>>) target(%arg7 : memref<16x1024xf32, #tpu.memory_space<vmem>>) offsets(%dma_start3A_281 : memref<16xi32, #tpu.memory_space<vmem>>) semaphore(%arg13 : memref<!tpu.dma_semaphore, #tpu.memory_space<semaphore_mem>>)
    %add3A_285 = arith.constant 144 : i32
    %add3A_286 = arith.addi %select_n3A_11, %add3A_285 : i32
    %dma_start3A_287 = arith.constant 0 : i32
    %dma_start3A_288 = tpu.memref_slice %arg4[%add3A_286, %dma_start3A_287] : memref<8192x1024xf32, #tpu.memory_space<hbm>> -> memref<16x1024xf32, #tpu.memory_space<hbm>>
    %dma_start3A_289 = arith.constant 0 : i32
    %dma_start3A_290 = tpu.memref_slice %arg4[%add3A_286, %dma_start3A_289] : memref<8192x1024xf32, #tpu.memory_space<hbm>> -> memref<16x1024xf32, #tpu.memory_space<hbm>>
    tpu.enqueue_dma source(%dma_start3A_290 : memref<16x1024xf32, #tpu.memory_space<hbm>>) target(%arg10 : memref<16x1024xf32, #tpu.memory_space<vmem>>) target_semaphore(%arg16 : memref<!tpu.dma_semaphore, #tpu.memory_space<semaphore_mem>>)
    %dma_wait3A_291 = arith.constant 128 : i32
    %dma_wait3A_292 = tpu.memref_slice %arg6[%dma_wait3A_291] : memref<256xi32, #tpu.memory_space<vmem>> -> memref<16xi32, #tpu.memory_space<vmem>>
    %dma_wait3A_293 = arith.constant 0 : i32
    %dma_wait3A_294 = arith.constant 0 : i32
    %dma_wait3A_295 = tpu.memref_slice %arg3[%dma_wait3A_293, %dma_wait3A_294] : memref<100000x1024xf32, #tpu.memory_space<hbm>> -> memref<100000x1024xf32, #tpu.memory_space<hbm>>
    tpu.wait_indirect_dma semaphore(%arg15 : memref<!tpu.dma_semaphore, #tpu.memory_space<semaphore_mem>>) src(%dma_wait3A_295 : memref<100000x1024xf32, #tpu.memory_space<hbm>>) dst(%arg9 : memref<16x1024xf32, #tpu.memory_space<vmem>>)
    %dma_wait3A_296 = arith.constant 0 : i32
    %dma_wait3A_297 = tpu.memref_slice %arg4[%add3A_253, %dma_wait3A_296] : memref<8192x1024xf32, #tpu.memory_space<hbm>> -> memref<16x1024xf32, #tpu.memory_space<hbm>>
    %dma_wait3A_298 = arith.constant 0 : i32
    %dma_wait3A_299 = tpu.memref_slice %arg4[%add3A_253, %dma_wait3A_298] : memref<8192x1024xf32, #tpu.memory_space<hbm>> -> memref<16x1024xf32, #tpu.memory_space<hbm>>
    tpu.wait_dma2 semaphore(%arg18 : memref<!tpu.dma_semaphore, #tpu.memory_space<semaphore_mem>>) src(%dma_wait3A_299 : memref<16x1024xf32, #tpu.memory_space<hbm>>) dst(%arg12 : memref<16x1024xf32, #tpu.memory_space<vmem>>)
    %parallel_loop3A_300 = arith.constant 0 : i32
    %parallel_loop3A_301 = arith.constant 16384 : i32
    %parallel_loop3A_302 = arith.constant 32 : i32
    scf.for %parallel_loop3A_537 = %parallel_loop3A_300 to %parallel_loop3A_301 step %parallel_loop3A_302  : i32 {
      %parallel_loop3A_538 = arith.constant 1024 : i32
      %parallel_loop3A_539 = arith.divsi %parallel_loop3A_537, %parallel_loop3A_538 : i32
      %parallel_loop3A_540 = arith.constant 0 : i32
      %parallel_loop3A_541 = arith.cmpi sgt, %parallel_loop3A_537, %parallel_loop3A_540 : i32
      %parallel_loop3A_542 = arith.extui %parallel_loop3A_541 : i1 to i32
      %parallel_loop3A_543 = arith.constant 0 : i32
      %parallel_loop3A_544 = arith.cmpi slt, %parallel_loop3A_537, %parallel_loop3A_543 : i32
      %parallel_loop3A_545 = arith.extui %parallel_loop3A_544 : i1 to i32
      %parallel_loop3A_546 = arith.subi %parallel_loop3A_542, %parallel_loop3A_545 : i32
      %parallel_loop3A_547 = arith.constant 0 : i32
      %parallel_loop3A_548 = arith.cmpi sgt, %parallel_loop3A_538, %parallel_loop3A_547 : i32
      %parallel_loop3A_549 = arith.extui %parallel_loop3A_548 : i1 to i32
      %parallel_loop3A_550 = arith.constant 0 : i32
      %parallel_loop3A_551 = arith.cmpi slt, %parallel_loop3A_538, %parallel_loop3A_550 : i32
      %parallel_loop3A_552 = arith.extui %parallel_loop3A_551 : i1 to i32
      %parallel_loop3A_553 = arith.subi %parallel_loop3A_549, %parallel_loop3A_552 : i32
      %parallel_loop3A_554 = arith.cmpi ne, %parallel_loop3A_546, %parallel_loop3A_553 : i32
      %parallel_loop3A_555 = arith.remsi %parallel_loop3A_537, %parallel_loop3A_538 : i32
      %parallel_loop3A_556 = arith.constant 0 : i32
      %parallel_loop3A_557 = arith.cmpi ne, %parallel_loop3A_555, %parallel_loop3A_556 : i32
      %parallel_loop3A_558 = arith.andi %parallel_loop3A_554, %parallel_loop3A_557 : i1
      %parallel_loop3A_559 = arith.constant 1 : i32
      %parallel_loop3A_560 = arith.subi %parallel_loop3A_539, %parallel_loop3A_559 : i32
      %parallel_loop3A_561 = arith.select %parallel_loop3A_558, %parallel_loop3A_560, %parallel_loop3A_539 : i32
      %parallel_loop3A_562 = arith.constant 0 : i32
      %parallel_loop3A_563 = arith.cmpi eq, %parallel_loop3A_538, %parallel_loop3A_562 : i32
      %parallel_loop3A_564 = arith.constant 1 : i32
      %parallel_loop3A_565 = arith.select %parallel_loop3A_563, %parallel_loop3A_564, %parallel_loop3A_538 : i32
      %parallel_loop3A_566 = arith.remsi %parallel_loop3A_537, %parallel_loop3A_565 : i32
      %parallel_loop3A_567 = arith.constant 0 : i32
      %parallel_loop3A_568 = arith.cmpi ne, %parallel_loop3A_566, %parallel_loop3A_567 : i32
      %parallel_loop3A_569 = arith.constant 0 : i32
      %parallel_loop3A_570 = arith.cmpi slt, %parallel_loop3A_566, %parallel_loop3A_569 : i32
      %parallel_loop3A_571 = arith.constant 0 : i32
      %parallel_loop3A_572 = arith.cmpi slt, %parallel_loop3A_565, %parallel_loop3A_571 : i32
      %parallel_loop3A_573 = arith.xori %parallel_loop3A_570, %parallel_loop3A_572 : i1
      %parallel_loop3A_574 = arith.andi %parallel_loop3A_573, %parallel_loop3A_568 : i1
      %parallel_loop3A_575 = arith.addi %parallel_loop3A_566, %parallel_loop3A_565 : i32
      %parallel_loop3A_576 = arith.select %parallel_loop3A_574, %parallel_loop3A_575, %parallel_loop3A_566 : i32
      %parallel_loop3A_577 = arith.constant 0 : i32
      %parallel_loop3A_578 = arith.addi %parallel_loop3A_576, %parallel_loop3A_577 : i32
      %parallel_loop3A_579 = arith.index_cast %parallel_loop3A_561 : i32 to index
      %parallel_loop3A_580 = arith.index_cast %parallel_loop3A_578 : i32 to index
      %parallel_loop3A_581 = tpu.vector_load %arg9[%parallel_loop3A_579, %parallel_loop3A_580] {strides = array<i32>} : memref<16x1024xf32, #tpu.memory_space<vmem>>, vector<1x16xf32>,
      %parallel_loop3A_582 = vector.shape_cast %parallel_loop3A_581 : vector<1x16xf32> to vector<16xf32>
      %parallel_loop3A_583 = arith.index_cast %parallel_loop3A_561 : i32 to index
      %parallel_loop3A_584 = arith.index_cast %parallel_loop3A_578 : i32 to index
      %parallel_loop3A_585 = tpu.vector_load %arg12[%parallel_loop3A_583, %parallel_loop3A_584] {strides = array<i32>} : memref<16x1024xf32, #tpu.memory_space<vmem>>, vector<1x16xf32>,
      %parallel_loop3A_586 = vector.shape_cast %parallel_loop3A_585 : vector<1x16xf32> to vector<16xf32>
      %parallel_loop3A_587 = arith.addf %parallel_loop3A_582, %parallel_loop3A_586 : vector<16xf32>
      %parallel_loop3A_588 = arith.index_cast %parallel_loop3A_561 : i32 to index
      %parallel_loop3A_589 = arith.index_cast %parallel_loop3A_578 : i32 to index
      %parallel_loop3A_590 = tpu.vector_load %arg9[%parallel_loop3A_588, %parallel_loop3A_589] {strides = array<i32>} : memref<16x1024xf32, #tpu.memory_space<vmem>>, vector<1x16xf32>,
      %parallel_loop3A_591 = vector.shape_cast %parallel_loop3A_590 : vector<1x16xf32> to vector<16xf32>
      %parallel_loop3A_592 = vector.shape_cast %parallel_loop3A_587 : vector<16xf32> to vector<1x16xf32>
      tpu.vector_store %arg9[%parallel_loop3A_588, %parallel_loop3A_589], %parallel_loop3A_592 {strides = array<i32>} : memref<16x1024xf32, #tpu.memory_space<vmem>>, vector<1x16xf32>,
      %parallel_loop3A_593 = arith.constant 16 : i32
      %parallel_loop3A_594 = arith.addi %parallel_loop3A_576, %parallel_loop3A_593 : i32
      %parallel_loop3A_595 = arith.index_cast %parallel_loop3A_561 : i32 to index
      %parallel_loop3A_596 = arith.index_cast %parallel_loop3A_594 : i32 to index
      %parallel_loop3A_597 = tpu.vector_load %arg9[%parallel_loop3A_595, %parallel_loop3A_596] {strides = array<i32>} : memref<16x1024xf32, #tpu.memory_space<vmem>>, vector<1x16xf32>,
      %parallel_loop3A_598 = vector.shape_cast %parallel_loop3A_597 : vector<1x16xf32> to vector<16xf32>
      %parallel_loop3A_599 = arith.index_cast %parallel_loop3A_561 : i32 to index
      %parallel_loop3A_600 = arith.index_cast %parallel_loop3A_594 : i32 to index
      %parallel_loop3A_601 = tpu.vector_load %arg12[%parallel_loop3A_599, %parallel_loop3A_600] {strides = array<i32>} : memref<16x1024xf32, #tpu.memory_space<vmem>>, vector<1x16xf32>,
      %parallel_loop3A_602 = vector.shape_cast %parallel_loop3A_601 : vector<1x16xf32> to vector<16xf32>
      %parallel_loop3A_603 = arith.addf %parallel_loop3A_598, %parallel_loop3A_602 : vector<16xf32>
      %parallel_loop3A_604 = arith.index_cast %parallel_loop3A_561 : i32 to index
      %parallel_loop3A_605 = arith.index_cast %parallel_loop3A_594 : i32 to index
      %parallel_loop3A_606 = tpu.vector_load %arg9[%parallel_loop3A_604, %parallel_loop3A_605] {strides = array<i32>} : memref<16x1024xf32, #tpu.memory_space<vmem>>, vector<1x16xf32>,
      %parallel_loop3A_607 = vector.shape_cast %parallel_loop3A_606 : vector<1x16xf32> to vector<16xf32>
      %parallel_loop3A_608 = vector.shape_cast %parallel_loop3A_603 : vector<16xf32> to vector<1x16xf32>
      tpu.vector_store %arg9[%parallel_loop3A_604, %parallel_loop3A_605], %parallel_loop3A_608 {strides = array<i32>} : memref<16x1024xf32, #tpu.memory_space<vmem>>, vector<1x16xf32>,
    } {sc.loop_unroll_factor = 2 : i64, sc.parallel_access}
    %add3A_303 = arith.constant 128 : i32
    %add3A_304 = arith.addi %mul3A_2, %add3A_303 : i32
    %dma_start3A_305 = arith.constant 0 : i32
    %dma_start3A_306 = tpu.memref_slice %arg5[%add3A_304, %dma_start3A_305] : memref<8192x1024xf32, #tpu.memory_space<hbm>> -> memref<16x1024xf32, #tpu.memory_space<hbm>>
    %dma_start3A_307 = arith.constant 0 : i32
    %dma_start3A_308 = tpu.memref_slice %arg5[%add3A_304, %dma_start3A_307] : memref<8192x1024xf32, #tpu.memory_space<hbm>> -> memref<16x1024xf32, #tpu.memory_space<hbm>>
    tpu.enqueue_dma source(%arg9 : memref<16x1024xf32, #tpu.memory_space<vmem>>) target(%dma_start3A_308 : memref<16x1024xf32, #tpu.memory_space<hbm>>) target_semaphore(%arg21 : memref<!tpu.dma_semaphore, #tpu.memory_space<semaphore_mem>>)
    %dma_wait3A_309 = arith.constant 0 : i32
    %dma_wait3A_310 = tpu.memref_slice %arg5[%add3A_271, %dma_wait3A_309] : memref<8192x1024xf32, #tpu.memory_space<hbm>> -> memref<16x1024xf32, #tpu.memory_space<hbm>>
    %dma_wait3A_311 = arith.constant 0 : i32
    %dma_wait3A_312 = tpu.memref_slice %arg5[%add3A_271, %dma_wait3A_311] : memref<8192x1024xf32, #tpu.memory_space<hbm>> -> memref<16x1024xf32, #tpu.memory_space<hbm>>
    tpu.wait_dma2 semaphore(%arg20 : memref<!tpu.dma_semaphore, #tpu.memory_space<semaphore_mem>>) src(%arg8 : memref<16x1024xf32, #tpu.memory_space<vmem>>) dst(%dma_wait3A_312 : memref<16x1024xf32, #tpu.memory_space<hbm>>)
    %dma_start3A_313 = arith.constant 160 : i32
    %dma_start3A_314 = tpu.memref_slice %arg6[%dma_start3A_313] : memref<256xi32, #tpu.memory_space<vmem>> -> memref<16xi32, #tpu.memory_space<vmem>>
    %dma_start3A_315 = arith.constant 0 : i32
    %dma_start3A_316 = arith.constant 0 : i32
    %dma_start3A_317 = tpu.memref_slice %arg3[%dma_start3A_315, %dma_start3A_316] : memref<100000x1024xf32, #tpu.memory_space<hbm>> -> memref<100000x1024xf32, #tpu.memory_space<hbm>>
    tpu.enqueue_indirect_dma source(%dma_start3A_317 : memref<100000x1024xf32, #tpu.memory_space<hbm>>) target(%arg8 : memref<16x1024xf32, #tpu.memory_space<vmem>>) offsets(%dma_start3A_314 : memref<16xi32, #tpu.memory_space<vmem>>) semaphore(%arg14 : memref<!tpu.dma_semaphore, #tpu.memory_space<semaphore_mem>>)
    %add3A_318 = arith.constant 160 : i32
    %add3A_319 = arith.addi %select_n3A_11, %add3A_318 : i32
    %dma_start3A_320 = arith.constant 0 : i32
    %dma_start3A_321 = tpu.memref_slice %arg4[%add3A_319, %dma_start3A_320] : memref<8192x1024xf32, #tpu.memory_space<hbm>> -> memref<16x1024xf32, #tpu.memory_space<hbm>>
    %dma_start3A_322 = arith.constant 0 : i32
    %dma_start3A_323 = tpu.memref_slice %arg4[%add3A_319, %dma_start3A_322] : memref<8192x1024xf32, #tpu.memory_space<hbm>> -> memref<16x1024xf32, #tpu.memory_space<hbm>>
    tpu.enqueue_dma source(%dma_start3A_323 : memref<16x1024xf32, #tpu.memory_space<hbm>>) target(%arg11 : memref<16x1024xf32, #tpu.memory_space<vmem>>) target_semaphore(%arg17 : memref<!tpu.dma_semaphore, #tpu.memory_space<semaphore_mem>>)
    %dma_wait3A_324 = arith.constant 144 : i32
    %dma_wait3A_325 = tpu.memref_slice %arg6[%dma_wait3A_324] : memref<256xi32, #tpu.memory_space<vmem>> -> memref<16xi32, #tpu.memory_space<vmem>>
    %dma_wait3A_326 = arith.constant 0 : i32
    %dma_wait3A_327 = arith.constant 0 : i32
    %dma_wait3A_328 = tpu.memref_slice %arg3[%dma_wait3A_326, %dma_wait3A_327] : memref<100000x1024xf32, #tpu.memory_space<hbm>> -> memref<100000x1024xf32, #tpu.memory_space<hbm>>
    tpu.wait_indirect_dma semaphore(%arg13 : memref<!tpu.dma_semaphore, #tpu.memory_space<semaphore_mem>>) src(%dma_wait3A_328 : memref<100000x1024xf32, #tpu.memory_space<hbm>>) dst(%arg7 : memref<16x1024xf32, #tpu.memory_space<vmem>>)
    %dma_wait3A_329 = arith.constant 0 : i32
    %dma_wait3A_330 = tpu.memref_slice %arg4[%add3A_286, %dma_wait3A_329] : memref<8192x1024xf32, #tpu.memory_space<hbm>> -> memref<16x1024xf32, #tpu.memory_space<hbm>>
    %dma_wait3A_331 = arith.constant 0 : i32
    %dma_wait3A_332 = tpu.memref_slice %arg4[%add3A_286, %dma_wait3A_331] : memref<8192x1024xf32, #tpu.memory_space<hbm>> -> memref<16x1024xf32, #tpu.memory_space<hbm>>
    tpu.wait_dma2 semaphore(%arg16 : memref<!tpu.dma_semaphore, #tpu.memory_space<semaphore_mem>>) src(%dma_wait3A_332 : memref<16x1024xf32, #tpu.memory_space<hbm>>) dst(%arg10 : memref<16x1024xf32, #tpu.memory_space<vmem>>)
    %parallel_loop3A_333 = arith.constant 0 : i32
    %parallel_loop3A_334 = arith.constant 16384 : i32
    %parallel_loop3A_335 = arith.constant 32 : i32
    scf.for %parallel_loop3A_537 = %parallel_loop3A_333 to %parallel_loop3A_334 step %parallel_loop3A_335  : i32 {
      %parallel_loop3A_538 = arith.constant 1024 : i32
      %parallel_loop3A_539 = arith.divsi %parallel_loop3A_537, %parallel_loop3A_538 : i32
      %parallel_loop3A_540 = arith.constant 0 : i32
      %parallel_loop3A_541 = arith.cmpi sgt, %parallel_loop3A_537, %parallel_loop3A_540 : i32
      %parallel_loop3A_542 = arith.extui %parallel_loop3A_541 : i1 to i32
      %parallel_loop3A_543 = arith.constant 0 : i32
      %parallel_loop3A_544 = arith.cmpi slt, %parallel_loop3A_537, %parallel_loop3A_543 : i32
      %parallel_loop3A_545 = arith.extui %parallel_loop3A_544 : i1 to i32
      %parallel_loop3A_546 = arith.subi %parallel_loop3A_542, %parallel_loop3A_545 : i32
      %parallel_loop3A_547 = arith.constant 0 : i32
      %parallel_loop3A_548 = arith.cmpi sgt, %parallel_loop3A_538, %parallel_loop3A_547 : i32
      %parallel_loop3A_549 = arith.extui %parallel_loop3A_548 : i1 to i32
      %parallel_loop3A_550 = arith.constant 0 : i32
      %parallel_loop3A_551 = arith.cmpi slt, %parallel_loop3A_538, %parallel_loop3A_550 : i32
      %parallel_loop3A_552 = arith.extui %parallel_loop3A_551 : i1 to i32
      %parallel_loop3A_553 = arith.subi %parallel_loop3A_549, %parallel_loop3A_552 : i32
      %parallel_loop3A_554 = arith.cmpi ne, %parallel_loop3A_546, %parallel_loop3A_553 : i32
      %parallel_loop3A_555 = arith.remsi %parallel_loop3A_537, %parallel_loop3A_538 : i32
      %parallel_loop3A_556 = arith.constant 0 : i32
      %parallel_loop3A_557 = arith.cmpi ne, %parallel_loop3A_555, %parallel_loop3A_556 : i32
      %parallel_loop3A_558 = arith.andi %parallel_loop3A_554, %parallel_loop3A_557 : i1
      %parallel_loop3A_559 = arith.constant 1 : i32
      %parallel_loop3A_560 = arith.subi %parallel_loop3A_539, %parallel_loop3A_559 : i32
      %parallel_loop3A_561 = arith.select %parallel_loop3A_558, %parallel_loop3A_560, %parallel_loop3A_539 : i32
      %parallel_loop3A_562 = arith.constant 0 : i32
      %parallel_loop3A_563 = arith.cmpi eq, %parallel_loop3A_538, %parallel_loop3A_562 : i32
      %parallel_loop3A_564 = arith.constant 1 : i32
      %parallel_loop3A_565 = arith.select %parallel_loop3A_563, %parallel_loop3A_564, %parallel_loop3A_538 : i32
      %parallel_loop3A_566 = arith.remsi %parallel_loop3A_537, %parallel_loop3A_565 : i32
      %parallel_loop3A_567 = arith.constant 0 : i32
      %parallel_loop3A_568 = arith.cmpi ne, %parallel_loop3A_566, %parallel_loop3A_567 : i32
      %parallel_loop3A_569 = arith.constant 0 : i32
      %parallel_loop3A_570 = arith.cmpi slt, %parallel_loop3A_566, %parallel_loop3A_569 : i32
      %parallel_loop3A_571 = arith.constant 0 : i32
      %parallel_loop3A_572 = arith.cmpi slt, %parallel_loop3A_565, %parallel_loop3A_571 : i32
      %parallel_loop3A_573 = arith.xori %parallel_loop3A_570, %parallel_loop3A_572 : i1
      %parallel_loop3A_574 = arith.andi %parallel_loop3A_573, %parallel_loop3A_568 : i1
      %parallel_loop3A_575 = arith.addi %parallel_loop3A_566, %parallel_loop3A_565 : i32
      %parallel_loop3A_576 = arith.select %parallel_loop3A_574, %parallel_loop3A_575, %parallel_loop3A_566 : i32
      %parallel_loop3A_577 = arith.constant 0 : i32
      %parallel_loop3A_578 = arith.addi %parallel_loop3A_576, %parallel_loop3A_577 : i32
      %parallel_loop3A_579 = arith.index_cast %parallel_loop3A_561 : i32 to index
      %parallel_loop3A_580 = arith.index_cast %parallel_loop3A_578 : i32 to index
      %parallel_loop3A_581 = tpu.vector_load %arg7[%parallel_loop3A_579, %parallel_loop3A_580] {strides = array<i32>} : memref<16x1024xf32, #tpu.memory_space<vmem>>, vector<1x16xf32>,
      %parallel_loop3A_582 = vector.shape_cast %parallel_loop3A_581 : vector<1x16xf32> to vector<16xf32>
      %parallel_loop3A_583 = arith.index_cast %parallel_loop3A_561 : i32 to index
      %parallel_loop3A_584 = arith.index_cast %parallel_loop3A_578 : i32 to index
      %parallel_loop3A_585 = tpu.vector_load %arg10[%parallel_loop3A_583, %parallel_loop3A_584] {strides = array<i32>} : memref<16x1024xf32, #tpu.memory_space<vmem>>, vector<1x16xf32>,
      %parallel_loop3A_586 = vector.shape_cast %parallel_loop3A_585 : vector<1x16xf32> to vector<16xf32>
      %parallel_loop3A_587 = arith.addf %parallel_loop3A_582, %parallel_loop3A_586 : vector<16xf32>
      %parallel_loop3A_588 = arith.index_cast %parallel_loop3A_561 : i32 to index
      %parallel_loop3A_589 = arith.index_cast %parallel_loop3A_578 : i32 to index
      %parallel_loop3A_590 = tpu.vector_load %arg7[%parallel_loop3A_588, %parallel_loop3A_589] {strides = array<i32>} : memref<16x1024xf32, #tpu.memory_space<vmem>>, vector<1x16xf32>,
      %parallel_loop3A_591 = vector.shape_cast %parallel_loop3A_590 : vector<1x16xf32> to vector<16xf32>
      %parallel_loop3A_592 = vector.shape_cast %parallel_loop3A_587 : vector<16xf32> to vector<1x16xf32>
      tpu.vector_store %arg7[%parallel_loop3A_588, %parallel_loop3A_589], %parallel_loop3A_592 {strides = array<i32>} : memref<16x1024xf32, #tpu.memory_space<vmem>>, vector<1x16xf32>,
      %parallel_loop3A_593 = arith.constant 16 : i32
      %parallel_loop3A_594 = arith.addi %parallel_loop3A_576, %parallel_loop3A_593 : i32
      %parallel_loop3A_595 = arith.index_cast %parallel_loop3A_561 : i32 to index
      %parallel_loop3A_596 = arith.index_cast %parallel_loop3A_594 : i32 to index
      %parallel_loop3A_597 = tpu.vector_load %arg7[%parallel_loop3A_595, %parallel_loop3A_596] {strides = array<i32>} : memref<16x1024xf32, #tpu.memory_space<vmem>>, vector<1x16xf32>,
      %parallel_loop3A_598 = vector.shape_cast %parallel_loop3A_597 : vector<1x16xf32> to vector<16xf32>
      %parallel_loop3A_599 = arith.index_cast %parallel_loop3A_561 : i32 to index
      %parallel_loop3A_600 = arith.index_cast %parallel_loop3A_594 : i32 to index
      %parallel_loop3A_601 = tpu.vector_load %arg10[%parallel_loop3A_599, %parallel_loop3A_600] {strides = array<i32>} : memref<16x1024xf32, #tpu.memory_space<vmem>>, vector<1x16xf32>,
      %parallel_loop3A_602 = vector.shape_cast %parallel_loop3A_601 : vector<1x16xf32> to vector<16xf32>
      %parallel_loop3A_603 = arith.addf %parallel_loop3A_598, %parallel_loop3A_602 : vector<16xf32>
      %parallel_loop3A_604 = arith.index_cast %parallel_loop3A_561 : i32 to index
      %parallel_loop3A_605 = arith.index_cast %parallel_loop3A_594 : i32 to index
      %parallel_loop3A_606 = tpu.vector_load %arg7[%parallel_loop3A_604, %parallel_loop3A_605] {strides = array<i32>} : memref<16x1024xf32, #tpu.memory_space<vmem>>, vector<1x16xf32>,
      %parallel_loop3A_607 = vector.shape_cast %parallel_loop3A_606 : vector<1x16xf32> to vector<16xf32>
      %parallel_loop3A_608 = vector.shape_cast %parallel_loop3A_603 : vector<16xf32> to vector<1x16xf32>
      tpu.vector_store %arg7[%parallel_loop3A_604, %parallel_loop3A_605], %parallel_loop3A_608 {strides = array<i32>} : memref<16x1024xf32, #tpu.memory_space<vmem>>, vector<1x16xf32>,
    } {sc.loop_unroll_factor = 2 : i64, sc.parallel_access}
    %add3A_336 = arith.constant 144 : i32
    %add3A_337 = arith.addi %mul3A_2, %add3A_336 : i32
    %dma_start3A_338 = arith.constant 0 : i32
    %dma_start3A_339 = tpu.memref_slice %arg5[%add3A_337, %dma_start3A_338] : memref<8192x1024xf32, #tpu.memory_space<hbm>> -> memref<16x1024xf32, #tpu.memory_space<hbm>>
    %dma_start3A_340 = arith.constant 0 : i32
    %dma_start3A_341 = tpu.memref_slice %arg5[%add3A_337, %dma_start3A_340] : memref<8192x1024xf32, #tpu.memory_space<hbm>> -> memref<16x1024xf32, #tpu.memory_space<hbm>>
    tpu.enqueue_dma source(%arg7 : memref<16x1024xf32, #tpu.memory_space<vmem>>) target(%dma_start3A_341 : memref<16x1024xf32, #tpu.memory_space<hbm>>) target_semaphore(%arg19 : memref<!tpu.dma_semaphore, #tpu.memory_space<semaphore_mem>>)
    %dma_wait3A_342 = arith.constant 0 : i32
    %dma_wait3A_343 = tpu.memref_slice %arg5[%add3A_304, %dma_wait3A_342] : memref<8192x1024xf32, #tpu.memory_space<hbm>> -> memref<16x1024xf32, #tpu.memory_space<hbm>>
    %dma_wait3A_344 = arith.constant 0 : i32
    %dma_wait3A_345 = tpu.memref_slice %arg5[%add3A_304, %dma_wait3A_344] : memref<8192x1024xf32, #tpu.memory_space<hbm>> -> memref<16x1024xf32, #tpu.memory_space<hbm>>
    tpu.wait_dma2 semaphore(%arg21 : memref<!tpu.dma_semaphore, #tpu.memory_space<semaphore_mem>>) src(%arg9 : memref<16x1024xf32, #tpu.memory_space<vmem>>) dst(%dma_wait3A_345 : memref<16x1024xf32, #tpu.memory_space<hbm>>)
    %dma_start3A_346 = arith.constant 176 : i32
    %dma_start3A_347 = tpu.memref_slice %arg6[%dma_start3A_346] : memref<256xi32, #tpu.memory_space<vmem>> -> memref<16xi32, #tpu.memory_space<vmem>>
    %dma_start3A_348 = arith.constant 0 : i32
    %dma_start3A_349 = arith.constant 0 : i32
    %dma_start3A_350 = tpu.memref_slice %arg3[%dma_start3A_348, %dma_start3A_349] : memref<100000x1024xf32, #tpu.memory_space<hbm>> -> memref<100000x1024xf32, #tpu.memory_space<hbm>>
    tpu.enqueue_indirect_dma source(%dma_start3A_350 : memref<100000x1024xf32, #tpu.memory_space<hbm>>) target(%arg9 : memref<16x1024xf32, #tpu.memory_space<vmem>>) offsets(%dma_start3A_347 : memref<16xi32, #tpu.memory_space<vmem>>) semaphore(%arg15 : memref<!tpu.dma_semaphore, #tpu.memory_space<semaphore_mem>>)
    %add3A_351 = arith.constant 176 : i32
    %add3A_352 = arith.addi %select_n3A_11, %add3A_351 : i32
    %dma_start3A_353 = arith.constant 0 : i32
    %dma_start3A_354 = tpu.memref_slice %arg4[%add3A_352, %dma_start3A_353] : memref<8192x1024xf32, #tpu.memory_space<hbm>> -> memref<16x1024xf32, #tpu.memory_space<hbm>>
    %dma_start3A_355 = arith.constant 0 : i32
    %dma_start3A_356 = tpu.memref_slice %arg4[%add3A_352, %dma_start3A_355] : memref<8192x1024xf32, #tpu.memory_space<hbm>> -> memref<16x1024xf32, #tpu.memory_space<hbm>>
    tpu.enqueue_dma source(%dma_start3A_356 : memref<16x1024xf32, #tpu.memory_space<hbm>>) target(%arg12 : memref<16x1024xf32, #tpu.memory_space<vmem>>) target_semaphore(%arg18 : memref<!tpu.dma_semaphore, #tpu.memory_space<semaphore_mem>>)
    %dma_wait3A_357 = arith.constant 160 : i32
    %dma_wait3A_358 = tpu.memref_slice %arg6[%dma_wait3A_357] : memref<256xi32, #tpu.memory_space<vmem>> -> memref<16xi32, #tpu.memory_space<vmem>>
    %dma_wait3A_359 = arith.constant 0 : i32
    %dma_wait3A_360 = arith.constant 0 : i32
    %dma_wait3A_361 = tpu.memref_slice %arg3[%dma_wait3A_359, %dma_wait3A_360] : memref<100000x1024xf32, #tpu.memory_space<hbm>> -> memref<100000x1024xf32, #tpu.memory_space<hbm>>
    tpu.wait_indirect_dma semaphore(%arg14 : memref<!tpu.dma_semaphore, #tpu.memory_space<semaphore_mem>>) src(%dma_wait3A_361 : memref<100000x1024xf32, #tpu.memory_space<hbm>>) dst(%arg8 : memref<16x1024xf32, #tpu.memory_space<vmem>>)
    %dma_wait3A_362 = arith.constant 0 : i32
    %dma_wait3A_363 = tpu.memref_slice %arg4[%add3A_319, %dma_wait3A_362] : memref<8192x1024xf32, #tpu.memory_space<hbm>> -> memref<16x1024xf32, #tpu.memory_space<hbm>>
    %dma_wait3A_364 = arith.constant 0 : i32
    %dma_wait3A_365 = tpu.memref_slice %arg4[%add3A_319, %dma_wait3A_364] : memref<8192x1024xf32, #tpu.memory_space<hbm>> -> memref<16x1024xf32, #tpu.memory_space<hbm>>
    tpu.wait_dma2 semaphore(%arg17 : memref<!tpu.dma_semaphore, #tpu.memory_space<semaphore_mem>>) src(%dma_wait3A_365 : memref<16x1024xf32, #tpu.memory_space<hbm>>) dst(%arg11 : memref<16x1024xf32, #tpu.memory_space<vmem>>)
    %parallel_loop3A_366 = arith.constant 0 : i32
    %parallel_loop3A_367 = arith.constant 16384 : i32
    %parallel_loop3A_368 = arith.constant 32 : i32
    scf.for %parallel_loop3A_537 = %parallel_loop3A_366 to %parallel_loop3A_367 step %parallel_loop3A_368  : i32 {
      %parallel_loop3A_538 = arith.constant 1024 : i32
      %parallel_loop3A_539 = arith.divsi %parallel_loop3A_537, %parallel_loop3A_538 : i32
      %parallel_loop3A_540 = arith.constant 0 : i32
      %parallel_loop3A_541 = arith.cmpi sgt, %parallel_loop3A_537, %parallel_loop3A_540 : i32
      %parallel_loop3A_542 = arith.extui %parallel_loop3A_541 : i1 to i32
      %parallel_loop3A_543 = arith.constant 0 : i32
      %parallel_loop3A_544 = arith.cmpi slt, %parallel_loop3A_537, %parallel_loop3A_543 : i32
      %parallel_loop3A_545 = arith.extui %parallel_loop3A_544 : i1 to i32
      %parallel_loop3A_546 = arith.subi %parallel_loop3A_542, %parallel_loop3A_545 : i32
      %parallel_loop3A_547 = arith.constant 0 : i32
      %parallel_loop3A_548 = arith.cmpi sgt, %parallel_loop3A_538, %parallel_loop3A_547 : i32
      %parallel_loop3A_549 = arith.extui %parallel_loop3A_548 : i1 to i32
      %parallel_loop3A_550 = arith.constant 0 : i32
      %parallel_loop3A_551 = arith.cmpi slt, %parallel_loop3A_538, %parallel_loop3A_550 : i32
      %parallel_loop3A_552 = arith.extui %parallel_loop3A_551 : i1 to i32
      %parallel_loop3A_553 = arith.subi %parallel_loop3A_549, %parallel_loop3A_552 : i32
      %parallel_loop3A_554 = arith.cmpi ne, %parallel_loop3A_546, %parallel_loop3A_553 : i32
      %parallel_loop3A_555 = arith.remsi %parallel_loop3A_537, %parallel_loop3A_538 : i32
      %parallel_loop3A_556 = arith.constant 0 : i32
      %parallel_loop3A_557 = arith.cmpi ne, %parallel_loop3A_555, %parallel_loop3A_556 : i32
      %parallel_loop3A_558 = arith.andi %parallel_loop3A_554, %parallel_loop3A_557 : i1
      %parallel_loop3A_559 = arith.constant 1 : i32
      %parallel_loop3A_560 = arith.subi %parallel_loop3A_539, %parallel_loop3A_559 : i32
      %parallel_loop3A_561 = arith.select %parallel_loop3A_558, %parallel_loop3A_560, %parallel_loop3A_539 : i32
      %parallel_loop3A_562 = arith.constant 0 : i32
      %parallel_loop3A_563 = arith.cmpi eq, %parallel_loop3A_538, %parallel_loop3A_562 : i32
      %parallel_loop3A_564 = arith.constant 1 : i32
      %parallel_loop3A_565 = arith.select %parallel_loop3A_563, %parallel_loop3A_564, %parallel_loop3A_538 : i32
      %parallel_loop3A_566 = arith.remsi %parallel_loop3A_537, %parallel_loop3A_565 : i32
      %parallel_loop3A_567 = arith.constant 0 : i32
      %parallel_loop3A_568 = arith.cmpi ne, %parallel_loop3A_566, %parallel_loop3A_567 : i32
      %parallel_loop3A_569 = arith.constant 0 : i32
      %parallel_loop3A_570 = arith.cmpi slt, %parallel_loop3A_566, %parallel_loop3A_569 : i32
      %parallel_loop3A_571 = arith.constant 0 : i32
      %parallel_loop3A_572 = arith.cmpi slt, %parallel_loop3A_565, %parallel_loop3A_571 : i32
      %parallel_loop3A_573 = arith.xori %parallel_loop3A_570, %parallel_loop3A_572 : i1
      %parallel_loop3A_574 = arith.andi %parallel_loop3A_573, %parallel_loop3A_568 : i1
      %parallel_loop3A_575 = arith.addi %parallel_loop3A_566, %parallel_loop3A_565 : i32
      %parallel_loop3A_576 = arith.select %parallel_loop3A_574, %parallel_loop3A_575, %parallel_loop3A_566 : i32
      %parallel_loop3A_577 = arith.constant 0 : i32
      %parallel_loop3A_578 = arith.addi %parallel_loop3A_576, %parallel_loop3A_577 : i32
      %parallel_loop3A_579 = arith.index_cast %parallel_loop3A_561 : i32 to index
      %parallel_loop3A_580 = arith.index_cast %parallel_loop3A_578 : i32 to index
      %parallel_loop3A_581 = tpu.vector_load %arg8[%parallel_loop3A_579, %parallel_loop3A_580] {strides = array<i32>} : memref<16x1024xf32, #tpu.memory_space<vmem>>, vector<1x16xf32>,
      %parallel_loop3A_582 = vector.shape_cast %parallel_loop3A_581 : vector<1x16xf32> to vector<16xf32>
      %parallel_loop3A_583 = arith.index_cast %parallel_loop3A_561 : i32 to index
      %parallel_loop3A_584 = arith.index_cast %parallel_loop3A_578 : i32 to index
      %parallel_loop3A_585 = tpu.vector_load %arg11[%parallel_loop3A_583, %parallel_loop3A_584] {strides = array<i32>} : memref<16x1024xf32, #tpu.memory_space<vmem>>, vector<1x16xf32>,
      %parallel_loop3A_586 = vector.shape_cast %parallel_loop3A_585 : vector<1x16xf32> to vector<16xf32>
      %parallel_loop3A_587 = arith.addf %parallel_loop3A_582, %parallel_loop3A_586 : vector<16xf32>
      %parallel_loop3A_588 = arith.index_cast %parallel_loop3A_561 : i32 to index
      %parallel_loop3A_589 = arith.index_cast %parallel_loop3A_578 : i32 to index
      %parallel_loop3A_590 = tpu.vector_load %arg8[%parallel_loop3A_588, %parallel_loop3A_589] {strides = array<i32>} : memref<16x1024xf32, #tpu.memory_space<vmem>>, vector<1x16xf32>,
      %parallel_loop3A_591 = vector.shape_cast %parallel_loop3A_590 : vector<1x16xf32> to vector<16xf32>
      %parallel_loop3A_592 = vector.shape_cast %parallel_loop3A_587 : vector<16xf32> to vector<1x16xf32>
      tpu.vector_store %arg8[%parallel_loop3A_588, %parallel_loop3A_589], %parallel_loop3A_592 {strides = array<i32>} : memref<16x1024xf32, #tpu.memory_space<vmem>>, vector<1x16xf32>,
      %parallel_loop3A_593 = arith.constant 16 : i32
      %parallel_loop3A_594 = arith.addi %parallel_loop3A_576, %parallel_loop3A_593 : i32
      %parallel_loop3A_595 = arith.index_cast %parallel_loop3A_561 : i32 to index
      %parallel_loop3A_596 = arith.index_cast %parallel_loop3A_594 : i32 to index
      %parallel_loop3A_597 = tpu.vector_load %arg8[%parallel_loop3A_595, %parallel_loop3A_596] {strides = array<i32>} : memref<16x1024xf32, #tpu.memory_space<vmem>>, vector<1x16xf32>,
      %parallel_loop3A_598 = vector.shape_cast %parallel_loop3A_597 : vector<1x16xf32> to vector<16xf32>
      %parallel_loop3A_599 = arith.index_cast %parallel_loop3A_561 : i32 to index
      %parallel_loop3A_600 = arith.index_cast %parallel_loop3A_594 : i32 to index
      %parallel_loop3A_601 = tpu.vector_load %arg11[%parallel_loop3A_599, %parallel_loop3A_600] {strides = array<i32>} : memref<16x1024xf32, #tpu.memory_space<vmem>>, vector<1x16xf32>,
      %parallel_loop3A_602 = vector.shape_cast %parallel_loop3A_601 : vector<1x16xf32> to vector<16xf32>
      %parallel_loop3A_603 = arith.addf %parallel_loop3A_598, %parallel_loop3A_602 : vector<16xf32>
      %parallel_loop3A_604 = arith.index_cast %parallel_loop3A_561 : i32 to index
      %parallel_loop3A_605 = arith.index_cast %parallel_loop3A_594 : i32 to index
      %parallel_loop3A_606 = tpu.vector_load %arg8[%parallel_loop3A_604, %parallel_loop3A_605] {strides = array<i32>} : memref<16x1024xf32, #tpu.memory_space<vmem>>, vector<1x16xf32>,
      %parallel_loop3A_607 = vector.shape_cast %parallel_loop3A_606 : vector<1x16xf32> to vector<16xf32>
      %parallel_loop3A_608 = vector.shape_cast %parallel_loop3A_603 : vector<16xf32> to vector<1x16xf32>
      tpu.vector_store %arg8[%parallel_loop3A_604, %parallel_loop3A_605], %parallel_loop3A_608 {strides = array<i32>} : memref<16x1024xf32, #tpu.memory_space<vmem>>, vector<1x16xf32>,
    } {sc.loop_unroll_factor = 2 : i64, sc.parallel_access}
    %add3A_369 = arith.constant 160 : i32
    %add3A_370 = arith.addi %mul3A_2, %add3A_369 : i32
    %dma_start3A_371 = arith.constant 0 : i32
    %dma_start3A_372 = tpu.memref_slice %arg5[%add3A_370, %dma_start3A_371] : memref<8192x1024xf32, #tpu.memory_space<hbm>> -> memref<16x1024xf32, #tpu.memory_space<hbm>>
    %dma_start3A_373 = arith.constant 0 : i32
    %dma_start3A_374 = tpu.memref_slice %arg5[%add3A_370, %dma_start3A_373] : memref<8192x1024xf32, #tpu.memory_space<hbm>> -> memref<16x1024xf32, #tpu.memory_space<hbm>>
    tpu.enqueue_dma source(%arg8 : memref<16x1024xf32, #tpu.memory_space<vmem>>) target(%dma_start3A_374 : memref<16x1024xf32, #tpu.memory_space<hbm>>) target_semaphore(%arg20 : memref<!tpu.dma_semaphore, #tpu.memory_space<semaphore_mem>>)
    %dma_wait3A_375 = arith.constant 0 : i32
    %dma_wait3A_376 = tpu.memref_slice %arg5[%add3A_337, %dma_wait3A_375] : memref<8192x1024xf32, #tpu.memory_space<hbm>> -> memref<16x1024xf32, #tpu.memory_space<hbm>>
    %dma_wait3A_377 = arith.constant 0 : i32
    %dma_wait3A_378 = tpu.memref_slice %arg5[%add3A_337, %dma_wait3A_377] : memref<8192x1024xf32, #tpu.memory_space<hbm>> -> memref<16x1024xf32, #tpu.memory_space<hbm>>
    tpu.wait_dma2 semaphore(%arg19 : memref<!tpu.dma_semaphore, #tpu.memory_space<semaphore_mem>>) src(%arg7 : memref<16x1024xf32, #tpu.memory_space<vmem>>) dst(%dma_wait3A_378 : memref<16x1024xf32, #tpu.memory_space<hbm>>)
    %dma_start3A_379 = arith.constant 192 : i32
    %dma_start3A_380 = tpu.memref_slice %arg6[%dma_start3A_379] : memref<256xi32, #tpu.memory_space<vmem>> -> memref<16xi32, #tpu.memory_space<vmem>>
    %dma_start3A_381 = arith.constant 0 : i32
    %dma_start3A_382 = arith.constant 0 : i32
    %dma_start3A_383 = tpu.memref_slice %arg3[%dma_start3A_381, %dma_start3A_382] : memref<100000x1024xf32, #tpu.memory_space<hbm>> -> memref<100000x1024xf32, #tpu.memory_space<hbm>>
    tpu.enqueue_indirect_dma source(%dma_start3A_383 : memref<100000x1024xf32, #tpu.memory_space<hbm>>) target(%arg7 : memref<16x1024xf32, #tpu.memory_space<vmem>>) offsets(%dma_start3A_380 : memref<16xi32, #tpu.memory_space<vmem>>) semaphore(%arg13 : memref<!tpu.dma_semaphore, #tpu.memory_space<semaphore_mem>>)
    %add3A_384 = arith.constant 192 : i32
    %add3A_385 = arith.addi %select_n3A_11, %add3A_384 : i32
    %dma_start3A_386 = arith.constant 0 : i32
    %dma_start3A_387 = tpu.memref_slice %arg4[%add3A_385, %dma_start3A_386] : memref<8192x1024xf32, #tpu.memory_space<hbm>> -> memref<16x1024xf32, #tpu.memory_space<hbm>>
    %dma_start3A_388 = arith.constant 0 : i32
    %dma_start3A_389 = tpu.memref_slice %arg4[%add3A_385, %dma_start3A_388] : memref<8192x1024xf32, #tpu.memory_space<hbm>> -> memref<16x1024xf32, #tpu.memory_space<hbm>>
    tpu.enqueue_dma source(%dma_start3A_389 : memref<16x1024xf32, #tpu.memory_space<hbm>>) target(%arg10 : memref<16x1024xf32, #tpu.memory_space<vmem>>) target_semaphore(%arg16 : memref<!tpu.dma_semaphore, #tpu.memory_space<semaphore_mem>>)
    %dma_wait3A_390 = arith.constant 176 : i32
    %dma_wait3A_391 = tpu.memref_slice %arg6[%dma_wait3A_390] : memref<256xi32, #tpu.memory_space<vmem>> -> memref<16xi32, #tpu.memory_space<vmem>>
    %dma_wait3A_392 = arith.constant 0 : i32
    %dma_wait3A_393 = arith.constant 0 : i32
    %dma_wait3A_394 = tpu.memref_slice %arg3[%dma_wait3A_392, %dma_wait3A_393] : memref<100000x1024xf32, #tpu.memory_space<hbm>> -> memref<100000x1024xf32, #tpu.memory_space<hbm>>
    tpu.wait_indirect_dma semaphore(%arg15 : memref<!tpu.dma_semaphore, #tpu.memory_space<semaphore_mem>>) src(%dma_wait3A_394 : memref<100000x1024xf32, #tpu.memory_space<hbm>>) dst(%arg9 : memref<16x1024xf32, #tpu.memory_space<vmem>>)
    %dma_wait3A_395 = arith.constant 0 : i32
    %dma_wait3A_396 = tpu.memref_slice %arg4[%add3A_352, %dma_wait3A_395] : memref<8192x1024xf32, #tpu.memory_space<hbm>> -> memref<16x1024xf32, #tpu.memory_space<hbm>>
    %dma_wait3A_397 = arith.constant 0 : i32
    %dma_wait3A_398 = tpu.memref_slice %arg4[%add3A_352, %dma_wait3A_397] : memref<8192x1024xf32, #tpu.memory_space<hbm>> -> memref<16x1024xf32, #tpu.memory_space<hbm>>
    tpu.wait_dma2 semaphore(%arg18 : memref<!tpu.dma_semaphore, #tpu.memory_space<semaphore_mem>>) src(%dma_wait3A_398 : memref<16x1024xf32, #tpu.memory_space<hbm>>) dst(%arg12 : memref<16x1024xf32, #tpu.memory_space<vmem>>)
    %parallel_loop3A_399 = arith.constant 0 : i32
    %parallel_loop3A_400 = arith.constant 16384 : i32
    %parallel_loop3A_401 = arith.constant 32 : i32
    scf.for %parallel_loop3A_537 = %parallel_loop3A_399 to %parallel_loop3A_400 step %parallel_loop3A_401  : i32 {
      %parallel_loop3A_538 = arith.constant 1024 : i32
      %parallel_loop3A_539 = arith.divsi %parallel_loop3A_537, %parallel_loop3A_538 : i32
      %parallel_loop3A_540 = arith.constant 0 : i32
      %parallel_loop3A_541 = arith.cmpi sgt, %parallel_loop3A_537, %parallel_loop3A_540 : i32
      %parallel_loop3A_542 = arith.extui %parallel_loop3A_541 : i1 to i32
      %parallel_loop3A_543 = arith.constant 0 : i32
      %parallel_loop3A_544 = arith.cmpi slt, %parallel_loop3A_537, %parallel_loop3A_543 : i32
      %parallel_loop3A_545 = arith.extui %parallel_loop3A_544 : i1 to i32
      %parallel_loop3A_546 = arith.subi %parallel_loop3A_542, %parallel_loop3A_545 : i32
      %parallel_loop3A_547 = arith.constant 0 : i32
      %parallel_loop3A_548 = arith.cmpi sgt, %parallel_loop3A_538, %parallel_loop3A_547 : i32
      %parallel_loop3A_549 = arith.extui %parallel_loop3A_548 : i1 to i32
      %parallel_loop3A_550 = arith.constant 0 : i32
      %parallel_loop3A_551 = arith.cmpi slt, %parallel_loop3A_538, %parallel_loop3A_550 : i32
      %parallel_loop3A_552 = arith.extui %parallel_loop3A_551 : i1 to i32
      %parallel_loop3A_553 = arith.subi %parallel_loop3A_549, %parallel_loop3A_552 : i32
      %parallel_loop3A_554 = arith.cmpi ne, %parallel_loop3A_546, %parallel_loop3A_553 : i32
      %parallel_loop3A_555 = arith.remsi %parallel_loop3A_537, %parallel_loop3A_538 : i32
      %parallel_loop3A_556 = arith.constant 0 : i32
      %parallel_loop3A_557 = arith.cmpi ne, %parallel_loop3A_555, %parallel_loop3A_556 : i32
      %parallel_loop3A_558 = arith.andi %parallel_loop3A_554, %parallel_loop3A_557 : i1
      %parallel_loop3A_559 = arith.constant 1 : i32
      %parallel_loop3A_560 = arith.subi %parallel_loop3A_539, %parallel_loop3A_559 : i32
      %parallel_loop3A_561 = arith.select %parallel_loop3A_558, %parallel_loop3A_560, %parallel_loop3A_539 : i32
      %parallel_loop3A_562 = arith.constant 0 : i32
      %parallel_loop3A_563 = arith.cmpi eq, %parallel_loop3A_538, %parallel_loop3A_562 : i32
      %parallel_loop3A_564 = arith.constant 1 : i32
      %parallel_loop3A_565 = arith.select %parallel_loop3A_563, %parallel_loop3A_564, %parallel_loop3A_538 : i32
      %parallel_loop3A_566 = arith.remsi %parallel_loop3A_537, %parallel_loop3A_565 : i32
      %parallel_loop3A_567 = arith.constant 0 : i32
      %parallel_loop3A_568 = arith.cmpi ne, %parallel_loop3A_566, %parallel_loop3A_567 : i32
      %parallel_loop3A_569 = arith.constant 0 : i32
      %parallel_loop3A_570 = arith.cmpi slt, %parallel_loop3A_566, %parallel_loop3A_569 : i32
      %parallel_loop3A_571 = arith.constant 0 : i32
      %parallel_loop3A_572 = arith.cmpi slt, %parallel_loop3A_565, %parallel_loop3A_571 : i32
      %parallel_loop3A_573 = arith.xori %parallel_loop3A_570, %parallel_loop3A_572 : i1
      %parallel_loop3A_574 = arith.andi %parallel_loop3A_573, %parallel_loop3A_568 : i1
      %parallel_loop3A_575 = arith.addi %parallel_loop3A_566, %parallel_loop3A_565 : i32
      %parallel_loop3A_576 = arith.select %parallel_loop3A_574, %parallel_loop3A_575, %parallel_loop3A_566 : i32
      %parallel_loop3A_577 = arith.constant 0 : i32
      %parallel_loop3A_578 = arith.addi %parallel_loop3A_576, %parallel_loop3A_577 : i32
      %parallel_loop3A_579 = arith.index_cast %parallel_loop3A_561 : i32 to index
      %parallel_loop3A_580 = arith.index_cast %parallel_loop3A_578 : i32 to index
      %parallel_loop3A_581 = tpu.vector_load %arg9[%parallel_loop3A_579, %parallel_loop3A_580] {strides = array<i32>} : memref<16x1024xf32, #tpu.memory_space<vmem>>, vector<1x16xf32>,
      %parallel_loop3A_582 = vector.shape_cast %parallel_loop3A_581 : vector<1x16xf32> to vector<16xf32>
      %parallel_loop3A_583 = arith.index_cast %parallel_loop3A_561 : i32 to index
      %parallel_loop3A_584 = arith.index_cast %parallel_loop3A_578 : i32 to index
      %parallel_loop3A_585 = tpu.vector_load %arg12[%parallel_loop3A_583, %parallel_loop3A_584] {strides = array<i32>} : memref<16x1024xf32, #tpu.memory_space<vmem>>, vector<1x16xf32>,
      %parallel_loop3A_586 = vector.shape_cast %parallel_loop3A_585 : vector<1x16xf32> to vector<16xf32>
      %parallel_loop3A_587 = arith.addf %parallel_loop3A_582, %parallel_loop3A_586 : vector<16xf32>
      %parallel_loop3A_588 = arith.index_cast %parallel_loop3A_561 : i32 to index
      %parallel_loop3A_589 = arith.index_cast %parallel_loop3A_578 : i32 to index
      %parallel_loop3A_590 = tpu.vector_load %arg9[%parallel_loop3A_588, %parallel_loop3A_589] {strides = array<i32>} : memref<16x1024xf32, #tpu.memory_space<vmem>>, vector<1x16xf32>,
      %parallel_loop3A_591 = vector.shape_cast %parallel_loop3A_590 : vector<1x16xf32> to vector<16xf32>
      %parallel_loop3A_592 = vector.shape_cast %parallel_loop3A_587 : vector<16xf32> to vector<1x16xf32>
      tpu.vector_store %arg9[%parallel_loop3A_588, %parallel_loop3A_589], %parallel_loop3A_592 {strides = array<i32>} : memref<16x1024xf32, #tpu.memory_space<vmem>>, vector<1x16xf32>,
      %parallel_loop3A_593 = arith.constant 16 : i32
      %parallel_loop3A_594 = arith.addi %parallel_loop3A_576, %parallel_loop3A_593 : i32
      %parallel_loop3A_595 = arith.index_cast %parallel_loop3A_561 : i32 to index
      %parallel_loop3A_596 = arith.index_cast %parallel_loop3A_594 : i32 to index
      %parallel_loop3A_597 = tpu.vector_load %arg9[%parallel_loop3A_595, %parallel_loop3A_596] {strides = array<i32>} : memref<16x1024xf32, #tpu.memory_space<vmem>>, vector<1x16xf32>,
      %parallel_loop3A_598 = vector.shape_cast %parallel_loop3A_597 : vector<1x16xf32> to vector<16xf32>
      %parallel_loop3A_599 = arith.index_cast %parallel_loop3A_561 : i32 to index
      %parallel_loop3A_600 = arith.index_cast %parallel_loop3A_594 : i32 to index
      %parallel_loop3A_601 = tpu.vector_load %arg12[%parallel_loop3A_599, %parallel_loop3A_600] {strides = array<i32>} : memref<16x1024xf32, #tpu.memory_space<vmem>>, vector<1x16xf32>,
      %parallel_loop3A_602 = vector.shape_cast %parallel_loop3A_601 : vector<1x16xf32> to vector<16xf32>
      %parallel_loop3A_603 = arith.addf %parallel_loop3A_598, %parallel_loop3A_602 : vector<16xf32>
      %parallel_loop3A_604 = arith.index_cast %parallel_loop3A_561 : i32 to index
      %parallel_loop3A_605 = arith.index_cast %parallel_loop3A_594 : i32 to index
      %parallel_loop3A_606 = tpu.vector_load %arg9[%parallel_loop3A_604, %parallel_loop3A_605] {strides = array<i32>} : memref<16x1024xf32, #tpu.memory_space<vmem>>, vector<1x16xf32>,
      %parallel_loop3A_607 = vector.shape_cast %parallel_loop3A_606 : vector<1x16xf32> to vector<16xf32>
      %parallel_loop3A_608 = vector.shape_cast %parallel_loop3A_603 : vector<16xf32> to vector<1x16xf32>
      tpu.vector_store %arg9[%parallel_loop3A_604, %parallel_loop3A_605], %parallel_loop3A_608 {strides = array<i32>} : memref<16x1024xf32, #tpu.memory_space<vmem>>, vector<1x16xf32>,
    } {sc.loop_unroll_factor = 2 : i64, sc.parallel_access}
    %add3A_402 = arith.constant 176 : i32
    %add3A_403 = arith.addi %mul3A_2, %add3A_402 : i32
    %dma_start3A_404 = arith.constant 0 : i32
    %dma_start3A_405 = tpu.memref_slice %arg5[%add3A_403, %dma_start3A_404] : memref<8192x1024xf32, #tpu.memory_space<hbm>> -> memref<16x1024xf32, #tpu.memory_space<hbm>>
    %dma_start3A_406 = arith.constant 0 : i32
    %dma_start3A_407 = tpu.memref_slice %arg5[%add3A_403, %dma_start3A_406] : memref<8192x1024xf32, #tpu.memory_space<hbm>> -> memref<16x1024xf32, #tpu.memory_space<hbm>>
    tpu.enqueue_dma source(%arg9 : memref<16x1024xf32, #tpu.memory_space<vmem>>) target(%dma_start3A_407 : memref<16x1024xf32, #tpu.memory_space<hbm>>) target_semaphore(%arg21 : memref<!tpu.dma_semaphore, #tpu.memory_space<semaphore_mem>>)
    %dma_wait3A_408 = arith.constant 0 : i32
    %dma_wait3A_409 = tpu.memref_slice %arg5[%add3A_370, %dma_wait3A_408] : memref<8192x1024xf32, #tpu.memory_space<hbm>> -> memref<16x1024xf32, #tpu.memory_space<hbm>>
    %dma_wait3A_410 = arith.constant 0 : i32
    %dma_wait3A_411 = tpu.memref_slice %arg5[%add3A_370, %dma_wait3A_410] : memref<8192x1024xf32, #tpu.memory_space<hbm>> -> memref<16x1024xf32, #tpu.memory_space<hbm>>
    tpu.wait_dma2 semaphore(%arg20 : memref<!tpu.dma_semaphore, #tpu.memory_space<semaphore_mem>>) src(%arg8 : memref<16x1024xf32, #tpu.memory_space<vmem>>) dst(%dma_wait3A_411 : memref<16x1024xf32, #tpu.memory_space<hbm>>)
    %dma_start3A_412 = arith.constant 208 : i32
    %dma_start3A_413 = tpu.memref_slice %arg6[%dma_start3A_412] : memref<256xi32, #tpu.memory_space<vmem>> -> memref<16xi32, #tpu.memory_space<vmem>>
    %dma_start3A_414 = arith.constant 0 : i32
    %dma_start3A_415 = arith.constant 0 : i32
    %dma_start3A_416 = tpu.memref_slice %arg3[%dma_start3A_414, %dma_start3A_415] : memref<100000x1024xf32, #tpu.memory_space<hbm>> -> memref<100000x1024xf32, #tpu.memory_space<hbm>>
    tpu.enqueue_indirect_dma source(%dma_start3A_416 : memref<100000x1024xf32, #tpu.memory_space<hbm>>) target(%arg8 : memref<16x1024xf32, #tpu.memory_space<vmem>>) offsets(%dma_start3A_413 : memref<16xi32, #tpu.memory_space<vmem>>) semaphore(%arg14 : memref<!tpu.dma_semaphore, #tpu.memory_space<semaphore_mem>>)
    %add3A_417 = arith.constant 208 : i32
    %add3A_418 = arith.addi %select_n3A_11, %add3A_417 : i32
    %dma_start3A_419 = arith.constant 0 : i32
    %dma_start3A_420 = tpu.memref_slice %arg4[%add3A_418, %dma_start3A_419] : memref<8192x1024xf32, #tpu.memory_space<hbm>> -> memref<16x1024xf32, #tpu.memory_space<hbm>>
    %dma_start3A_421 = arith.constant 0 : i32
    %dma_start3A_422 = tpu.memref_slice %arg4[%add3A_418, %dma_start3A_421] : memref<8192x1024xf32, #tpu.memory_space<hbm>> -> memref<16x1024xf32, #tpu.memory_space<hbm>>
    tpu.enqueue_dma source(%dma_start3A_422 : memref<16x1024xf32, #tpu.memory_space<hbm>>) target(%arg11 : memref<16x1024xf32, #tpu.memory_space<vmem>>) target_semaphore(%arg17 : memref<!tpu.dma_semaphore, #tpu.memory_space<semaphore_mem>>)
    %dma_wait3A_423 = arith.constant 192 : i32
    %dma_wait3A_424 = tpu.memref_slice %arg6[%dma_wait3A_423] : memref<256xi32, #tpu.memory_space<vmem>> -> memref<16xi32, #tpu.memory_space<vmem>>
    %dma_wait3A_425 = arith.constant 0 : i32
    %dma_wait3A_426 = arith.constant 0 : i32
    %dma_wait3A_427 = tpu.memref_slice %arg3[%dma_wait3A_425, %dma_wait3A_426] : memref<100000x1024xf32, #tpu.memory_space<hbm>> -> memref<100000x1024xf32, #tpu.memory_space<hbm>>
    tpu.wait_indirect_dma semaphore(%arg13 : memref<!tpu.dma_semaphore, #tpu.memory_space<semaphore_mem>>) src(%dma_wait3A_427 : memref<100000x1024xf32, #tpu.memory_space<hbm>>) dst(%arg7 : memref<16x1024xf32, #tpu.memory_space<vmem>>)
    %dma_wait3A_428 = arith.constant 0 : i32
    %dma_wait3A_429 = tpu.memref_slice %arg4[%add3A_385, %dma_wait3A_428] : memref<8192x1024xf32, #tpu.memory_space<hbm>> -> memref<16x1024xf32, #tpu.memory_space<hbm>>
    %dma_wait3A_430 = arith.constant 0 : i32
    %dma_wait3A_431 = tpu.memref_slice %arg4[%add3A_385, %dma_wait3A_430] : memref<8192x1024xf32, #tpu.memory_space<hbm>> -> memref<16x1024xf32, #tpu.memory_space<hbm>>
    tpu.wait_dma2 semaphore(%arg16 : memref<!tpu.dma_semaphore, #tpu.memory_space<semaphore_mem>>) src(%dma_wait3A_431 : memref<16x1024xf32, #tpu.memory_space<hbm>>) dst(%arg10 : memref<16x1024xf32, #tpu.memory_space<vmem>>)
    %parallel_loop3A_432 = arith.constant 0 : i32
    %parallel_loop3A_433 = arith.constant 16384 : i32
    %parallel_loop3A_434 = arith.constant 32 : i32
    scf.for %parallel_loop3A_537 = %parallel_loop3A_432 to %parallel_loop3A_433 step %parallel_loop3A_434  : i32 {
      %parallel_loop3A_538 = arith.constant 1024 : i32
      %parallel_loop3A_539 = arith.divsi %parallel_loop3A_537, %parallel_loop3A_538 : i32
      %parallel_loop3A_540 = arith.constant 0 : i32
      %parallel_loop3A_541 = arith.cmpi sgt, %parallel_loop3A_537, %parallel_loop3A_540 : i32
      %parallel_loop3A_542 = arith.extui %parallel_loop3A_541 : i1 to i32
      %parallel_loop3A_543 = arith.constant 0 : i32
      %parallel_loop3A_544 = arith.cmpi slt, %parallel_loop3A_537, %parallel_loop3A_543 : i32
      %parallel_loop3A_545 = arith.extui %parallel_loop3A_544 : i1 to i32
      %parallel_loop3A_546 = arith.subi %parallel_loop3A_542, %parallel_loop3A_545 : i32
      %parallel_loop3A_547 = arith.constant 0 : i32
      %parallel_loop3A_548 = arith.cmpi sgt, %parallel_loop3A_538, %parallel_loop3A_547 : i32
      %parallel_loop3A_549 = arith.extui %parallel_loop3A_548 : i1 to i32
      %parallel_loop3A_550 = arith.constant 0 : i32
      %parallel_loop3A_551 = arith.cmpi slt, %parallel_loop3A_538, %parallel_loop3A_550 : i32
      %parallel_loop3A_552 = arith.extui %parallel_loop3A_551 : i1 to i32
      %parallel_loop3A_553 = arith.subi %parallel_loop3A_549, %parallel_loop3A_552 : i32
      %parallel_loop3A_554 = arith.cmpi ne, %parallel_loop3A_546, %parallel_loop3A_553 : i32
      %parallel_loop3A_555 = arith.remsi %parallel_loop3A_537, %parallel_loop3A_538 : i32
      %parallel_loop3A_556 = arith.constant 0 : i32
      %parallel_loop3A_557 = arith.cmpi ne, %parallel_loop3A_555, %parallel_loop3A_556 : i32
      %parallel_loop3A_558 = arith.andi %parallel_loop3A_554, %parallel_loop3A_557 : i1
      %parallel_loop3A_559 = arith.constant 1 : i32
      %parallel_loop3A_560 = arith.subi %parallel_loop3A_539, %parallel_loop3A_559 : i32
      %parallel_loop3A_561 = arith.select %parallel_loop3A_558, %parallel_loop3A_560, %parallel_loop3A_539 : i32
      %parallel_loop3A_562 = arith.constant 0 : i32
      %parallel_loop3A_563 = arith.cmpi eq, %parallel_loop3A_538, %parallel_loop3A_562 : i32
      %parallel_loop3A_564 = arith.constant 1 : i32
      %parallel_loop3A_565 = arith.select %parallel_loop3A_563, %parallel_loop3A_564, %parallel_loop3A_538 : i32
      %parallel_loop3A_566 = arith.remsi %parallel_loop3A_537, %parallel_loop3A_565 : i32
      %parallel_loop3A_567 = arith.constant 0 : i32
      %parallel_loop3A_568 = arith.cmpi ne, %parallel_loop3A_566, %parallel_loop3A_567 : i32
      %parallel_loop3A_569 = arith.constant 0 : i32
      %parallel_loop3A_570 = arith.cmpi slt, %parallel_loop3A_566, %parallel_loop3A_569 : i32
      %parallel_loop3A_571 = arith.constant 0 : i32
      %parallel_loop3A_572 = arith.cmpi slt, %parallel_loop3A_565, %parallel_loop3A_571 : i32
      %parallel_loop3A_573 = arith.xori %parallel_loop3A_570, %parallel_loop3A_572 : i1
      %parallel_loop3A_574 = arith.andi %parallel_loop3A_573, %parallel_loop3A_568 : i1
      %parallel_loop3A_575 = arith.addi %parallel_loop3A_566, %parallel_loop3A_565 : i32
      %parallel_loop3A_576 = arith.select %parallel_loop3A_574, %parallel_loop3A_575, %parallel_loop3A_566 : i32
      %parallel_loop3A_577 = arith.constant 0 : i32
      %parallel_loop3A_578 = arith.addi %parallel_loop3A_576, %parallel_loop3A_577 : i32
      %parallel_loop3A_579 = arith.index_cast %parallel_loop3A_561 : i32 to index
      %parallel_loop3A_580 = arith.index_cast %parallel_loop3A_578 : i32 to index
      %parallel_loop3A_581 = tpu.vector_load %arg7[%parallel_loop3A_579, %parallel_loop3A_580] {strides = array<i32>} : memref<16x1024xf32, #tpu.memory_space<vmem>>, vector<1x16xf32>,
      %parallel_loop3A_582 = vector.shape_cast %parallel_loop3A_581 : vector<1x16xf32> to vector<16xf32>
      %parallel_loop3A_583 = arith.index_cast %parallel_loop3A_561 : i32 to index
      %parallel_loop3A_584 = arith.index_cast %parallel_loop3A_578 : i32 to index
      %parallel_loop3A_585 = tpu.vector_load %arg10[%parallel_loop3A_583, %parallel_loop3A_584] {strides = array<i32>} : memref<16x1024xf32, #tpu.memory_space<vmem>>, vector<1x16xf32>,
      %parallel_loop3A_586 = vector.shape_cast %parallel_loop3A_585 : vector<1x16xf32> to vector<16xf32>
      %parallel_loop3A_587 = arith.addf %parallel_loop3A_582, %parallel_loop3A_586 : vector<16xf32>
      %parallel_loop3A_588 = arith.index_cast %parallel_loop3A_561 : i32 to index
      %parallel_loop3A_589 = arith.index_cast %parallel_loop3A_578 : i32 to index
      %parallel_loop3A_590 = tpu.vector_load %arg7[%parallel_loop3A_588, %parallel_loop3A_589] {strides = array<i32>} : memref<16x1024xf32, #tpu.memory_space<vmem>>, vector<1x16xf32>,
      %parallel_loop3A_591 = vector.shape_cast %parallel_loop3A_590 : vector<1x16xf32> to vector<16xf32>
      %parallel_loop3A_592 = vector.shape_cast %parallel_loop3A_587 : vector<16xf32> to vector<1x16xf32>
      tpu.vector_store %arg7[%parallel_loop3A_588, %parallel_loop3A_589], %parallel_loop3A_592 {strides = array<i32>} : memref<16x1024xf32, #tpu.memory_space<vmem>>, vector<1x16xf32>,
      %parallel_loop3A_593 = arith.constant 16 : i32
      %parallel_loop3A_594 = arith.addi %parallel_loop3A_576, %parallel_loop3A_593 : i32
      %parallel_loop3A_595 = arith.index_cast %parallel_loop3A_561 : i32 to index
      %parallel_loop3A_596 = arith.index_cast %parallel_loop3A_594 : i32 to index
      %parallel_loop3A_597 = tpu.vector_load %arg7[%parallel_loop3A_595, %parallel_loop3A_596] {strides = array<i32>} : memref<16x1024xf32, #tpu.memory_space<vmem>>, vector<1x16xf32>,
      %parallel_loop3A_598 = vector.shape_cast %parallel_loop3A_597 : vector<1x16xf32> to vector<16xf32>
      %parallel_loop3A_599 = arith.index_cast %parallel_loop3A_561 : i32 to index
      %parallel_loop3A_600 = arith.index_cast %parallel_loop3A_594 : i32 to index
      %parallel_loop3A_601 = tpu.vector_load %arg10[%parallel_loop3A_599, %parallel_loop3A_600] {strides = array<i32>} : memref<16x1024xf32, #tpu.memory_space<vmem>>, vector<1x16xf32>,
      %parallel_loop3A_602 = vector.shape_cast %parallel_loop3A_601 : vector<1x16xf32> to vector<16xf32>
      %parallel_loop3A_603 = arith.addf %parallel_loop3A_598, %parallel_loop3A_602 : vector<16xf32>
      %parallel_loop3A_604 = arith.index_cast %parallel_loop3A_561 : i32 to index
      %parallel_loop3A_605 = arith.index_cast %parallel_loop3A_594 : i32 to index
      %parallel_loop3A_606 = tpu.vector_load %arg7[%parallel_loop3A_604, %parallel_loop3A_605] {strides = array<i32>} : memref<16x1024xf32, #tpu.memory_space<vmem>>, vector<1x16xf32>,
      %parallel_loop3A_607 = vector.shape_cast %parallel_loop3A_606 : vector<1x16xf32> to vector<16xf32>
      %parallel_loop3A_608 = vector.shape_cast %parallel_loop3A_603 : vector<16xf32> to vector<1x16xf32>
      tpu.vector_store %arg7[%parallel_loop3A_604, %parallel_loop3A_605], %parallel_loop3A_608 {strides = array<i32>} : memref<16x1024xf32, #tpu.memory_space<vmem>>, vector<1x16xf32>,
    } {sc.loop_unroll_factor = 2 : i64, sc.parallel_access}
    %add3A_435 = arith.constant 192 : i32
    %add3A_436 = arith.addi %mul3A_2, %add3A_435 : i32
    %dma_start3A_437 = arith.constant 0 : i32
    %dma_start3A_438 = tpu.memref_slice %arg5[%add3A_436, %dma_start3A_437] : memref<8192x1024xf32, #tpu.memory_space<hbm>> -> memref<16x1024xf32, #tpu.memory_space<hbm>>
    %dma_start3A_439 = arith.constant 0 : i32
    %dma_start3A_440 = tpu.memref_slice %arg5[%add3A_436, %dma_start3A_439] : memref<8192x1024xf32, #tpu.memory_space<hbm>> -> memref<16x1024xf32, #tpu.memory_space<hbm>>
    tpu.enqueue_dma source(%arg7 : memref<16x1024xf32, #tpu.memory_space<vmem>>) target(%dma_start3A_440 : memref<16x1024xf32, #tpu.memory_space<hbm>>) target_semaphore(%arg19 : memref<!tpu.dma_semaphore, #tpu.memory_space<semaphore_mem>>)
    %dma_wait3A_441 = arith.constant 0 : i32
    %dma_wait3A_442 = tpu.memref_slice %arg5[%add3A_403, %dma_wait3A_441] : memref<8192x1024xf32, #tpu.memory_space<hbm>> -> memref<16x1024xf32, #tpu.memory_space<hbm>>
    %dma_wait3A_443 = arith.constant 0 : i32
    %dma_wait3A_444 = tpu.memref_slice %arg5[%add3A_403, %dma_wait3A_443] : memref<8192x1024xf32, #tpu.memory_space<hbm>> -> memref<16x1024xf32, #tpu.memory_space<hbm>>
    tpu.wait_dma2 semaphore(%arg21 : memref<!tpu.dma_semaphore, #tpu.memory_space<semaphore_mem>>) src(%arg9 : memref<16x1024xf32, #tpu.memory_space<vmem>>) dst(%dma_wait3A_444 : memref<16x1024xf32, #tpu.memory_space<hbm>>)
    %dma_start3A_445 = arith.constant 224 : i32
    %dma_start3A_446 = tpu.memref_slice %arg6[%dma_start3A_445] : memref<256xi32, #tpu.memory_space<vmem>> -> memref<16xi32, #tpu.memory_space<vmem>>
    %dma_start3A_447 = arith.constant 0 : i32
    %dma_start3A_448 = arith.constant 0 : i32
    %dma_start3A_449 = tpu.memref_slice %arg3[%dma_start3A_447, %dma_start3A_448] : memref<100000x1024xf32, #tpu.memory_space<hbm>> -> memref<100000x1024xf32, #tpu.memory_space<hbm>>
    tpu.enqueue_indirect_dma source(%dma_start3A_449 : memref<100000x1024xf32, #tpu.memory_space<hbm>>) target(%arg9 : memref<16x1024xf32, #tpu.memory_space<vmem>>) offsets(%dma_start3A_446 : memref<16xi32, #tpu.memory_space<vmem>>) semaphore(%arg15 : memref<!tpu.dma_semaphore, #tpu.memory_space<semaphore_mem>>)
    %add3A_450 = arith.constant 224 : i32
    %add3A_451 = arith.addi %select_n3A_11, %add3A_450 : i32
    %dma_start3A_452 = arith.constant 0 : i32
    %dma_start3A_453 = tpu.memref_slice %arg4[%add3A_451, %dma_start3A_452] : memref<8192x1024xf32, #tpu.memory_space<hbm>> -> memref<16x1024xf32, #tpu.memory_space<hbm>>
    %dma_start3A_454 = arith.constant 0 : i32
    %dma_start3A_455 = tpu.memref_slice %arg4[%add3A_451, %dma_start3A_454] : memref<8192x1024xf32, #tpu.memory_space<hbm>> -> memref<16x1024xf32, #tpu.memory_space<hbm>>
    tpu.enqueue_dma source(%dma_start3A_455 : memref<16x1024xf32, #tpu.memory_space<hbm>>) target(%arg12 : memref<16x1024xf32, #tpu.memory_space<vmem>>) target_semaphore(%arg18 : memref<!tpu.dma_semaphore, #tpu.memory_space<semaphore_mem>>)
    %dma_wait3A_456 = arith.constant 208 : i32
    %dma_wait3A_457 = tpu.memref_slice %arg6[%dma_wait3A_456] : memref<256xi32, #tpu.memory_space<vmem>> -> memref<16xi32, #tpu.memory_space<vmem>>
    %dma_wait3A_458 = arith.constant 0 : i32
    %dma_wait3A_459 = arith.constant 0 : i32
    %dma_wait3A_460 = tpu.memref_slice %arg3[%dma_wait3A_458, %dma_wait3A_459] : memref<100000x1024xf32, #tpu.memory_space<hbm>> -> memref<100000x1024xf32, #tpu.memory_space<hbm>>
    tpu.wait_indirect_dma semaphore(%arg14 : memref<!tpu.dma_semaphore, #tpu.memory_space<semaphore_mem>>) src(%dma_wait3A_460 : memref<100000x1024xf32, #tpu.memory_space<hbm>>) dst(%arg8 : memref<16x1024xf32, #tpu.memory_space<vmem>>)
    %dma_wait3A_461 = arith.constant 0 : i32
    %dma_wait3A_462 = tpu.memref_slice %arg4[%add3A_418, %dma_wait3A_461] : memref<8192x1024xf32, #tpu.memory_space<hbm>> -> memref<16x1024xf32, #tpu.memory_space<hbm>>
    %dma_wait3A_463 = arith.constant 0 : i32
    %dma_wait3A_464 = tpu.memref_slice %arg4[%add3A_418, %dma_wait3A_463] : memref<8192x1024xf32, #tpu.memory_space<hbm>> -> memref<16x1024xf32, #tpu.memory_space<hbm>>
    tpu.wait_dma2 semaphore(%arg17 : memref<!tpu.dma_semaphore, #tpu.memory_space<semaphore_mem>>) src(%dma_wait3A_464 : memref<16x1024xf32, #tpu.memory_space<hbm>>) dst(%arg11 : memref<16x1024xf32, #tpu.memory_space<vmem>>)
    %parallel_loop3A_465 = arith.constant 0 : i32
    %parallel_loop3A_466 = arith.constant 16384 : i32
    %parallel_loop3A_467 = arith.constant 32 : i32
    scf.for %parallel_loop3A_537 = %parallel_loop3A_465 to %parallel_loop3A_466 step %parallel_loop3A_467  : i32 {
      %parallel_loop3A_538 = arith.constant 1024 : i32
      %parallel_loop3A_539 = arith.divsi %parallel_loop3A_537, %parallel_loop3A_538 : i32
      %parallel_loop3A_540 = arith.constant 0 : i32
      %parallel_loop3A_541 = arith.cmpi sgt, %parallel_loop3A_537, %parallel_loop3A_540 : i32
      %parallel_loop3A_542 = arith.extui %parallel_loop3A_541 : i1 to i32
      %parallel_loop3A_543 = arith.constant 0 : i32
      %parallel_loop3A_544 = arith.cmpi slt, %parallel_loop3A_537, %parallel_loop3A_543 : i32
      %parallel_loop3A_545 = arith.extui %parallel_loop3A_544 : i1 to i32
      %parallel_loop3A_546 = arith.subi %parallel_loop3A_542, %parallel_loop3A_545 : i32
      %parallel_loop3A_547 = arith.constant 0 : i32
      %parallel_loop3A_548 = arith.cmpi sgt, %parallel_loop3A_538, %parallel_loop3A_547 : i32
      %parallel_loop3A_549 = arith.extui %parallel_loop3A_548 : i1 to i32
      %parallel_loop3A_550 = arith.constant 0 : i32
      %parallel_loop3A_551 = arith.cmpi slt, %parallel_loop3A_538, %parallel_loop3A_550 : i32
      %parallel_loop3A_552 = arith.extui %parallel_loop3A_551 : i1 to i32
      %parallel_loop3A_553 = arith.subi %parallel_loop3A_549, %parallel_loop3A_552 : i32
      %parallel_loop3A_554 = arith.cmpi ne, %parallel_loop3A_546, %parallel_loop3A_553 : i32
      %parallel_loop3A_555 = arith.remsi %parallel_loop3A_537, %parallel_loop3A_538 : i32
      %parallel_loop3A_556 = arith.constant 0 : i32
      %parallel_loop3A_557 = arith.cmpi ne, %parallel_loop3A_555, %parallel_loop3A_556 : i32
      %parallel_loop3A_558 = arith.andi %parallel_loop3A_554, %parallel_loop3A_557 : i1
      %parallel_loop3A_559 = arith.constant 1 : i32
      %parallel_loop3A_560 = arith.subi %parallel_loop3A_539, %parallel_loop3A_559 : i32
      %parallel_loop3A_561 = arith.select %parallel_loop3A_558, %parallel_loop3A_560, %parallel_loop3A_539 : i32
      %parallel_loop3A_562 = arith.constant 0 : i32
      %parallel_loop3A_563 = arith.cmpi eq, %parallel_loop3A_538, %parallel_loop3A_562 : i32
      %parallel_loop3A_564 = arith.constant 1 : i32
      %parallel_loop3A_565 = arith.select %parallel_loop3A_563, %parallel_loop3A_564, %parallel_loop3A_538 : i32
      %parallel_loop3A_566 = arith.remsi %parallel_loop3A_537, %parallel_loop3A_565 : i32
      %parallel_loop3A_567 = arith.constant 0 : i32
      %parallel_loop3A_568 = arith.cmpi ne, %parallel_loop3A_566, %parallel_loop3A_567 : i32
      %parallel_loop3A_569 = arith.constant 0 : i32
      %parallel_loop3A_570 = arith.cmpi slt, %parallel_loop3A_566, %parallel_loop3A_569 : i32
      %parallel_loop3A_571 = arith.constant 0 : i32
      %parallel_loop3A_572 = arith.cmpi slt, %parallel_loop3A_565, %parallel_loop3A_571 : i32
      %parallel_loop3A_573 = arith.xori %parallel_loop3A_570, %parallel_loop3A_572 : i1
      %parallel_loop3A_574 = arith.andi %parallel_loop3A_573, %parallel_loop3A_568 : i1
      %parallel_loop3A_575 = arith.addi %parallel_loop3A_566, %parallel_loop3A_565 : i32
      %parallel_loop3A_576 = arith.select %parallel_loop3A_574, %parallel_loop3A_575, %parallel_loop3A_566 : i32
      %parallel_loop3A_577 = arith.constant 0 : i32
      %parallel_loop3A_578 = arith.addi %parallel_loop3A_576, %parallel_loop3A_577 : i32
      %parallel_loop3A_579 = arith.index_cast %parallel_loop3A_561 : i32 to index
      %parallel_loop3A_580 = arith.index_cast %parallel_loop3A_578 : i32 to index
      %parallel_loop3A_581 = tpu.vector_load %arg8[%parallel_loop3A_579, %parallel_loop3A_580] {strides = array<i32>} : memref<16x1024xf32, #tpu.memory_space<vmem>>, vector<1x16xf32>,
      %parallel_loop3A_582 = vector.shape_cast %parallel_loop3A_581 : vector<1x16xf32> to vector<16xf32>
      %parallel_loop3A_583 = arith.index_cast %parallel_loop3A_561 : i32 to index
      %parallel_loop3A_584 = arith.index_cast %parallel_loop3A_578 : i32 to index
      %parallel_loop3A_585 = tpu.vector_load %arg11[%parallel_loop3A_583, %parallel_loop3A_584] {strides = array<i32>} : memref<16x1024xf32, #tpu.memory_space<vmem>>, vector<1x16xf32>,
      %parallel_loop3A_586 = vector.shape_cast %parallel_loop3A_585 : vector<1x16xf32> to vector<16xf32>
      %parallel_loop3A_587 = arith.addf %parallel_loop3A_582, %parallel_loop3A_586 : vector<16xf32>
      %parallel_loop3A_588 = arith.index_cast %parallel_loop3A_561 : i32 to index
      %parallel_loop3A_589 = arith.index_cast %parallel_loop3A_578 : i32 to index
      %parallel_loop3A_590 = tpu.vector_load %arg8[%parallel_loop3A_588, %parallel_loop3A_589] {strides = array<i32>} : memref<16x1024xf32, #tpu.memory_space<vmem>>, vector<1x16xf32>,
      %parallel_loop3A_591 = vector.shape_cast %parallel_loop3A_590 : vector<1x16xf32> to vector<16xf32>
      %parallel_loop3A_592 = vector.shape_cast %parallel_loop3A_587 : vector<16xf32> to vector<1x16xf32>
      tpu.vector_store %arg8[%parallel_loop3A_588, %parallel_loop3A_589], %parallel_loop3A_592 {strides = array<i32>} : memref<16x1024xf32, #tpu.memory_space<vmem>>, vector<1x16xf32>,
      %parallel_loop3A_593 = arith.constant 16 : i32
      %parallel_loop3A_594 = arith.addi %parallel_loop3A_576, %parallel_loop3A_593 : i32
      %parallel_loop3A_595 = arith.index_cast %parallel_loop3A_561 : i32 to index
      %parallel_loop3A_596 = arith.index_cast %parallel_loop3A_594 : i32 to index
      %parallel_loop3A_597 = tpu.vector_load %arg8[%parallel_loop3A_595, %parallel_loop3A_596] {strides = array<i32>} : memref<16x1024xf32, #tpu.memory_space<vmem>>, vector<1x16xf32>,
      %parallel_loop3A_598 = vector.shape_cast %parallel_loop3A_597 : vector<1x16xf32> to vector<16xf32>
      %parallel_loop3A_599 = arith.index_cast %parallel_loop3A_561 : i32 to index
      %parallel_loop3A_600 = arith.index_cast %parallel_loop3A_594 : i32 to index
      %parallel_loop3A_601 = tpu.vector_load %arg11[%parallel_loop3A_599, %parallel_loop3A_600] {strides = array<i32>} : memref<16x1024xf32, #tpu.memory_space<vmem>>, vector<1x16xf32>,
      %parallel_loop3A_602 = vector.shape_cast %parallel_loop3A_601 : vector<1x16xf32> to vector<16xf32>
      %parallel_loop3A_603 = arith.addf %parallel_loop3A_598, %parallel_loop3A_602 : vector<16xf32>
      %parallel_loop3A_604 = arith.index_cast %parallel_loop3A_561 : i32 to index
      %parallel_loop3A_605 = arith.index_cast %parallel_loop3A_594 : i32 to index
      %parallel_loop3A_606 = tpu.vector_load %arg8[%parallel_loop3A_604, %parallel_loop3A_605] {strides = array<i32>} : memref<16x1024xf32, #tpu.memory_space<vmem>>, vector<1x16xf32>,
      %parallel_loop3A_607 = vector.shape_cast %parallel_loop3A_606 : vector<1x16xf32> to vector<16xf32>
      %parallel_loop3A_608 = vector.shape_cast %parallel_loop3A_603 : vector<16xf32> to vector<1x16xf32>
      tpu.vector_store %arg8[%parallel_loop3A_604, %parallel_loop3A_605], %parallel_loop3A_608 {strides = array<i32>} : memref<16x1024xf32, #tpu.memory_space<vmem>>, vector<1x16xf32>,
    } {sc.loop_unroll_factor = 2 : i64, sc.parallel_access}
    %add3A_468 = arith.constant 208 : i32
    %add3A_469 = arith.addi %mul3A_2, %add3A_468 : i32
    %dma_start3A_470 = arith.constant 0 : i32
    %dma_start3A_471 = tpu.memref_slice %arg5[%add3A_469, %dma_start3A_470] : memref<8192x1024xf32, #tpu.memory_space<hbm>> -> memref<16x1024xf32, #tpu.memory_space<hbm>>
    %dma_start3A_472 = arith.constant 0 : i32
    %dma_start3A_473 = tpu.memref_slice %arg5[%add3A_469, %dma_start3A_472] : memref<8192x1024xf32, #tpu.memory_space<hbm>> -> memref<16x1024xf32, #tpu.memory_space<hbm>>
    tpu.enqueue_dma source(%arg8 : memref<16x1024xf32, #tpu.memory_space<vmem>>) target(%dma_start3A_473 : memref<16x1024xf32, #tpu.memory_space<hbm>>) target_semaphore(%arg20 : memref<!tpu.dma_semaphore, #tpu.memory_space<semaphore_mem>>)
    %dma_wait3A_474 = arith.constant 0 : i32
    %dma_wait3A_475 = tpu.memref_slice %arg5[%add3A_436, %dma_wait3A_474] : memref<8192x1024xf32, #tpu.memory_space<hbm>> -> memref<16x1024xf32, #tpu.memory_space<hbm>>
    %dma_wait3A_476 = arith.constant 0 : i32
    %dma_wait3A_477 = tpu.memref_slice %arg5[%add3A_436, %dma_wait3A_476] : memref<8192x1024xf32, #tpu.memory_space<hbm>> -> memref<16x1024xf32, #tpu.memory_space<hbm>>
    tpu.wait_dma2 semaphore(%arg19 : memref<!tpu.dma_semaphore, #tpu.memory_space<semaphore_mem>>) src(%arg7 : memref<16x1024xf32, #tpu.memory_space<vmem>>) dst(%dma_wait3A_477 : memref<16x1024xf32, #tpu.memory_space<hbm>>)
    %dma_start3A_478 = arith.constant 240 : i32
    %dma_start3A_479 = tpu.memref_slice %arg6[%dma_start3A_478] : memref<256xi32, #tpu.memory_space<vmem>> -> memref<16xi32, #tpu.memory_space<vmem>>
    %dma_start3A_480 = arith.constant 0 : i32
    %dma_start3A_481 = arith.constant 0 : i32
    %dma_start3A_482 = tpu.memref_slice %arg3[%dma_start3A_480, %dma_start3A_481] : memref<100000x1024xf32, #tpu.memory_space<hbm>> -> memref<100000x1024xf32, #tpu.memory_space<hbm>>
    tpu.enqueue_indirect_dma source(%dma_start3A_482 : memref<100000x1024xf32, #tpu.memory_space<hbm>>) target(%arg7 : memref<16x1024xf32, #tpu.memory_space<vmem>>) offsets(%dma_start3A_479 : memref<16xi32, #tpu.memory_space<vmem>>) semaphore(%arg13 : memref<!tpu.dma_semaphore, #tpu.memory_space<semaphore_mem>>)
    %add3A_483 = arith.constant 240 : i32
    %add3A_484 = arith.addi %select_n3A_11, %add3A_483 : i32
    %dma_start3A_485 = arith.constant 0 : i32
    %dma_start3A_486 = tpu.memref_slice %arg4[%add3A_484, %dma_start3A_485] : memref<8192x1024xf32, #tpu.memory_space<hbm>> -> memref<16x1024xf32, #tpu.memory_space<hbm>>
    %dma_start3A_487 = arith.constant 0 : i32
    %dma_start3A_488 = tpu.memref_slice %arg4[%add3A_484, %dma_start3A_487] : memref<8192x1024xf32, #tpu.memory_space<hbm>> -> memref<16x1024xf32, #tpu.memory_space<hbm>>
    tpu.enqueue_dma source(%dma_start3A_488 : memref<16x1024xf32, #tpu.memory_space<hbm>>) target(%arg10 : memref<16x1024xf32, #tpu.memory_space<vmem>>) target_semaphore(%arg16 : memref<!tpu.dma_semaphore, #tpu.memory_space<semaphore_mem>>)
    %dma_wait3A_489 = arith.constant 224 : i32
    %dma_wait3A_490 = tpu.memref_slice %arg6[%dma_wait3A_489] : memref<256xi32, #tpu.memory_space<vmem>> -> memref<16xi32, #tpu.memory_space<vmem>>
    %dma_wait3A_491 = arith.constant 0 : i32
    %dma_wait3A_492 = arith.constant 0 : i32
    %dma_wait3A_493 = tpu.memref_slice %arg3[%dma_wait3A_491, %dma_wait3A_492] : memref<100000x1024xf32, #tpu.memory_space<hbm>> -> memref<100000x1024xf32, #tpu.memory_space<hbm>>
    tpu.wait_indirect_dma semaphore(%arg15 : memref<!tpu.dma_semaphore, #tpu.memory_space<semaphore_mem>>) src(%dma_wait3A_493 : memref<100000x1024xf32, #tpu.memory_space<hbm>>) dst(%arg9 : memref<16x1024xf32, #tpu.memory_space<vmem>>)
    %dma_wait3A_494 = arith.constant 0 : i32
    %dma_wait3A_495 = tpu.memref_slice %arg4[%add3A_451, %dma_wait3A_494] : memref<8192x1024xf32, #tpu.memory_space<hbm>> -> memref<16x1024xf32, #tpu.memory_space<hbm>>
    %dma_wait3A_496 = arith.constant 0 : i32
    %dma_wait3A_497 = tpu.memref_slice %arg4[%add3A_451, %dma_wait3A_496] : memref<8192x1024xf32, #tpu.memory_space<hbm>> -> memref<16x1024xf32, #tpu.memory_space<hbm>>
    tpu.wait_dma2 semaphore(%arg18 : memref<!tpu.dma_semaphore, #tpu.memory_space<semaphore_mem>>) src(%dma_wait3A_497 : memref<16x1024xf32, #tpu.memory_space<hbm>>) dst(%arg12 : memref<16x1024xf32, #tpu.memory_space<vmem>>)
    %parallel_loop3A_498 = arith.constant 0 : i32
    %parallel_loop3A_499 = arith.constant 16384 : i32
    %parallel_loop3A_500 = arith.constant 32 : i32
    scf.for %parallel_loop3A_537 = %parallel_loop3A_498 to %parallel_loop3A_499 step %parallel_loop3A_500  : i32 {
      %parallel_loop3A_538 = arith.constant 1024 : i32
      %parallel_loop3A_539 = arith.divsi %parallel_loop3A_537, %parallel_loop3A_538 : i32
      %parallel_loop3A_540 = arith.constant 0 : i32
      %parallel_loop3A_541 = arith.cmpi sgt, %parallel_loop3A_537, %parallel_loop3A_540 : i32
      %parallel_loop3A_542 = arith.extui %parallel_loop3A_541 : i1 to i32
      %parallel_loop3A_543 = arith.constant 0 : i32
      %parallel_loop3A_544 = arith.cmpi slt, %parallel_loop3A_537, %parallel_loop3A_543 : i32
      %parallel_loop3A_545 = arith.extui %parallel_loop3A_544 : i1 to i32
      %parallel_loop3A_546 = arith.subi %parallel_loop3A_542, %parallel_loop3A_545 : i32
      %parallel_loop3A_547 = arith.constant 0 : i32
      %parallel_loop3A_548 = arith.cmpi sgt, %parallel_loop3A_538, %parallel_loop3A_547 : i32
      %parallel_loop3A_549 = arith.extui %parallel_loop3A_548 : i1 to i32
      %parallel_loop3A_550 = arith.constant 0 : i32
      %parallel_loop3A_551 = arith.cmpi slt, %parallel_loop3A_538, %parallel_loop3A_550 : i32
      %parallel_loop3A_552 = arith.extui %parallel_loop3A_551 : i1 to i32
      %parallel_loop3A_553 = arith.subi %parallel_loop3A_549, %parallel_loop3A_552 : i32
      %parallel_loop3A_554 = arith.cmpi ne, %parallel_loop3A_546, %parallel_loop3A_553 : i32
      %parallel_loop3A_555 = arith.remsi %parallel_loop3A_537, %parallel_loop3A_538 : i32
      %parallel_loop3A_556 = arith.constant 0 : i32
      %parallel_loop3A_557 = arith.cmpi ne, %parallel_loop3A_555, %parallel_loop3A_556 : i32
      %parallel_loop3A_558 = arith.andi %parallel_loop3A_554, %parallel_loop3A_557 : i1
      %parallel_loop3A_559 = arith.constant 1 : i32
      %parallel_loop3A_560 = arith.subi %parallel_loop3A_539, %parallel_loop3A_559 : i32
      %parallel_loop3A_561 = arith.select %parallel_loop3A_558, %parallel_loop3A_560, %parallel_loop3A_539 : i32
      %parallel_loop3A_562 = arith.constant 0 : i32
      %parallel_loop3A_563 = arith.cmpi eq, %parallel_loop3A_538, %parallel_loop3A_562 : i32
      %parallel_loop3A_564 = arith.constant 1 : i32
      %parallel_loop3A_565 = arith.select %parallel_loop3A_563, %parallel_loop3A_564, %parallel_loop3A_538 : i32
      %parallel_loop3A_566 = arith.remsi %parallel_loop3A_537, %parallel_loop3A_565 : i32
      %parallel_loop3A_567 = arith.constant 0 : i32
      %parallel_loop3A_568 = arith.cmpi ne, %parallel_loop3A_566, %parallel_loop3A_567 : i32
      %parallel_loop3A_569 = arith.constant 0 : i32
      %parallel_loop3A_570 = arith.cmpi slt, %parallel_loop3A_566, %parallel_loop3A_569 : i32
      %parallel_loop3A_571 = arith.constant 0 : i32
      %parallel_loop3A_572 = arith.cmpi slt, %parallel_loop3A_565, %parallel_loop3A_571 : i32
      %parallel_loop3A_573 = arith.xori %parallel_loop3A_570, %parallel_loop3A_572 : i1
      %parallel_loop3A_574 = arith.andi %parallel_loop3A_573, %parallel_loop3A_568 : i1
      %parallel_loop3A_575 = arith.addi %parallel_loop3A_566, %parallel_loop3A_565 : i32
      %parallel_loop3A_576 = arith.select %parallel_loop3A_574, %parallel_loop3A_575, %parallel_loop3A_566 : i32
      %parallel_loop3A_577 = arith.constant 0 : i32
      %parallel_loop3A_578 = arith.addi %parallel_loop3A_576, %parallel_loop3A_577 : i32
      %parallel_loop3A_579 = arith.index_cast %parallel_loop3A_561 : i32 to index
      %parallel_loop3A_580 = arith.index_cast %parallel_loop3A_578 : i32 to index
      %parallel_loop3A_581 = tpu.vector_load %arg9[%parallel_loop3A_579, %parallel_loop3A_580] {strides = array<i32>} : memref<16x1024xf32, #tpu.memory_space<vmem>>, vector<1x16xf32>,
      %parallel_loop3A_582 = vector.shape_cast %parallel_loop3A_581 : vector<1x16xf32> to vector<16xf32>
      %parallel_loop3A_583 = arith.index_cast %parallel_loop3A_561 : i32 to index
      %parallel_loop3A_584 = arith.index_cast %parallel_loop3A_578 : i32 to index
      %parallel_loop3A_585 = tpu.vector_load %arg12[%parallel_loop3A_583, %parallel_loop3A_584] {strides = array<i32>} : memref<16x1024xf32, #tpu.memory_space<vmem>>, vector<1x16xf32>,
      %parallel_loop3A_586 = vector.shape_cast %parallel_loop3A_585 : vector<1x16xf32> to vector<16xf32>
      %parallel_loop3A_587 = arith.addf %parallel_loop3A_582, %parallel_loop3A_586 : vector<16xf32>
      %parallel_loop3A_588 = arith.index_cast %parallel_loop3A_561 : i32 to index
      %parallel_loop3A_589 = arith.index_cast %parallel_loop3A_578 : i32 to index
      %parallel_loop3A_590 = tpu.vector_load %arg9[%parallel_loop3A_588, %parallel_loop3A_589] {strides = array<i32>} : memref<16x1024xf32, #tpu.memory_space<vmem>>, vector<1x16xf32>,
      %parallel_loop3A_591 = vector.shape_cast %parallel_loop3A_590 : vector<1x16xf32> to vector<16xf32>
      %parallel_loop3A_592 = vector.shape_cast %parallel_loop3A_587 : vector<16xf32> to vector<1x16xf32>
      tpu.vector_store %arg9[%parallel_loop3A_588, %parallel_loop3A_589], %parallel_loop3A_592 {strides = array<i32>} : memref<16x1024xf32, #tpu.memory_space<vmem>>, vector<1x16xf32>,
      %parallel_loop3A_593 = arith.constant 16 : i32
      %parallel_loop3A_594 = arith.addi %parallel_loop3A_576, %parallel_loop3A_593 : i32
      %parallel_loop3A_595 = arith.index_cast %parallel_loop3A_561 : i32 to index
      %parallel_loop3A_596 = arith.index_cast %parallel_loop3A_594 : i32 to index
      %parallel_loop3A_597 = tpu.vector_load %arg9[%parallel_loop3A_595, %parallel_loop3A_596] {strides = array<i32>} : memref<16x1024xf32, #tpu.memory_space<vmem>>, vector<1x16xf32>,
      %parallel_loop3A_598 = vector.shape_cast %parallel_loop3A_597 : vector<1x16xf32> to vector<16xf32>
      %parallel_loop3A_599 = arith.index_cast %parallel_loop3A_561 : i32 to index
      %parallel_loop3A_600 = arith.index_cast %parallel_loop3A_594 : i32 to index
      %parallel_loop3A_601 = tpu.vector_load %arg12[%parallel_loop3A_599, %parallel_loop3A_600] {strides = array<i32>} : memref<16x1024xf32, #tpu.memory_space<vmem>>, vector<1x16xf32>,
      %parallel_loop3A_602 = vector.shape_cast %parallel_loop3A_601 : vector<1x16xf32> to vector<16xf32>
      %parallel_loop3A_603 = arith.addf %parallel_loop3A_598, %parallel_loop3A_602 : vector<16xf32>
      %parallel_loop3A_604 = arith.index_cast %parallel_loop3A_561 : i32 to index
      %parallel_loop3A_605 = arith.index_cast %parallel_loop3A_594 : i32 to index
      %parallel_loop3A_606 = tpu.vector_load %arg9[%parallel_loop3A_604, %parallel_loop3A_605] {strides = array<i32>} : memref<16x1024xf32, #tpu.memory_space<vmem>>, vector<1x16xf32>,
      %parallel_loop3A_607 = vector.shape_cast %parallel_loop3A_606 : vector<1x16xf32> to vector<16xf32>
      %parallel_loop3A_608 = vector.shape_cast %parallel_loop3A_603 : vector<16xf32> to vector<1x16xf32>
      tpu.vector_store %arg9[%parallel_loop3A_604, %parallel_loop3A_605], %parallel_loop3A_608 {strides = array<i32>} : memref<16x1024xf32, #tpu.memory_space<vmem>>, vector<1x16xf32>,
    } {sc.loop_unroll_factor = 2 : i64, sc.parallel_access}
    %add3A_501 = arith.constant 224 : i32
    %add3A_502 = arith.addi %mul3A_2, %add3A_501 : i32
    %dma_start3A_503 = arith.constant 0 : i32
    %dma_start3A_504 = tpu.memref_slice %arg5[%add3A_502, %dma_start3A_503] : memref<8192x1024xf32, #tpu.memory_space<hbm>> -> memref<16x1024xf32, #tpu.memory_space<hbm>>
    %dma_start3A_505 = arith.constant 0 : i32
    %dma_start3A_506 = tpu.memref_slice %arg5[%add3A_502, %dma_start3A_505] : memref<8192x1024xf32, #tpu.memory_space<hbm>> -> memref<16x1024xf32, #tpu.memory_space<hbm>>
    tpu.enqueue_dma source(%arg9 : memref<16x1024xf32, #tpu.memory_space<vmem>>) target(%dma_start3A_506 : memref<16x1024xf32, #tpu.memory_space<hbm>>) target_semaphore(%arg21 : memref<!tpu.dma_semaphore, #tpu.memory_space<semaphore_mem>>)
    %dma_wait3A_507 = arith.constant 240 : i32
    %dma_wait3A_508 = tpu.memref_slice %arg6[%dma_wait3A_507] : memref<256xi32, #tpu.memory_space<vmem>> -> memref<16xi32, #tpu.memory_space<vmem>>
    %dma_wait3A_509 = arith.constant 0 : i32
    %dma_wait3A_510 = arith.constant 0 : i32
    %dma_wait3A_511 = tpu.memref_slice %arg3[%dma_wait3A_509, %dma_wait3A_510] : memref<100000x1024xf32, #tpu.memory_space<hbm>> -> memref<100000x1024xf32, #tpu.memory_space<hbm>>
    tpu.wait_indirect_dma semaphore(%arg13 : memref<!tpu.dma_semaphore, #tpu.memory_space<semaphore_mem>>) src(%dma_wait3A_511 : memref<100000x1024xf32, #tpu.memory_space<hbm>>) dst(%arg7 : memref<16x1024xf32, #tpu.memory_space<vmem>>)
    %dma_wait3A_512 = arith.constant 0 : i32
    %dma_wait3A_513 = tpu.memref_slice %arg4[%add3A_484, %dma_wait3A_512] : memref<8192x1024xf32, #tpu.memory_space<hbm>> -> memref<16x1024xf32, #tpu.memory_space<hbm>>
    %dma_wait3A_514 = arith.constant 0 : i32
    %dma_wait3A_515 = tpu.memref_slice %arg4[%add3A_484, %dma_wait3A_514] : memref<8192x1024xf32, #tpu.memory_space<hbm>> -> memref<16x1024xf32, #tpu.memory_space<hbm>>
    tpu.wait_dma2 semaphore(%arg16 : memref<!tpu.dma_semaphore, #tpu.memory_space<semaphore_mem>>) src(%dma_wait3A_515 : memref<16x1024xf32, #tpu.memory_space<hbm>>) dst(%arg10 : memref<16x1024xf32, #tpu.memory_space<vmem>>)
    %parallel_loop3A_516 = arith.constant 0 : i32
    %parallel_loop3A_517 = arith.constant 16384 : i32
    %parallel_loop3A_518 = arith.constant 32 : i32
    scf.for %parallel_loop3A_537 = %parallel_loop3A_516 to %parallel_loop3A_517 step %parallel_loop3A_518  : i32 {
      %parallel_loop3A_538 = arith.constant 1024 : i32
      %parallel_loop3A_539 = arith.divsi %parallel_loop3A_537, %parallel_loop3A_538 : i32
      %parallel_loop3A_540 = arith.constant 0 : i32
      %parallel_loop3A_541 = arith.cmpi sgt, %parallel_loop3A_537, %parallel_loop3A_540 : i32
      %parallel_loop3A_542 = arith.extui %parallel_loop3A_541 : i1 to i32
      %parallel_loop3A_543 = arith.constant 0 : i32
      %parallel_loop3A_544 = arith.cmpi slt, %parallel_loop3A_537, %parallel_loop3A_543 : i32
      %parallel_loop3A_545 = arith.extui %parallel_loop3A_544 : i1 to i32
      %parallel_loop3A_546 = arith.subi %parallel_loop3A_542, %parallel_loop3A_545 : i32
      %parallel_loop3A_547 = arith.constant 0 : i32
      %parallel_loop3A_548 = arith.cmpi sgt, %parallel_loop3A_538, %parallel_loop3A_547 : i32
      %parallel_loop3A_549 = arith.extui %parallel_loop3A_548 : i1 to i32
      %parallel_loop3A_550 = arith.constant 0 : i32
      %parallel_loop3A_551 = arith.cmpi slt, %parallel_loop3A_538, %parallel_loop3A_550 : i32
      %parallel_loop3A_552 = arith.extui %parallel_loop3A_551 : i1 to i32
      %parallel_loop3A_553 = arith.subi %parallel_loop3A_549, %parallel_loop3A_552 : i32
      %parallel_loop3A_554 = arith.cmpi ne, %parallel_loop3A_546, %parallel_loop3A_553 : i32
      %parallel_loop3A_555 = arith.remsi %parallel_loop3A_537, %parallel_loop3A_538 : i32
      %parallel_loop3A_556 = arith.constant 0 : i32
      %parallel_loop3A_557 = arith.cmpi ne, %parallel_loop3A_555, %parallel_loop3A_556 : i32
      %parallel_loop3A_558 = arith.andi %parallel_loop3A_554, %parallel_loop3A_557 : i1
      %parallel_loop3A_559 = arith.constant 1 : i32
      %parallel_loop3A_560 = arith.subi %parallel_loop3A_539, %parallel_loop3A_559 : i32
      %parallel_loop3A_561 = arith.select %parallel_loop3A_558, %parallel_loop3A_560, %parallel_loop3A_539 : i32
      %parallel_loop3A_562 = arith.constant 0 : i32
      %parallel_loop3A_563 = arith.cmpi eq, %parallel_loop3A_538, %parallel_loop3A_562 : i32
      %parallel_loop3A_564 = arith.constant 1 : i32
      %parallel_loop3A_565 = arith.select %parallel_loop3A_563, %parallel_loop3A_564, %parallel_loop3A_538 : i32
      %parallel_loop3A_566 = arith.remsi %parallel_loop3A_537, %parallel_loop3A_565 : i32
      %parallel_loop3A_567 = arith.constant 0 : i32
      %parallel_loop3A_568 = arith.cmpi ne, %parallel_loop3A_566, %parallel_loop3A_567 : i32
      %parallel_loop3A_569 = arith.constant 0 : i32
      %parallel_loop3A_570 = arith.cmpi slt, %parallel_loop3A_566, %parallel_loop3A_569 : i32
      %parallel_loop3A_571 = arith.constant 0 : i32
      %parallel_loop3A_572 = arith.cmpi slt, %parallel_loop3A_565, %parallel_loop3A_571 : i32
      %parallel_loop3A_573 = arith.xori %parallel_loop3A_570, %parallel_loop3A_572 : i1
      %parallel_loop3A_574 = arith.andi %parallel_loop3A_573, %parallel_loop3A_568 : i1
      %parallel_loop3A_575 = arith.addi %parallel_loop3A_566, %parallel_loop3A_565 : i32
      %parallel_loop3A_576 = arith.select %parallel_loop3A_574, %parallel_loop3A_575, %parallel_loop3A_566 : i32
      %parallel_loop3A_577 = arith.constant 0 : i32
      %parallel_loop3A_578 = arith.addi %parallel_loop3A_576, %parallel_loop3A_577 : i32
      %parallel_loop3A_579 = arith.index_cast %parallel_loop3A_561 : i32 to index
      %parallel_loop3A_580 = arith.index_cast %parallel_loop3A_578 : i32 to index
      %parallel_loop3A_581 = tpu.vector_load %arg7[%parallel_loop3A_579, %parallel_loop3A_580] {strides = array<i32>} : memref<16x1024xf32, #tpu.memory_space<vmem>>, vector<1x16xf32>,
      %parallel_loop3A_582 = vector.shape_cast %parallel_loop3A_581 : vector<1x16xf32> to vector<16xf32>
      %parallel_loop3A_583 = arith.index_cast %parallel_loop3A_561 : i32 to index
      %parallel_loop3A_584 = arith.index_cast %parallel_loop3A_578 : i32 to index
      %parallel_loop3A_585 = tpu.vector_load %arg10[%parallel_loop3A_583, %parallel_loop3A_584] {strides = array<i32>} : memref<16x1024xf32, #tpu.memory_space<vmem>>, vector<1x16xf32>,
      %parallel_loop3A_586 = vector.shape_cast %parallel_loop3A_585 : vector<1x16xf32> to vector<16xf32>
      %parallel_loop3A_587 = arith.addf %parallel_loop3A_582, %parallel_loop3A_586 : vector<16xf32>
      %parallel_loop3A_588 = arith.index_cast %parallel_loop3A_561 : i32 to index
      %parallel_loop3A_589 = arith.index_cast %parallel_loop3A_578 : i32 to index
      %parallel_loop3A_590 = tpu.vector_load %arg7[%parallel_loop3A_588, %parallel_loop3A_589] {strides = array<i32>} : memref<16x1024xf32, #tpu.memory_space<vmem>>, vector<1x16xf32>,
      %parallel_loop3A_591 = vector.shape_cast %parallel_loop3A_590 : vector<1x16xf32> to vector<16xf32>
      %parallel_loop3A_592 = vector.shape_cast %parallel_loop3A_587 : vector<16xf32> to vector<1x16xf32>
      tpu.vector_store %arg7[%parallel_loop3A_588, %parallel_loop3A_589], %parallel_loop3A_592 {strides = array<i32>} : memref<16x1024xf32, #tpu.memory_space<vmem>>, vector<1x16xf32>,
      %parallel_loop3A_593 = arith.constant 16 : i32
      %parallel_loop3A_594 = arith.addi %parallel_loop3A_576, %parallel_loop3A_593 : i32
      %parallel_loop3A_595 = arith.index_cast %parallel_loop3A_561 : i32 to index
      %parallel_loop3A_596 = arith.index_cast %parallel_loop3A_594 : i32 to index
      %parallel_loop3A_597 = tpu.vector_load %arg7[%parallel_loop3A_595, %parallel_loop3A_596] {strides = array<i32>} : memref<16x1024xf32, #tpu.memory_space<vmem>>, vector<1x16xf32>,
      %parallel_loop3A_598 = vector.shape_cast %parallel_loop3A_597 : vector<1x16xf32> to vector<16xf32>
      %parallel_loop3A_599 = arith.index_cast %parallel_loop3A_561 : i32 to index
      %parallel_loop3A_600 = arith.index_cast %parallel_loop3A_594 : i32 to index
      %parallel_loop3A_601 = tpu.vector_load %arg10[%parallel_loop3A_599, %parallel_loop3A_600] {strides = array<i32>} : memref<16x1024xf32, #tpu.memory_space<vmem>>, vector<1x16xf32>,
      %parallel_loop3A_602 = vector.shape_cast %parallel_loop3A_601 : vector<1x16xf32> to vector<16xf32>
      %parallel_loop3A_603 = arith.addf %parallel_loop3A_598, %parallel_loop3A_602 : vector<16xf32>
      %parallel_loop3A_604 = arith.index_cast %parallel_loop3A_561 : i32 to index
      %parallel_loop3A_605 = arith.index_cast %parallel_loop3A_594 : i32 to index
      %parallel_loop3A_606 = tpu.vector_load %arg7[%parallel_loop3A_604, %parallel_loop3A_605] {strides = array<i32>} : memref<16x1024xf32, #tpu.memory_space<vmem>>, vector<1x16xf32>,
      %parallel_loop3A_607 = vector.shape_cast %parallel_loop3A_606 : vector<1x16xf32> to vector<16xf32>
      %parallel_loop3A_608 = vector.shape_cast %parallel_loop3A_603 : vector<16xf32> to vector<1x16xf32>
      tpu.vector_store %arg7[%parallel_loop3A_604, %parallel_loop3A_605], %parallel_loop3A_608 {strides = array<i32>} : memref<16x1024xf32, #tpu.memory_space<vmem>>, vector<1x16xf32>,
    } {sc.loop_unroll_factor = 2 : i64, sc.parallel_access}
    %add3A_519 = arith.constant 240 : i32
    %add3A_520 = arith.addi %mul3A_2, %add3A_519 : i32
    %dma_start3A_521 = arith.constant 0 : i32
    %dma_start3A_522 = tpu.memref_slice %arg5[%add3A_520, %dma_start3A_521] : memref<8192x1024xf32, #tpu.memory_space<hbm>> -> memref<16x1024xf32, #tpu.memory_space<hbm>>
    %dma_start3A_523 = arith.constant 0 : i32
    %dma_start3A_524 = tpu.memref_slice %arg5[%add3A_520, %dma_start3A_523] : memref<8192x1024xf32, #tpu.memory_space<hbm>> -> memref<16x1024xf32, #tpu.memory_space<hbm>>
    tpu.enqueue_dma source(%arg7 : memref<16x1024xf32, #tpu.memory_space<vmem>>) target(%dma_start3A_524 : memref<16x1024xf32, #tpu.memory_space<hbm>>) target_semaphore(%arg19 : memref<!tpu.dma_semaphore, #tpu.memory_space<semaphore_mem>>)
    %dma_wait3A_525 = arith.constant 0 : i32
    %dma_wait3A_526 = tpu.memref_slice %arg5[%add3A_520, %dma_wait3A_525] : memref<8192x1024xf32, #tpu.memory_space<hbm>> -> memref<16x1024xf32, #tpu.memory_space<hbm>>
    %dma_wait3A_527 = arith.constant 0 : i32
    %dma_wait3A_528 = tpu.memref_slice %arg5[%add3A_520, %dma_wait3A_527] : memref<8192x1024xf32, #tpu.memory_space<hbm>> -> memref<16x1024xf32, #tpu.memory_space<hbm>>
    tpu.wait_dma2 semaphore(%arg19 : memref<!tpu.dma_semaphore, #tpu.memory_space<semaphore_mem>>) src(%arg7 : memref<16x1024xf32, #tpu.memory_space<vmem>>) dst(%dma_wait3A_528 : memref<16x1024xf32, #tpu.memory_space<hbm>>)
    %dma_wait3A_529 = arith.constant 0 : i32
    %dma_wait3A_530 = tpu.memref_slice %arg5[%add3A_469, %dma_wait3A_529] : memref<8192x1024xf32, #tpu.memory_space<hbm>> -> memref<16x1024xf32, #tpu.memory_space<hbm>>
    %dma_wait3A_531 = arith.constant 0 : i32
    %dma_wait3A_532 = tpu.memref_slice %arg5[%add3A_469, %dma_wait3A_531] : memref<8192x1024xf32, #tpu.memory_space<hbm>> -> memref<16x1024xf32, #tpu.memory_space<hbm>>
    tpu.wait_dma2 semaphore(%arg20 : memref<!tpu.dma_semaphore, #tpu.memory_space<semaphore_mem>>) src(%arg8 : memref<16x1024xf32, #tpu.memory_space<vmem>>) dst(%dma_wait3A_532 : memref<16x1024xf32, #tpu.memory_space<hbm>>)
    %dma_wait3A_533 = arith.constant 0 : i32
    %dma_wait3A_534 = tpu.memref_slice %arg5[%add3A_502, %dma_wait3A_533] : memref<8192x1024xf32, #tpu.memory_space<hbm>> -> memref<16x1024xf32, #tpu.memory_space<hbm>>
    %dma_wait3A_535 = arith.constant 0 : i32
    %dma_wait3A_536 = tpu.memref_slice %arg5[%add3A_502, %dma_wait3A_535] : memref<8192x1024xf32, #tpu.memory_space<hbm>> -> memref<16x1024xf32, #tpu.memory_space<hbm>>
    tpu.wait_dma2 semaphore(%arg21 : memref<!tpu.dma_semaphore, #tpu.memory_space<semaphore_mem>>) src(%arg9 : memref<16x1024xf32, #tpu.memory_space<vmem>>) dst(%dma_wait3A_536 : memref<16x1024xf32, #tpu.memory_space<hbm>>)
    return
  }
}

</mosaic_0001>

<sc_bundles>
// kernel: kernel.3.cloned.1.call-start
scs
__scs_entry_jumppad:
0x0: {  	(pc) =	sbr.rel $0x88, $3  }
0x1: {  	(tag) =	ssettag $0x0;
	lr =	simm.s32 $0x1  }
0x2: {  	[smem:$0x3F9E] =	sst lr;
	_ =	strace $0xD0000000  }
0x3: {  	_ = 	snop  }
0x4: {  	_ = 	snop  }
0x5: {  	_ = 	snop  }
0x6: {  	_ = 	snop  }
0x7: {  	_ = 	snop  }
__scs_overlays_trampoline_lowered:
0x8: {  	[smem:$0x3FAD] =	sst s0  }
0x9: {  	[smem:$0x3FAE] =	sst s1  }
0xa: {  	[smem:$0x3FAF] =	sst s2  }
0xb: {  	[smem:$0x3FB0] =	sst s3  }
0xc: {  	[smem:$0x3FB1] =	sst s4  }
0xd: {  	[smem:$0x3FB2] =	sst s5  }
0xe: {  	[smem:$0x3FB3] =	sst s6  }
0xf: {  	[smem:$0x3FB4] =	sst s7  }
0x10: {  	[smem:$0x3FB5] =	sst s8  }
0x11: {  	[smem:$0x3FB6] =	sst s9;
	s0 =	simm.s32 @!p0 $0x0  }
0x12: {  	s1 =	sld [smem:$0x3F9C];
	s0 =	simm.s32 @p0 $0x1  }
0x13: {  	[smem:$0x3FB7] =	sst s0;
	s0 =	simm.s32 @!p1 $0x0  }
0x14: {  	s2 =	sld [smem:$0x3F9B];
	s0 =	simm.s32 @p1 $0x1  }
0x15: {  	[smem:$0x3FB8] =	sst s0;
	s0 =	simm.s32 @!p2 $0x0  }
0x16: {  	s3 =	sld [smem:$0x3FDB];
	s0 =	simm.s32 @p2 $0x1  }
0x17: {  	s4 =	simm.s32 $0x1BF5;
	[smem:$0x3FBA] =	sst s0  }
0x18: {  	s0 =	sld [smem:$0x3F9D];
	_ =	swait.ge [sflag:s4], $0x0  }
0x19: {  	s7 =	sld [smem:$0x3F9E]  }
0x1a: {  	s8 =	sadd.s32 $0xFFFFE003, lr  }
0x1b: {  	s9 =	sadd.s32 $0xFFFFFEF7, lr;
	s5 =	simm.s32 $0xFFFFFFFF;
	p2 =	slt.u32 s8, $0xFFFFF086  }
0x1c: {  	p1 =	slt.u32 s9, $0xF7A;
	s5 =	simm.s32 @!p2 $0x0  }
0x1d: {  	s5 =	simm.s32 @p1 $0x1;
	p0 =	seq.s32 s7, s2  }
0x1e: {  	s7 =	smul.u32 @!p0 $0xF7A, s2;
	p2 =	seq.s32 @!p0 s5, $0x0  }
0x1f: {  	s9 =	smul.u32 $0xF7A, s1;
	s8 =	simm.s32 @!p0 $0x1BF5;
	p2 =	por !p2, p0  }
0x20: {  	[sflag:s8] =	ssyncset.s32 @!p0 $0xFFFFF086;
	s6 =	sadd.s32 @!p0 s3, s7;
	s7 =	simm.s32 @!p0 $0x108  }
0x21: {  	s3 =	sadd.s32 s3, s9;
	s6 =	sadd.s32 @!p0 $0x88, s6;
	s7 =	simm.s32 @p2 $0x1082  }
0x22: {  	[simem:s7], [sflag:s8] =	dma.local @!p0 [hbm:s6], $0xF7A  }
0x23: {  	s9 =	sor.u32 $0xD0000000, s2;
	s6 =	simm.s32 $0x108;
	_ =	swait.ge @!p0 [sflag:s8], $0x0  }
0x24: {  	s3 =	sadd.s32 $0x88, s3;
	s6 =	simm.s32 @!p1 $0x1082;
	[sflag:s4] =	ssyncset.s32 $0xFFFFF086  }
0x25: {  	[simem:s6], [sflag:s4] =	dma.local [hbm:s3], $0xF7A  }
0x26: {  	[smem:$0x3F9E] =	sst s1;
	(tag) =	ssettag s2;
	_ =	strace s9  }
0x27: {  	s1 =	sld [smem:$0x3FAE]  }
0x28: {  	s2 =	sld [smem:$0x3FAF]  }
0x29: {  	s4 =	sld [smem:$0x3FB1]  }
0x2a: {  	p0 =	seq.s32 s5, $0x0;
	s5 =	sld [smem:$0x3FB2]  }
0x2b: {  	s6 =	sld [smem:$0x3FB3]  }
0x2c: {  	s7 =	sld [smem:$0x3FB4]  }
0x2d: {  	s3 =	simm.s32 $0x108;
	s8 =	sld [smem:$0x3FB5]  }
0x2e: {  	s3 =	simm.s32 @!p0 $0x1082;
	s9 =	sld [smem:$0x3FB6]  }
0x2f: {  	lr =	sadd.s32 s0, s3;
	s0 =	sld [smem:$0x3FAD]  }
0x30: {  	s3 =	sld [smem:$0x3FB0]  }
0x31: {  	[smem:$0x3FB9] =	sst s10  }
0x32: {  	s10 =	sld [smem:$0x3FB7];
	_ =	sdelay $0x3  }
0x33: {  	p0 =	seq.s32 s10, $0x1;
	s10 =	sld [smem:$0x3FB9];
	_ =	sdelay $0x3  }
0x34: {  	[smem:$0x3FB9] =	sst s10  }
0x35: {  	s10 =	sld [smem:$0x3FB8];
	_ =	sdelay $0x3  }
0x36: {  	p1 =	seq.s32 s10, $0x1;
	s10 =	sld [smem:$0x3FB9];
	_ =	sdelay $0x3  }
0x37: {  	[smem:$0x3FB9] =	sst s10  }
0x38: {  	s10 =	sld [smem:$0x3FBA]  }
0x39: {  	_ = 	snop;
	(pc) =	sbr.ind lr, $3  }
0x3a: {  	_ = 	snop  }
0x3b: {  	_ = 	snop  }
0x3c: {  	p2 =	seq.s32 s10, $0x1;
	s10 =	sld [smem:$0x3FB9]  }
0x3d: {  	_ =	shalt  }
0x3e: {  	_ =	shalt  }
0x3f: {  	_ =	shalt  }
0x40: {  	_ =	shalt  }
0x41: {  	_ =	shalt  }
0x42: {  	_ =	shalt  }
0x43: {  	_ =	shalt  }
0x44: {  	_ =	shalt  }
0x45: {  	_ =	shalt  }
0x46: {  	_ =	shalt  }
0x47: {  	_ =	shalt  }
0x48: {  	_ =	shalt  }
0x49: {  	_ =	shalt  }
0x4a: {  	_ =	shalt  }
0x4b: {  	_ =	shalt  }
0x4c: {  	_ =	shalt  }
0x4d: {  	_ =	shalt  }
0x4e: {  	_ =	shalt  }
0x4f: {  	_ =	shalt  }
0x50: {  	_ =	shalt  }
0x51: {  	_ =	shalt  }
0x52: {  	_ =	shalt  }
0x53: {  	_ =	shalt  }
0x54: {  	_ =	shalt  }
0x55: {  	_ =	shalt  }
0x56: {  	_ =	shalt  }
0x57: {  	_ =	shalt  }
0x58: {  	_ =	shalt  }
0x59: {  	_ =	shalt  }
0x5a: {  	_ =	shalt  }
0x5b: {  	_ =	shalt  }
0x5c: {  	_ =	shalt  }
0x5d: {  	_ =	shalt  }
0x5e: {  	_ =	shalt  }
0x5f: {  	_ =	shalt  }
0x60: {  	_ =	shalt  }
0x61: {  	_ =	shalt  }
0x62: {  	_ =	shalt  }
0x63: {  	_ =	shalt  }
0x64: {  	_ =	shalt  }
0x65: {  	_ =	shalt  }
0x66: {  	_ =	shalt  }
0x67: {  	_ =	shalt  }
0x68: {  	_ =	shalt  }
0x69: {  	_ =	shalt  }
0x6a: {  	_ =	shalt  }
0x6b: {  	_ =	shalt  }
0x6c: {  	_ =	shalt  }
0x6d: {  	_ =	shalt  }
0x6e: {  	_ =	shalt  }
0x6f: {  	_ =	shalt  }
0x70: {  	_ =	shalt  }
0x71: {  	_ =	shalt  }
0x72: {  	_ =	shalt  }
0x73: {  	_ =	shalt  }
0x74: {  	_ =	shalt  }
0x75: {  	_ =	shalt  }
0x76: {  	_ =	shalt  }
0x77: {  	_ =	shalt  }
0x78: {  	_ =	shalt  }
0x79: {  	_ =	shalt  }
0x7a: {  	_ =	shalt  }
0x7b: {  	_ =	shalt  }
0x7c: {  	_ =	shalt  }
0x7d: {  	_ =	shalt  }
0x7e: {  	_ =	shalt  }
0x7f: {  	_ =	shalt  }
0x80: {  	_ =	shalt  }
0x81: {  	_ =	shalt  }
0x82: {  	_ =	shalt  }
0x83: {  	_ =	shalt  }
0x84: {  	_ =	shalt  }
0x85: {  	_ =	shalt  }
0x86: {  	_ =	shalt  }
0x87: {  	_ =	shalt  }
.Lfunc_end0:
.L_simem_size_0:
called_computation_lowered:
.L_overlay_start_0:
0x88: {  	s2 =	sld [smem:$0x3FD9]  }
0x89: {  	s3 =	sld [smem:$0x3FFE];
	_ =	sdelay $0x1  }
0x8a: {  	s1 =	srdreg.scid  }
0x8b: {  	s0 =	sand.u32 $0x1, s1  }
0x8c: {  	s17 =	sshll.u32 s0, $0xA;
	s2 =	sadd.s32 s3, s2  }
0x8d: {  	s2 =	sadd.s32 s2, s17  }
0x8e: {  	[smem:$0x3FC5] =	sst s2  }
0x8f: {  	_ = 	snop  }
0x90: {  	s2 =	sld [smem:$0x3FC8]  }
0x91: {  	s18 =	sld [smem:$0x3FC7]  }
0x92: {  	s4 =	sld [smem:$0x3FD0];
	(tm) =	ssettm $0x1  }
0x93: {  	s5 =	sld [smem:$0x3FFB];
	_ =	sdelay $0x3  }
0x94: {  	_ =	strace s5  }
0x95: {  	s5 =	sld [smem:$0x3FFC];
	_ =	sdelay $0x3  }
0x96: {  	_ =	strace s5  }
0x97: {  	s5 =	sld [smem:$0x3FFD];
	_ =	sdelay $0x3  }
0x98: {  	_ =	strace s5  }
0x99: {  	_ =	strace $0x8FFFFFFF  }
0x9a: {  	s19 =	sld [smem:$0x3FDB];
	_ =	sdelay $0x1  }
0x9b: {  	s6 =	simm.s32 $_scs_section_size  }
0x9c: {  	s7 =	simm.s32 $_size__tile_overlayer_lowered;
	s8 =	simm.s32 $_tile_overlayer_lowered  }
0x9d: {  	s22 =	simm.s32 $0x1BFF;
	s21 =	sshll.u32 s8, $0x1;
	s5 =	sadd.s32 s6, s19  }
0x9e: {  	s9 =	simm.s32 $0x0;
	s20 =	sshll.u32 s7, $0x1;
	s7 =	sadd.s32 s21, s5  }
0x9f: {  	[timem:s9], [sflag:s22] =	dma.local [hbm:s7], s20  }
0xa0: {  	_ =	swait.ge [sflag:s22], s20  }
0xa1: {  	s6 =	ssub.s32 $0x0, s20;
	[sflag:s22] =	ssyncset.done $0x0  }
0xa2: {  	[sflag:s22] =	ssyncadd.s32 s6;
	_ =	sdelay $0x1  }
0xa3: {  	s23 =	simm.s32 $0x1B8B  }
0xa4: {  	_ =	swait.ge [sflag:s23], $0x1  }
0xa5: {  	[sflag:s23] =	ssyncset.done $0x0  }
0xa6: {  	s25 =	simm.s32 $0x1B8E;
	s24 =	sld [smem:$0x3FFE];
	[sflag:s23] =	ssyncadd.s32 $0xFFFFFFFF  }
0xa7: {  	s26 =	simm.s32 $execute0_lowered;
	[smem:$0x3FD2] =	sst s25  }
0xa8: {  	s7 =	sshll.u32 s26, $0x1;
	_ =	strace $0x80000046;
	[dreg:$0x1] =	wrdreg $0xFFFFFFFF  }
0xa9: {  	s28 =	simm.s32 $_size_execute0_lowered;
	s5 =	sadd.s32 s5, s7;
	[dreg:$0x0] =	wrdreg $0x0  }
0xaa: {  	s7 =	sshll.u32 s28, $0x1;
	[dreg:$0x2] =	wrdreg s5  }
0xab: {  	[dreg:$0x3] =	wrdreg s7  }
0xac: {  	[dreg:$0x4] =	wrdreg $0xC0  }
0xad: {  	_ =	task [dreg:s9], $0x5FFFF  }
0xae: {  	[dreg:$0x1] =	wrdreg $0xFFFFFFFF  }
0xaf: {  	[dreg:$0x0] =	wrdreg $0x60  }
0xb0: {  	[dreg:$0x2] =	wrdreg s24  }
0xb1: {  	[dreg:$0x3] =	wrdreg s2  }
0xb2: {  	[dreg:$0x4] =	wrdreg s18  }
0xb3: {  	[dreg:$0x5] =	wrdreg s4  }
0xb4: {  	[dreg:$0x6] =	wrdreg $0x9  }
0xb5: {  	_ =	task.clear_ibuf [dreg:s9], $0x7FFFF;
	_ =	strace $0x90000046  }
0xb6: {  	s29 =	simm.s32 $0x9;
	_ =	strace $0x80000048  }
0xb7: {  	_ =	swait.ge [sflag:s29], $0x1  }
0xb8: {  	[sflag:s29] =	ssyncadd.s32 $0xFFFFFFFF  }
0xb9: {  	_ =	strace $0x90000048  }
0xba: {  	_ =	sfence  }
0xbb: {  	s30 =	sld [smem:$0x0];
	_ =	sdelay $0x2  }
0xbc: {  	s31 =	sshll.u32 s1, $0xD;
	s1 =	sshrl.u32 s1, $0x2  }
0xbd: {  	s3 =	sand.u32 $0x4000, s31;
	s1 =	sadd.s32 s1, s30  }
0xbe: {  	s0 =	sor.u32 s3, s0;
	s1 =	sshll.u32 s1, $0x11  }
0xbf: {  	s0 =	sor.u32 s1, s0  }
0xc0: {  	s0 =	sadd.s32 $0x8F2B, s0  }
0xc1: {  	[sflag:s0] =	ssyncadd.remote.s32 $0x1  }
0xc2: {  	_ =	sfence.sel $0xFFFF  }
0xc3: {  	[dreg:$0x0] =	wrdreg $0xFFFFFFFF;
	(pc) =	sbr.abs _section_cstart, $3  }
0xc4: {  	[dreg:$0x1] =	wrdreg $0xFFFFFFFF  }
0xc5: {  	_ =	task.clear_ibuf [dreg:s9], $0x2FFFF;
	_ =	strace $0x9FFFFFFF  }
0xc6: {  	(tm) =	ssettm $0x7FFFFFFF  }
0xc7: {  	_ =	shalt  }
tec
execute0_lowered:
.L_overlay_start_1:
0x0: {  	(tag) =	ssettag $0x1  }
0x1: {  	s0 =	rddreg [dreg:$0x0]  }
0x2: {  	s1 =	rddreg [dreg:$0x1];
	s2 =	srdreg.scid  }
0x3: {  	s4 =	rddreg [dreg:$0x2];
	s3 =	stileid.u32  }
0x4: {  	s8 =	rddreg [dreg:$0x3];
	s2 =	sand.u32 $0x1, s2;
	s5 =	sshll.u32 s3, $0x9  }
0x5: {  	s3 =	simm.s32 $0x0;
	s6 =	sshll.u32 s2, $0x8;
	s2 =	ssub.s32 $0x2, s2  }
0x6: {  	[smem:$0x7FF] =	sst s3;
	s5 =	sor.u32 s6, s5;
	s20 =	sshrl.u32 s2, $0x1  }
0x7: {  	_ =	strace $0x80000047;
	s6 =	sshrl.u32 s5, $0x3;
	s2 =	ssub.s32 s2, s20  }
0x8: {  	s21 =	sshll.u32 s5, $0x7;
	s0 =	sadd.s32 s6, s0;
	s2 =	smax.u32 s2, $0x1  }
0x9: {  	s9 =	sand.u32 $0x38000, s21;
	s0 =	sadd.s32 $0x400, s0;
	[dreg:$0x17] =	wrdreg s2  }
0xa: {  	s4 =	sadd.s32 s4, s9;
	[dreg:$0x5] =	wrdreg s0  }
0xb: {  	s22 =	sadd.s32 $0x800, s4;
	[dreg:$0x6] =	wrdreg s4  }
0xc: {  	s23 =	sadd.s32 $0x1000, s4;
	[dreg:$0x8] =	wrdreg s22  }
0xd: {  	s25 =	sadd.s32 $0x1800, s4;
	[dreg:$0x9] =	wrdreg s23  }
0xe: {  	s29 =	sadd.s32 $0x2000, s4;
	[dreg:$0xb] =	wrdreg s25  }
0xf: {  	s31 =	sadd.s32 $0x2800, s4;
	[dreg:$0xd] =	wrdreg s29  }
0x10: {  	s10 =	sadd.s32 $0x3000, s4;
	[dreg:$0xf] =	wrdreg s31  }
0x11: {  	s12 =	sadd.s32 $0x3800, s4;
	[dreg:$0x11] =	wrdreg s10  }
0x12: {  	s14 =	sadd.s32 $0x4000, s4;
	[dreg:$0x13] =	wrdreg s12  }
0x13: {  	s16 =	sadd.s32 $0x4800, s4;
	[dreg:$0x15] =	wrdreg s14  }
0x14: {  	s18 =	sadd.s32 $0x5000, s4;
	[dreg:$0x18] =	wrdreg s16  }
0x15: {  	s20 =	sadd.s32 $0x5800, s4;
	[dreg:$0x1a] =	wrdreg s18  }
0x16: {  	s0 =	sadd.s32 s8, s21;
	[dreg:$0x1c] =	wrdreg s20  }
0x17: {  	s24 =	sadd.s32 $0x800, s0;
	[dreg:$0x7] =	wrdreg s0  }
0x18: {  	s26 =	sadd.s32 $0x1000, s0;
	[dreg:$0xa] =	wrdreg s24  }
0x19: {  	s30 =	sadd.s32 $0x1800, s0;
	[dreg:$0xc] =	wrdreg s26  }
0x1a: {  	s28 =	simm.s32 $0x4100;
	s9 =	sadd.s32 $0x2000, s0;
	[dreg:$0xe] =	wrdreg s30  }
0x1b: {  	s7 =	sadd.s32 $0x300, s1;
	s11 =	sadd.s32 $0x2800, s0;
	[dreg:$0x10] =	wrdreg s9  }
0x1c: {  	s5 =	sadd.s32 $0x100, s1;
	s13 =	sadd.s32 $0x3000, s0;
	[dreg:$0x12] =	wrdreg s11  }
0x1d: {  	s6 =	sadd.s32 $0x200, s1;
	s15 =	sadd.s32 $0x3800, s0;
	[dreg:$0x14] =	wrdreg s13  }
0x1e: {  	s2 =	simm.s32 $0x2;
	s17 =	sadd.s32 $0x4000, s0;
	[dreg:$0x16] =	wrdreg s15  }
0x1f: {  	s8 =	simm.s32 $0x0;
	s19 =	sadd.s32 $0x4800, s0;
	[dreg:$0x19] =	wrdreg s17  }
0x20: {  	s21 =	sadd.s32 $0x5000, s0;
	s22 =	sadd.s32 $0x6000, s4;
	[dreg:$0x1b] =	wrdreg s19  }
0x21: {  	s23 =	sadd.s32 $0x5800, s0;
	s25 =	sadd.s32 $0x6000, s0;
	[dreg:$0x1d] =	wrdreg s21  }
0x22: {  	s29 =	sadd.s32 $0x6800, s0;
	s31 =	sadd.s32 $0x7000, s0;
	[dreg:$0x1e] =	wrdreg s22  }
0x23: {  	s0 =	sadd.s32 $0x7800, s0;
	s18 =	simm.s32 $0x100;
	[dreg:$0x1f] =	wrdreg s23  }
0x24: {  	s12 =	simm.s32 $0x1;
	s14 =	simm.s32 $0x8100;
	[smem:$0x7F8] =	sst s25  }
0x25: {  	s10 =	simm.s32 $0x3;
	s16 =	simm.s32 $0x9;
	[smem:$0x7FA] =	sst s29  }
0x26: {  	s24 =	sadd.s32 $0x6800, s4;
	s26 =	sadd.s32 $0x7000, s4;
	[smem:$0x7FC] =	sst s31  }
0x27: {  	s30 =	sadd.s32 $0x7800, s4;
	[smem:$0x7FD] =	sst s0;
	s22 =	simm.s32 $0x2100  }
0x28: {  	s23 =	simm.s32 $0x2900;
	s25 =	simm.s32 $0x3900;
	s13 =	simm.s32 $0x4  }
0x29: {  	v2 =	vlaneseq.u32;
	s0 =	simm.s32 $0x5;
	s4 =	simm.s32 $0x7;
	[smem:$0x7F7] =	sst s24  }
0x2a: {  	vm0 =	vmmov $0xffff;
	v1 =	vshrl.u32 v2, $0x3;
	s11 =	simm.s32 $0x6;
	s15 =	simm.s32 $0x8;
	[smem:$0x7F9] =	sst s26  }
0x2b: {  	v0 =	vand.u32 $0x7, v2;
	v2 =	vor.u32 $0x8, v2;
	v1 =	vmul.u32 $0x8, v1;
	[smem:$0x7FB] =	sst s30;
	s24 =	simm.s32 $0x3100;
	s26 =	simm.s32 $0xC100  }
.LBB2_1:
0x2c: {  	s9 =	rddreg [dreg:$0x5];
	s21 =	simm.s32 $0xA  }
0x2d: {  	[tilespmem:s3], [sflag:$0xA] =	stream.linear.gather [hbm4b:s9+s3], $0x100, $0x38;
	[tilespmem:$0x18100] =	vst v63  }
0x2e: {  	_ =	swait.ge [sflag:s21], $0x100  }
0x2f: {  	[sflag:s21] =	ssyncset.done $0x0  }
0x30: {  	[sflag:s21] =	ssyncadd.s32 $0xFFFFFF00  }
0x31: {  	v3 =	vld [tilespmem:$0x0];
	_ =	sdelay $0x4  }
0x32: {  	v4 =	vshll.u32 v3, $0x3  }
0x33: {  	v3 =	vand.u32 $0x7, v3;
	v4 =	vand.u32 $0xFFFFFFC0, v4  }
0x34: {  	v3 =	vor.u32 v3, v4  }
0x35: {  	v4 =	vperm.xlane v3, v0;
	_ =	sdelay $0x1  }
0x36: {  	v4 =	vadd.s32 v1, v4;
	_ =	sdelay $0x4  }
0x37: {  	[tilespmem:s18], [sflag:$0x1] =	stream.indirect_vreg.gather [hbm4b:s1+s3], $0x80, v4, vm0, $0xb8;
	[tilespmem:$0x18100] =	vst v63  }
0x38: {  	s17 =	simm.s32 $0x900;
	v3 =	vperm.xlane v3, v2  }
0x39: {  	[tilespmem:s17], [sflag:$0x1] =	stream.indirect_vreg.gather [hbm4b:s5+s3], $0x80, v4, vm0, $0xb8;
	[tilespmem:$0x18100] =	vst v63  }
0x3a: {  	s19 =	simm.s32 $0x1100;
	v3 =	vadd.s32 v1, v3  }
0x3b: {  	[tilespmem:s19], [sflag:$0x1] =	stream.indirect_vreg.gather [hbm4b:s6+s3], $0x80, v4, vm0, $0xb8;
	[tilespmem:$0x18100] =	vst v63  }
0x3c: {  	s20 =	simm.s32 $0x1900  }
0x3d: {  	[tilespmem:s20], [sflag:$0x1] =	stream.indirect_vreg.gather [hbm4b:s7+s3], $0x80, v4, vm0, $0xb8;
	[tilespmem:$0x18100] =	vst v63  }
0x3e: {  	_ = 	snop  }
0x3f: {  	[tilespmem:s22], [sflag:$0x1] =	stream.indirect_vreg.gather [hbm4b:s1+s3], $0x80, v3, vm0, $0xb8;
	[tilespmem:$0x18100] =	vst v63  }
0x40: {  	_ = 	snop  }
0x41: {  	[tilespmem:s23], [sflag:$0x1] =	stream.indirect_vreg.gather [hbm4b:s5+s3], $0x80, v3, vm0, $0xb8;
	[tilespmem:$0x18100] =	vst v63  }
0x42: {  	_ = 	snop  }
0x43: {  	[tilespmem:s24], [sflag:$0x1] =	stream.indirect_vreg.gather [hbm4b:s6+s3], $0x80, v3, vm0, $0xb8;
	[tilespmem:$0x18100] =	vst v63  }
0x44: {  	_ = 	snop  }
0x45: {  	[tilespmem:s25], [sflag:$0x1] =	stream.indirect_vreg.gather [hbm4b:s7+s3], $0x80, v3, vm0, $0xb8;
	[tilespmem:$0x18100] =	vst v63  }
0x46: {  	s21 =	rddreg [dreg:$0x6]  }
0x47: {  	[tilespmem:s26], [sflag:$0x4] =	stream.linear.gather [hbm4b:s21+s3], $0x4000, $0x38;
	[tilespmem:$0x18100] =	vst v63  }
0x48: {  	v3 =	vld [tilespmem:$0x10];
	_ =	sdelay $0x4  }
0x49: {  	v4 =	vshll.u32 v3, $0x3  }
0x4a: {  	v3 =	vand.u32 $0x7, v3;
	v4 =	vand.u32 $0xFFFFFFC0, v4  }
0x4b: {  	v3 =	vor.u32 v3, v4  }
0x4c: {  	v4 =	vperm.xlane v3, v0;
	_ =	sdelay $0x1  }
0x4d: {  	v4 =	vadd.s32 v1, v4;
	_ =	sdelay $0x4  }
0x4e: {  	[tilespmem:s28], [sflag:$0x2] =	stream.indirect_vreg.gather [hbm4b:s1+s3], $0x80, v4, vm0, $0xb8;
	[tilespmem:$0x18100] =	vst v63  }
0x4f: {  	s17 =	simm.s32 $0x4900;
	v3 =	vperm.xlane v3, v2  }
0x50: {  	[tilespmem:s17], [sflag:$0x2] =	stream.indirect_vreg.gather [hbm4b:s5+s3], $0x80, v4, vm0, $0xb8;
	[tilespmem:$0x18100] =	vst v63  }
0x51: {  	s19 =	simm.s32 $0x5100;
	v3 =	vadd.s32 v1, v3  }
0x52: {  	[tilespmem:s19], [sflag:$0x2] =	stream.indirect_vreg.gather [hbm4b:s6+s3], $0x80, v4, vm0, $0xb8;
	[tilespmem:$0x18100] =	vst v63  }
0x53: {  	s20 =	simm.s32 $0x5900  }
0x54: {  	[tilespmem:s20], [sflag:$0x2] =	stream.indirect_vreg.gather [hbm4b:s7+s3], $0x80, v4, vm0, $0xb8;
	[tilespmem:$0x18100] =	vst v63  }
0x55: {  	s21 =	simm.s32 $0x6100  }
0x56: {  	[tilespmem:s21], [sflag:$0x2] =	stream.indirect_vreg.gather [hbm4b:s1+s3], $0x80, v3, vm0, $0xb8;
	[tilespmem:$0x18100] =	vst v63  }
0x57: {  	s17 =	simm.s32 $0x6900  }
0x58: {  	[tilespmem:s17], [sflag:$0x2] =	stream.indirect_vreg.gather [hbm4b:s5+s3], $0x80, v3, vm0, $0xb8;
	[tilespmem:$0x18100] =	vst v63  }
0x59: {  	s19 =	simm.s32 $0x7100  }
0x5a: {  	[tilespmem:s19], [sflag:$0x2] =	stream.indirect_vreg.gather [hbm4b:s6+s3], $0x80, v3, vm0, $0xb8;
	[tilespmem:$0x18100] =	vst v63  }
0x5b: {  	s20 =	simm.s32 $0x7900  }
0x5c: {  	[tilespmem:s20], [sflag:$0x2] =	stream.indirect_vreg.gather [hbm4b:s7+s3], $0x80, v3, vm0, $0xb8;
	[tilespmem:$0x18100] =	vst v63  }
0x5d: {  	s21 =	rddreg [dreg:$0x8];
	s17 =	simm.s32 $0x10100  }
0x5e: {  	[tilespmem:s17], [sflag:$0x5] =	stream.linear.gather [hbm4b:s21+s3], $0x4000, $0x38;
	[tilespmem:$0x18100] =	vst v63  }
0x5f: {  	_ =	swait.ge [sflag:s12], $0x4000  }
0x60: {  	[sflag:s12] =	ssyncset.done $0x0  }
0x61: {  	s17 =	simm.s32 $0x0;
	[sflag:s12] =	ssyncadd.s32 $0xFFFFC000  }
0x62: {  	s19 =	sand.u32 $0x1C00, s3;
	s9 =	sand.u32 $0x2040, s17;
	_ =	swait.ge [sflag:s13], $0x4000  }
0x63: {  	s29 =	sand.u32 $0x380, s3;
	s9 =	sor.u32 s19, s9;
	[sflag:s13] =	ssyncset.done $0x0  }
0x64: {  	s9 =	sor.u32 s29, s9;
	[sflag:s13] =	ssyncadd.s32 $0xFFFFC000  }
0x65: {  	v3 =	vld [tilespmem:s9+$0x130]  }
0x66: {  	v4 =	vld [tilespmem:s9+$0xC130]  }
0x67: {  	v6 =	vld [tilespmem:s9+$0x100]  }
0x68: {  	v8 =	vld [tilespmem:s9+$0xC100]  }
0x69: {  	s30 =	simm.s32 $0x200;
	s29 =	simm.s32 $0x40;
	v9 =	vld [tilespmem:s9+$0x110]  }
0x6a: {  	s31 =	simm.s32 $0x8;
	s20 =	sand.u32 $0x1C00, s30;
	s19 =	sand.u32 $0x2040, s29;
	v10 =	vld [tilespmem:s9+$0xC110]  }
0x6b: {  	s21 =	sand.u32 $0x380, s31;
	s17 =	sor.u32 s20, s19;
	v5 =	vld [tilespmem:s9+$0x120]  }
0x6c: {  	s17 =	sor.u32 s21, s17;
	v7 =	vld [tilespmem:s9+$0xC120]  }
0x6d: {  	v4 =	vadd.f32 v4, v3;
	v3 =	vld [tilespmem:s17+$0x130]  }
0x6e: {  	v8 =	vadd.f32 v8, v6;
	v6 =	vld [tilespmem:s17+$0xC130]  }
0x6f: {  	v9 =	vadd.f32 v10, v9;
	[tilespmem:s9+$0x130] =	vst v4;
	v4 =	vld [tilespmem:s17+$0x100]  }
0x70: {  	[tilespmem:s9+$0x100] =	vst v8;
	v8 =	vld [tilespmem:s17+$0xC100]  }
.LBB2_2:
0x71: {  	s29 =	sadd.s32 $0x40, s29;
	v10 =	vld [tilespmem:s17+$0x110];
	s30 =	sadd.s32 $0x200, s30;
	[tilespmem:s9+$0x110] =	vst v9;
	v7 =	vadd.f32 v7, v5  }
0x72: {  	s31 =	sadd.s32 $0x8, s31;
	s19 =	sand.u32 $0x1C00, s30;
	s20 =	sand.u32 $0x2040, s29;
	v9 =	vld [tilespmem:s17+$0xC110]  }
0x73: {  	s21 =	sand.u32 $0x380, s31;
	p0 =	slt.u32 s29, $0x3FC0;
	s19 =	sor.u32 s19, s20;
	v5 =	vld [tilespmem:s17+$0x120];
	v6 =	vadd.f32 v6, v3;
	[tilespmem:s9+$0x120] =	vst v7  }
.Ltmp0:
0x74: {  	s9 =	smov.u32 s17;
	v7 =	vld [tilespmem:s17+$0xC120];
	s17 =	sor.u32 s21, s19;
	(pc) =	sbr.rel @p0 .LBB2_2-.Ltmp0, $4  }
0x75: {  	v3 =	vld [tilespmem:s17+$0x130];
	v8 =	vadd.f32 v8, v4;
	[tilespmem:s9+$0x130] =	vst v6  }
0x76: {  	v6 =	vld [tilespmem:s17+$0xC130]  }
0x77: {  	v4 =	vld [tilespmem:s17+$0x100];
	[tilespmem:s9+$0x100] =	vst v8;
	v9 =	vadd.f32 v9, v10  }
0x78: {  	v8 =	vld [tilespmem:s17+$0xC100]  }
0x79: {  	v10 =	vld [tilespmem:s17+$0x110]  }
0x7a: {  	v11 =	vld [tilespmem:s17+$0xC110]  }
0x7b: {  	v12 =	vld [tilespmem:s17+$0x120]  }
0x7c: {  	v13 =	vld [tilespmem:s17+$0xC120]  }
0x7d: {  	v5 =	vadd.f32 v7, v5  }
0x7e: {  	[tilespmem:s9+$0x110] =	vst v9;
	v3 =	vadd.f32 v6, v3  }
0x7f: {  	[tilespmem:s9+$0x120] =	vst v5;
	v4 =	vadd.f32 v8, v4  }
0x80: {  	[tilespmem:s17+$0x130] =	vst v3;
	v3 =	vadd.f32 v11, v10  }
0x81: {  	[tilespmem:s17+$0x100] =	vst v4;
	v4 =	vadd.f32 v13, v12  }
0x82: {  	[tilespmem:s17+$0x110] =	vst v3  }
0x83: {  	[tilespmem:s17+$0x120] =	vst v4  }
0x84: {  	s9 =	simm.s32 $0x0;
	s17 =	rddreg [dreg:$0x7]  }
0x85: {  	[hbm4b:s17+s9] =	stream.linear.scatter [tilespmem:s18], [sflag:$0x7], $0x4000, $0x38;
	[tilespmem:$0x18100] =	vst v63  }
0x86: {  	v3 =	vld [tilespmem:$0x20];
	_ =	sdelay $0x4  }
0x87: {  	v4 =	vshll.u32 v3, $0x3  }
0x88: {  	v3 =	vand.u32 $0x7, v3;
	v4 =	vand.u32 $0xFFFFFFC0, v4  }
0x89: {  	v3 =	vor.u32 v3, v4  }
0x8a: {  	v4 =	vperm.xlane v3, v0;
	_ =	sdelay $0x1  }
0x8b: {  	v4 =	vadd.s32 v1, v4;
	_ =	sdelay $0x4  }
0x8c: {  	[tilespmem:s14], [sflag:$0x3] =	stream.indirect_vreg.gather [hbm4b:s1+s9], $0x80, v4, vm0, $0xb8;
	[tilespmem:$0x18100] =	vst v63  }
0x8d: {  	s20 =	simm.s32 $0x8900;
	v3 =	vperm.xlane v3, v2  }
0x8e: {  	[tilespmem:s20], [sflag:$0x3] =	stream.indirect_vreg.gather [hbm4b:s5+s9], $0x80, v4, vm0, $0xb8;
	[tilespmem:$0x18100] =	vst v63  }
0x8f: {  	s21 =	simm.s32 $0x9100;
	v3 =	vadd.s32 v1, v3  }
0x90: {  	[tilespmem:s21], [sflag:$0x3] =	stream.indirect_vreg.gather [hbm4b:s6+s9], $0x80, v4, vm0, $0xb8;
	[tilespmem:$0x18100] =	vst v63  }
0x91: {  	s19 =	simm.s32 $0x9900  }
0x92: {  	[tilespmem:s19], [sflag:$0x3] =	stream.indirect_vreg.gather [hbm4b:s7+s9], $0x80, v4, vm0, $0xb8;
	[tilespmem:$0x18100] =	vst v63  }
0x93: {  	s20 =	simm.s32 $0xA100  }
0x94: {  	[tilespmem:s20], [sflag:$0x3] =	stream.indirect_vreg.gather [hbm4b:s1+s9], $0x80, v3, vm0, $0xb8;
	[tilespmem:$0x18100] =	vst v63  }
0x95: {  	s21 =	simm.s32 $0xA900  }
0x96: {  	[tilespmem:s21], [sflag:$0x3] =	stream.indirect_vreg.gather [hbm4b:s5+s9], $0x80, v3, vm0, $0xb8;
	[tilespmem:$0x18100] =	vst v63  }
0x97: {  	s19 =	simm.s32 $0xB100  }
0x98: {  	[tilespmem:s19], [sflag:$0x3] =	stream.indirect_vreg.gather [hbm4b:s6+s9], $0x80, v3, vm0, $0xb8;
	[tilespmem:$0x18100] =	vst v63  }
0x99: {  	s20 =	simm.s32 $0xB900  }
0x9a: {  	[tilespmem:s20], [sflag:$0x3] =	stream.indirect_vreg.gather [hbm4b:s7+s9], $0x80, v3, vm0, $0xb8;
	[tilespmem:$0x18100] =	vst v63  }
0x9b: {  	s21 =	rddreg [dreg:$0x9];
	s19 =	simm.s32 $0x14100  }
0x9c: {  	[tilespmem:s19], [sflag:$0x6] =	stream.linear.gather [hbm4b:s21+s9], $0x4000, $0x38;
	[tilespmem:$0x18100] =	vst v63  }
0x9d: {  	_ =	swait.ge [sflag:s2], $0x4000  }
0x9e: {  	[sflag:s2] =	ssyncset.done $0x0  }
0x9f: {  	s20 =	simm.s32 $0x0;
	[sflag:s2] =	ssyncadd.s32 $0xFFFFC000  }
0xa0: {  	s17 =	sand.u32 $0x2040, s20;
	s21 =	sand.u32 $0x1C00, s9;
	_ =	swait.ge [sflag:s0], $0x4000  }
0xa1: {  	s9 =	sand.u32 $0x380, s9;
	s17 =	sor.u32 s21, s17;
	[sflag:s0] =	ssyncset.done $0x0  }
0xa2: {  	s9 =	sor.u32 s9, s17;
	[sflag:s0] =	ssyncadd.s32 $0xFFFFC000  }
0xa3: {  	v3 =	vld [tilespmem:s9+$0x4130]  }
0xa4: {  	v4 =	vld [tilespmem:s9+$0x10130]  }
0xa5: {  	v6 =	vld [tilespmem:s9+$0x4100]  }
0xa6: {  	v8 =	vld [tilespmem:s9+$0x10100]  }
0xa7: {  	s29 =	simm.s32 $0x40;
	s30 =	simm.s32 $0x200;
	v9 =	vld [tilespmem:s9+$0x4110]  }
0xa8: {  	s31 =	simm.s32 $0x8;
	s19 =	sand.u32 $0x1C00, s30;
	s21 =	sand.u32 $0x2040, s29;
	v10 =	vld [tilespmem:s9+$0x10110]  }
0xa9: {  	s20 =	sand.u32 $0x380, s31;
	s17 =	sor.u32 s19, s21;
	v5 =	vld [tilespmem:s9+$0x4120]  }
0xaa: {  	s17 =	sor.u32 s20, s17;
	v7 =	vld [tilespmem:s9+$0x10120]  }
0xab: {  	v4 =	vadd.f32 v4, v3;
	v3 =	vld [tilespmem:s17+$0x4130]  }
0xac: {  	v8 =	vadd.f32 v8, v6;
	v6 =	vld [tilespmem:s17+$0x10130]  }
0xad: {  	v9 =	vadd.f32 v10, v9;
	[tilespmem:s9+$0x4130] =	vst v4;
	v4 =	vld [tilespmem:s17+$0x4100]  }
0xae: {  	[tilespmem:s9+$0x4100] =	vst v8;
	v8 =	vld [tilespmem:s17+$0x10100]  }
.LBB2_4:
0xaf: {  	s29 =	sadd.s32 $0x40, s29;
	v10 =	vld [tilespmem:s17+$0x4110];
	s30 =	sadd.s32 $0x200, s30;
	[tilespmem:s9+$0x4110] =	vst v9;
	v7 =	vadd.f32 v7, v5  }
0xb0: {  	s31 =	sadd.s32 $0x8, s31;
	s19 =	sand.u32 $0x1C00, s30;
	s20 =	sand.u32 $0x2040, s29;
	v9 =	vld [tilespmem:s17+$0x10110]  }
0xb1: {  	s21 =	sand.u32 $0x380, s31;
	p0 =	slt.u32 s29, $0x3FC0;
	s19 =	sor.u32 s19, s20;
	v5 =	vld [tilespmem:s17+$0x4120];
	v6 =	vadd.f32 v6, v3;
	[tilespmem:s9+$0x4120] =	vst v7  }
.Ltmp1:
0xb2: {  	s9 =	smov.u32 s17;
	v7 =	vld [tilespmem:s17+$0x10120];
	s17 =	sor.u32 s21, s19;
	(pc) =	sbr.rel @p0 .LBB2_4-.Ltmp1, $4  }
0xb3: {  	v3 =	vld [tilespmem:s17+$0x4130];
	v8 =	vadd.f32 v8, v4;
	[tilespmem:s9+$0x4130] =	vst v6  }
0xb4: {  	v6 =	vld [tilespmem:s17+$0x10130]  }
0xb5: {  	v4 =	vld [tilespmem:s17+$0x4100];
	[tilespmem:s9+$0x4100] =	vst v8;
	v9 =	vadd.f32 v9, v10  }
0xb6: {  	v8 =	vld [tilespmem:s17+$0x10100]  }
0xb7: {  	v10 =	vld [tilespmem:s17+$0x4110]  }
0xb8: {  	v11 =	vld [tilespmem:s17+$0x10110]  }
0xb9: {  	v12 =	vld [tilespmem:s17+$0x4120]  }
0xba: {  	v13 =	vld [tilespmem:s17+$0x10120]  }
0xbb: {  	v5 =	vadd.f32 v7, v5  }
0xbc: {  	[tilespmem:s9+$0x4110] =	vst v9;
	v3 =	vadd.f32 v6, v3  }
0xbd: {  	[tilespmem:s9+$0x4120] =	vst v5;
	v4 =	vadd.f32 v8, v4  }
0xbe: {  	[tilespmem:s17+$0x4130] =	vst v3;
	v3 =	vadd.f32 v11, v10  }
0xbf: {  	[tilespmem:s17+$0x4100] =	vst v4;
	v4 =	vadd.f32 v13, v12  }
0xc0: {  	[tilespmem:s17+$0x4110] =	vst v3  }
0xc1: {  	[tilespmem:s17+$0x4120] =	vst v4  }
0xc2: {  	s9 =	simm.s32 $0x0;
	s17 =	rddreg [dreg:$0xa]  }
0xc3: {  	[hbm4b:s17+s9] =	stream.linear.scatter [tilespmem:s28], [sflag:$0x8], $0x4000, $0x38;
	[tilespmem:$0x18100] =	vst v63  }
0xc4: {  	_ =	swait.ge [sflag:s4], $0x4000  }
0xc5: {  	[sflag:s4] =	ssyncset.done $0x0  }
0xc6: {  	[sflag:s4] =	ssyncadd.s32 $0xFFFFC000  }
0xc7: {  	v3 =	vld [tilespmem:$0x30];
	_ =	sdelay $0x4  }
0xc8: {  	v4 =	vshll.u32 v3, $0x3  }
0xc9: {  	v3 =	vand.u32 $0x7, v3;
	v4 =	vand.u32 $0xFFFFFFC0, v4  }
0xca: {  	v3 =	vor.u32 v3, v4  }
0xcb: {  	v4 =	vperm.xlane v3, v0;
	_ =	sdelay $0x1  }
0xcc: {  	v4 =	vadd.s32 v1, v4;
	_ =	sdelay $0x4  }
0xcd: {  	[tilespmem:s18], [sflag:$0x1] =	stream.indirect_vreg.gather [hbm4b:s1+s9], $0x80, v4, vm0, $0xb8;
	[tilespmem:$0x18100] =	vst v63  }
0xce: {  	s20 =	simm.s32 $0x900;
	v3 =	vperm.xlane v3, v2  }
0xcf: {  	[tilespmem:s20], [sflag:$0x1] =	stream.indirect_vreg.gather [hbm4b:s5+s9], $0x80, v4, vm0, $0xb8;
	[tilespmem:$0x18100] =	vst v63  }
0xd0: {  	s21 =	simm.s32 $0x1100;
	v3 =	vadd.s32 v1, v3  }
0xd1: {  	[tilespmem:s21], [sflag:$0x1] =	stream.indirect_vreg.gather [hbm4b:s6+s9], $0x80, v4, vm0, $0xb8;
	[tilespmem:$0x18100] =	vst v63  }
0xd2: {  	s19 =	simm.s32 $0x1900  }
0xd3: {  	[tilespmem:s19], [sflag:$0x1] =	stream.indirect_vreg.gather [hbm4b:s7+s9], $0x80, v4, vm0, $0xb8;
	[tilespmem:$0x18100] =	vst v63  }
0xd4: {  	_ = 	snop  }
0xd5: {  	[tilespmem:s22], [sflag:$0x1] =	stream.indirect_vreg.gather [hbm4b:s1+s9], $0x80, v3, vm0, $0xb8;
	[tilespmem:$0x18100] =	vst v63  }
0xd6: {  	_ = 	snop  }
0xd7: {  	[tilespmem:s23], [sflag:$0x1] =	stream.indirect_vreg.gather [hbm4b:s5+s9], $0x80, v3, vm0, $0xb8;
	[tilespmem:$0x18100] =	vst v63  }
0xd8: {  	_ = 	snop  }
0xd9: {  	[tilespmem:s24], [sflag:$0x1] =	stream.indirect_vreg.gather [hbm4b:s6+s9], $0x80, v3, vm0, $0xb8;
	[tilespmem:$0x18100] =	vst v63  }
0xda: {  	_ = 	snop  }
0xdb: {  	[tilespmem:s25], [sflag:$0x1] =	stream.indirect_vreg.gather [hbm4b:s7+s9], $0x80, v3, vm0, $0xb8;
	[tilespmem:$0x18100] =	vst v63  }
0xdc: {  	s20 =	rddreg [dreg:$0xb]  }
0xdd: {  	[tilespmem:s26], [sflag:$0x4] =	stream.linear.gather [hbm4b:s20+s9], $0x4000, $0x38;
	[tilespmem:$0x18100] =	vst v63  }
0xde: {  	_ =	swait.ge [sflag:s10], $0x4000  }
0xdf: {  	[sflag:s10] =	ssyncset.done $0x0  }
0xe0: {  	s21 =	simm.s32 $0x0;
	[sflag:s10] =	ssyncadd.s32 $0xFFFFC000  }
0xe1: {  	s17 =	sand.u32 $0x2040, s21;
	s19 =	sand.u32 $0x1C00, s9;
	_ =	swait.ge [sflag:s11], $0x4000  }
0xe2: {  	s17 =	sor.u32 s19, s17;
	s9 =	sand.u32 $0x380, s9;
	[sflag:s11] =	ssyncset.done $0x0  }
0xe3: {  	s9 =	sor.u32 s9, s17;
	[sflag:s11] =	ssyncadd.s32 $0xFFFFC000  }
0xe4: {  	v3 =	vld [tilespmem:s9+$0x8130]  }
0xe5: {  	v4 =	vld [tilespmem:s9+$0x14130]  }
0xe6: {  	v6 =	vld [tilespmem:s9+$0x8100]  }
0xe7: {  	v8 =	vld [tilespmem:s9+$0x14100]  }
0xe8: {  	s29 =	simm.s32 $0x40;
	s30 =	simm.s32 $0x200;
	v9 =	vld [tilespmem:s9+$0x8110]  }
0xe9: {  	s31 =	simm.s32 $0x8;
	s21 =	sand.u32 $0x2040, s29;
	s19 =	sand.u32 $0x1C00, s30;
	v10 =	vld [tilespmem:s9+$0x14110]  }
0xea: {  	s20 =	sand.u32 $0x380, s31;
	s17 =	sor.u32 s19, s21;
	v5 =	vld [tilespmem:s9+$0x8120]  }
0xeb: {  	s17 =	sor.u32 s20, s17;
	v7 =	vld [tilespmem:s9+$0x14120]  }
0xec: {  	v4 =	vadd.f32 v4, v3;
	v3 =	vld [tilespmem:s17+$0x8130]  }
0xed: {  	v8 =	vadd.f32 v8, v6;
	v6 =	vld [tilespmem:s17+$0x14130]  }
0xee: {  	v9 =	vadd.f32 v10, v9;
	[tilespmem:s9+$0x8130] =	vst v4;
	v4 =	vld [tilespmem:s17+$0x8100]  }
0xef: {  	[tilespmem:s9+$0x8100] =	vst v8;
	v8 =	vld [tilespmem:s17+$0x14100]  }
.LBB2_6:
0xf0: {  	s29 =	sadd.s32 $0x40, s29;
	v10 =	vld [tilespmem:s17+$0x8110];
	s30 =	sadd.s32 $0x200, s30;
	[tilespmem:s9+$0x8110] =	vst v9;
	v7 =	vadd.f32 v7, v5  }
0xf1: {  	s31 =	sadd.s32 $0x8, s31;
	s19 =	sand.u32 $0x1C00, s30;
	s20 =	sand.u32 $0x2040, s29;
	v9 =	vld [tilespmem:s17+$0x14110]  }
0xf2: {  	s21 =	sand.u32 $0x380, s31;
	p0 =	slt.u32 s29, $0x3FC0;
	s19 =	sor.u32 s19, s20;
	v5 =	vld [tilespmem:s17+$0x8120];
	v6 =	vadd.f32 v6, v3;
	[tilespmem:s9+$0x8120] =	vst v7  }
.Ltmp2:
0xf3: {  	s9 =	smov.u32 s17;
	v7 =	vld [tilespmem:s17+$0x14120];
	s17 =	sor.u32 s21, s19;
	(pc) =	sbr.rel @p0 .LBB2_6-.Ltmp2, $4  }
0xf4: {  	v3 =	vld [tilespmem:s17+$0x8130];
	v8 =	vadd.f32 v8, v4;
	[tilespmem:s9+$0x8130] =	vst v6  }
0xf5: {  	v6 =	vld [tilespmem:s17+$0x14130]  }
0xf6: {  	v4 =	vld [tilespmem:s17+$0x8100];
	[tilespmem:s9+$0x8100] =	vst v8;
	v9 =	vadd.f32 v9, v10  }
0xf7: {  	v8 =	vld [tilespmem:s17+$0x14100]  }
0xf8: {  	v10 =	vld [tilespmem:s17+$0x8110]  }
0xf9: {  	v11 =	vld [tilespmem:s17+$0x14110]  }
0xfa: {  	v12 =	vld [tilespmem:s17+$0x8120]  }
0xfb: {  	v13 =	vld [tilespmem:s17+$0x14120]  }
0xfc: {  	v5 =	vadd.f32 v7, v5  }
0xfd: {  	[tilespmem:s9+$0x8110] =	vst v9;
	v3 =	vadd.f32 v6, v3  }
0xfe: {  	[tilespmem:s9+$0x8120] =	vst v5;
	v4 =	vadd.f32 v8, v4  }
0xff: {  	[tilespmem:s17+$0x8130] =	vst v3;
	v3 =	vadd.f32 v11, v10  }
0x100: {  	[tilespmem:s17+$0x8100] =	vst v4;
	v4 =	vadd.f32 v13, v12  }
0x101: {  	[tilespmem:s17+$0x8110] =	vst v3  }
0x102: {  	[tilespmem:s17+$0x8120] =	vst v4  }
0x103: {  	s9 =	simm.s32 $0x0;
	s17 =	rddreg [dreg:$0xc]  }
0x104: {  	[hbm4b:s17+s9] =	stream.linear.scatter [tilespmem:s14], [sflag:$0x9], $0x4000, $0x38;
	[tilespmem:$0x18100] =	vst v63  }
0x105: {  	_ =	swait.ge [sflag:s15], $0x4000  }
0x106: {  	[sflag:s15] =	ssyncset.done $0x0  }
0x107: {  	[sflag:s15] =	ssyncadd.s32 $0xFFFFC000  }
0x108: {  	v3 =	vld [tilespmem:$0x40];
	_ =	sdelay $0x4  }
0x109: {  	v4 =	vshll.u32 v3, $0x3  }
0x10a: {  	v3 =	vand.u32 $0x7, v3;
	v4 =	vand.u32 $0xFFFFFFC0, v4  }
0x10b: {  	v3 =	vor.u32 v3, v4  }
0x10c: {  	v4 =	vperm.xlane v3, v0;
	_ =	sdelay $0x1  }
0x10d: {  	v4 =	vadd.s32 v1, v4;
	_ =	sdelay $0x4  }
0x10e: {  	[tilespmem:s28], [sflag:$0x2] =	stream.indirect_vreg.gather [hbm4b:s1+s9], $0x80, v4, vm0, $0xb8;
	[tilespmem:$0x18100] =	vst v63  }
0x10f: {  	s20 =	simm.s32 $0x4900;
	v3 =	vperm.xlane v3, v2  }
0x110: {  	[tilespmem:s20], [sflag:$0x2] =	stream.indirect_vreg.gather [hbm4b:s5+s9], $0x80, v4, vm0, $0xb8;
	[tilespmem:$0x18100] =	vst v63  }
0x111: {  	s21 =	simm.s32 $0x5100;
	v3 =	vadd.s32 v1, v3  }
0x112: {  	[tilespmem:s21], [sflag:$0x2] =	stream.indirect_vreg.gather [hbm4b:s6+s9], $0x80, v4, vm0, $0xb8;
	[tilespmem:$0x18100] =	vst v63  }
0x113: {  	s19 =	simm.s32 $0x5900  }
0x114: {  	[tilespmem:s19], [sflag:$0x2] =	stream.indirect_vreg.gather [hbm4b:s7+s9], $0x80, v4, vm0, $0xb8;
	[tilespmem:$0x18100] =	vst v63  }
0x115: {  	s20 =	simm.s32 $0x6100  }
0x116: {  	[tilespmem:s20], [sflag:$0x2] =	stream.indirect_vreg.gather [hbm4b:s1+s9], $0x80, v3, vm0, $0xb8;
	[tilespmem:$0x18100] =	vst v63  }
0x117: {  	s21 =	simm.s32 $0x6900  }
0x118: {  	[tilespmem:s21], [sflag:$0x2] =	stream.indirect_vreg.gather [hbm4b:s5+s9], $0x80, v3, vm0, $0xb8;
	[tilespmem:$0x18100] =	vst v63  }
0x119: {  	s19 =	simm.s32 $0x7100  }
0x11a: {  	[tilespmem:s19], [sflag:$0x2] =	stream.indirect_vreg.gather [hbm4b:s6+s9], $0x80, v3, vm0, $0xb8;
	[tilespmem:$0x18100] =	vst v63  }
0x11b: {  	s20 =	simm.s32 $0x7900  }
0x11c: {  	[tilespmem:s20], [sflag:$0x2] =	stream.indirect_vreg.gather [hbm4b:s7+s9], $0x80, v3, vm0, $0xb8;
	[tilespmem:$0x18100] =	vst v63  }
0x11d: {  	s21 =	rddreg [dreg:$0xd];
	s19 =	simm.s32 $0x10100  }
0x11e: {  	[tilespmem:s19], [sflag:$0x5] =	stream.linear.gather [hbm4b:s21+s9], $0x4000, $0x38;
	[tilespmem:$0x18100] =	vst v63  }
0x11f: {  	_ =	swait.ge [sflag:s12], $0x4000  }
0x120: {  	[sflag:s12] =	ssyncset.done $0x0  }
0x121: {  	s20 =	simm.s32 $0x0;
	[sflag:s12] =	ssyncadd.s32 $0xFFFFC000  }
0x122: {  	s17 =	sand.u32 $0x2040, s20;
	s21 =	sand.u32 $0x1C00, s9;
	_ =	swait.ge [sflag:s13], $0x4000  }
0x123: {  	s9 =	sand.u32 $0x380, s9;
	s17 =	sor.u32 s21, s17;
	[sflag:s13] =	ssyncset.done $0x0  }
0x124: {  	s9 =	sor.u32 s9, s17;
	[sflag:s13] =	ssyncadd.s32 $0xFFFFC000  }
0x125: {  	v3 =	vld [tilespmem:s9+$0x130]  }
0x126: {  	v4 =	vld [tilespmem:s9+$0xC130]  }
0x127: {  	v6 =	vld [tilespmem:s9+$0x100]  }
0x128: {  	v8 =	vld [tilespmem:s9+$0xC100]  }
0x129: {  	s29 =	simm.s32 $0x40;
	s30 =	simm.s32 $0x200;
	v9 =	vld [tilespmem:s9+$0x110]  }
0x12a: {  	s31 =	simm.s32 $0x8;
	s19 =	sand.u32 $0x1C00, s30;
	s21 =	sand.u32 $0x2040, s29;
	v10 =	vld [tilespmem:s9+$0xC110]  }
0x12b: {  	s20 =	sand.u32 $0x380, s31;
	s17 =	sor.u32 s19, s21;
	v5 =	vld [tilespmem:s9+$0x120]  }
0x12c: {  	s17 =	sor.u32 s20, s17;
	v7 =	vld [tilespmem:s9+$0xC120]  }
0x12d: {  	v4 =	vadd.f32 v4, v3;
	v3 =	vld [tilespmem:s17+$0x130]  }
0x12e: {  	v8 =	vadd.f32 v8, v6;
	v6 =	vld [tilespmem:s17+$0xC130]  }
0x12f: {  	v9 =	vadd.f32 v10, v9;
	[tilespmem:s9+$0x130] =	vst v4;
	v4 =	vld [tilespmem:s17+$0x100]  }
0x130: {  	[tilespmem:s9+$0x100] =	vst v8;
	v8 =	vld [tilespmem:s17+$0xC100]  }
.LBB2_8:
0x131: {  	s29 =	sadd.s32 $0x40, s29;
	v10 =	vld [tilespmem:s17+$0x110];
	s30 =	sadd.s32 $0x200, s30;
	[tilespmem:s9+$0x110] =	vst v9;
	v7 =	vadd.f32 v7, v5  }
0x132: {  	s31 =	sadd.s32 $0x8, s31;
	s19 =	sand.u32 $0x1C00, s30;
	s20 =	sand.u32 $0x2040, s29;
	v9 =	vld [tilespmem:s17+$0xC110]  }
0x133: {  	s21 =	sand.u32 $0x380, s31;
	p0 =	slt.u32 s29, $0x3FC0;
	s19 =	sor.u32 s19, s20;
	v5 =	vld [tilespmem:s17+$0x120];
	v6 =	vadd.f32 v6, v3;
	[tilespmem:s9+$0x120] =	vst v7  }
.Ltmp3:
0x134: {  	s9 =	smov.u32 s17;
	v7 =	vld [tilespmem:s17+$0xC120];
	s17 =	sor.u32 s21, s19;
	(pc) =	sbr.rel @p0 .LBB2_8-.Ltmp3, $4  }
0x135: {  	v3 =	vld [tilespmem:s17+$0x130];
	v8 =	vadd.f32 v8, v4;
	[tilespmem:s9+$0x130] =	vst v6  }
0x136: {  	v6 =	vld [tilespmem:s17+$0xC130]  }
0x137: {  	v4 =	vld [tilespmem:s17+$0x100];
	[tilespmem:s9+$0x100] =	vst v8;
	v9 =	vadd.f32 v9, v10  }
0x138: {  	v8 =	vld [tilespmem:s17+$0xC100]  }
0x139: {  	v10 =	vld [tilespmem:s17+$0x110]  }
0x13a: {  	v11 =	vld [tilespmem:s17+$0xC110]  }
0x13b: {  	v12 =	vld [tilespmem:s17+$0x120]  }
0x13c: {  	v13 =	vld [tilespmem:s17+$0xC120]  }
0x13d: {  	v5 =	vadd.f32 v7, v5  }
0x13e: {  	[tilespmem:s9+$0x110] =	vst v9;
	v3 =	vadd.f32 v6, v3  }
0x13f: {  	[tilespmem:s9+$0x120] =	vst v5;
	v4 =	vadd.f32 v8, v4  }
0x140: {  	[tilespmem:s17+$0x130] =	vst v3;
	v3 =	vadd.f32 v11, v10  }
0x141: {  	[tilespmem:s17+$0x100] =	vst v4;
	v4 =	vadd.f32 v13, v12  }
0x142: {  	[tilespmem:s17+$0x110] =	vst v3  }
0x143: {  	[tilespmem:s17+$0x120] =	vst v4  }
0x144: {  	s9 =	simm.s32 $0x0;
	s17 =	rddreg [dreg:$0xe]  }
0x145: {  	[hbm4b:s17+s9] =	stream.linear.scatter [tilespmem:s18], [sflag:$0x7], $0x4000, $0x38;
	[tilespmem:$0x18100] =	vst v63  }
0x146: {  	_ =	swait.ge [sflag:s16], $0x4000  }
0x147: {  	[sflag:s16] =	ssyncset.done $0x0  }
0x148: {  	[sflag:s16] =	ssyncadd.s32 $0xFFFFC000  }
0x149: {  	v3 =	vld [tilespmem:$0x50];
	_ =	sdelay $0x4  }
0x14a: {  	v4 =	vshll.u32 v3, $0x3  }
0x14b: {  	v3 =	vand.u32 $0x7, v3;
	v4 =	vand.u32 $0xFFFFFFC0, v4  }
0x14c: {  	v3 =	vor.u32 v3, v4  }
0x14d: {  	v4 =	vperm.xlane v3, v0;
	_ =	sdelay $0x1  }
0x14e: {  	v4 =	vadd.s32 v1, v4;
	_ =	sdelay $0x4  }
0x14f: {  	[tilespmem:s14], [sflag:$0x3] =	stream.indirect_vreg.gather [hbm4b:s1+s9], $0x80, v4, vm0, $0xb8;
	[tilespmem:$0x18100] =	vst v63  }
0x150: {  	s20 =	simm.s32 $0x8900;
	v3 =	vperm.xlane v3, v2  }
0x151: {  	[tilespmem:s20], [sflag:$0x3] =	stream.indirect_vreg.gather [hbm4b:s5+s9], $0x80, v4, vm0, $0xb8;
	[tilespmem:$0x18100] =	vst v63  }
0x152: {  	s21 =	simm.s32 $0x9100;
	v3 =	vadd.s32 v1, v3  }
0x153: {  	[tilespmem:s21], [sflag:$0x3] =	stream.indirect_vreg.gather [hbm4b:s6+s9], $0x80, v4, vm0, $0xb8;
	[tilespmem:$0x18100] =	vst v63  }
0x154: {  	s19 =	simm.s32 $0x9900  }
0x155: {  	[tilespmem:s19], [sflag:$0x3] =	stream.indirect_vreg.gather [hbm4b:s7+s9], $0x80, v4, vm0, $0xb8;
	[tilespmem:$0x18100] =	vst v63  }
0x156: {  	s20 =	simm.s32 $0xA100  }
0x157: {  	[tilespmem:s20], [sflag:$0x3] =	stream.indirect_vreg.gather [hbm4b:s1+s9], $0x80, v3, vm0, $0xb8;
	[tilespmem:$0x18100] =	vst v63  }
0x158: {  	s21 =	simm.s32 $0xA900  }
0x159: {  	[tilespmem:s21], [sflag:$0x3] =	stream.indirect_vreg.gather [hbm4b:s5+s9], $0x80, v3, vm0, $0xb8;
	[tilespmem:$0x18100] =	vst v63  }
0x15a: {  	s19 =	simm.s32 $0xB100  }
0x15b: {  	[tilespmem:s19], [sflag:$0x3] =	stream.indirect_vreg.gather [hbm4b:s6+s9], $0x80, v3, vm0, $0xb8;
	[tilespmem:$0x18100] =	vst v63  }
0x15c: {  	s20 =	simm.s32 $0xB900  }
0x15d: {  	[tilespmem:s20], [sflag:$0x3] =	stream.indirect_vreg.gather [hbm4b:s7+s9], $0x80, v3, vm0, $0xb8;
	[tilespmem:$0x18100] =	vst v63  }
0x15e: {  	s21 =	rddreg [dreg:$0xf];
	s19 =	simm.s32 $0x14100  }
0x15f: {  	[tilespmem:s19], [sflag:$0x6] =	stream.linear.gather [hbm4b:s21+s9], $0x4000, $0x38;
	[tilespmem:$0x18100] =	vst v63  }
0x160: {  	_ =	swait.ge [sflag:s2], $0x4000  }
0x161: {  	[sflag:s2] =	ssyncset.done $0x0  }
0x162: {  	s20 =	simm.s32 $0x0;
	[sflag:s2] =	ssyncadd.s32 $0xFFFFC000  }
0x163: {  	s17 =	sand.u32 $0x2040, s20;
	s21 =	sand.u32 $0x1C00, s9;
	_ =	swait.ge [sflag:s0], $0x4000  }
0x164: {  	s9 =	sand.u32 $0x380, s9;
	s17 =	sor.u32 s21, s17;
	[sflag:s0] =	ssyncset.done $0x0  }
0x165: {  	s9 =	sor.u32 s9, s17;
	[sflag:s0] =	ssyncadd.s32 $0xFFFFC000  }
0x166: {  	v3 =	vld [tilespmem:s9+$0x4130]  }
0x167: {  	v4 =	vld [tilespmem:s9+$0x10130]  }
0x168: {  	v6 =	vld [tilespmem:s9+$0x4100]  }
0x169: {  	v8 =	vld [tilespmem:s9+$0x10100]  }
0x16a: {  	s29 =	simm.s32 $0x40;
	s30 =	simm.s32 $0x200;
	v9 =	vld [tilespmem:s9+$0x4110]  }
0x16b: {  	s31 =	simm.s32 $0x8;
	s19 =	sand.u32 $0x1C00, s30;
	s21 =	sand.u32 $0x2040, s29;
	v10 =	vld [tilespmem:s9+$0x10110]  }
0x16c: {  	s20 =	sand.u32 $0x380, s31;
	s17 =	sor.u32 s19, s21;
	v5 =	vld [tilespmem:s9+$0x4120]  }
0x16d: {  	s17 =	sor.u32 s20, s17;
	v7 =	vld [tilespmem:s9+$0x10120]  }
0x16e: {  	v4 =	vadd.f32 v4, v3;
	v3 =	vld [tilespmem:s17+$0x4130]  }
0x16f: {  	v8 =	vadd.f32 v8, v6;
	v6 =	vld [tilespmem:s17+$0x10130]  }
0x170: {  	v9 =	vadd.f32 v10, v9;
	[tilespmem:s9+$0x4130] =	vst v4;
	v4 =	vld [tilespmem:s17+$0x4100]  }
0x171: {  	[tilespmem:s9+$0x4100] =	vst v8;
	v8 =	vld [tilespmem:s17+$0x10100]  }
.LBB2_10:
0x172: {  	s29 =	sadd.s32 $0x40, s29;
	v10 =	vld [tilespmem:s17+$0x4110];
	s30 =	sadd.s32 $0x200, s30;
	[tilespmem:s9+$0x4110] =	vst v9;
	v7 =	vadd.f32 v7, v5  }
0x173: {  	s31 =	sadd.s32 $0x8, s31;
	s19 =	sand.u32 $0x1C00, s30;
	s20 =	sand.u32 $0x2040, s29;
	v9 =	vld [tilespmem:s17+$0x10110]  }
0x174: {  	s21 =	sand.u32 $0x380, s31;
	p0 =	slt.u32 s29, $0x3FC0;
	s19 =	sor.u32 s19, s20;
	v5 =	vld [tilespmem:s17+$0x4120];
	v6 =	vadd.f32 v6, v3;
	[tilespmem:s9+$0x4120] =	vst v7  }
.Ltmp4:
0x175: {  	s9 =	smov.u32 s17;
	v7 =	vld [tilespmem:s17+$0x10120];
	s17 =	sor.u32 s21, s19;
	(pc) =	sbr.rel @p0 .LBB2_10-.Ltmp4, $4  }
0x176: {  	v3 =	vld [tilespmem:s17+$0x4130];
	v8 =	vadd.f32 v8, v4;
	[tilespmem:s9+$0x4130] =	vst v6  }
0x177: {  	v6 =	vld [tilespmem:s17+$0x10130]  }
0x178: {  	v4 =	vld [tilespmem:s17+$0x4100];
	[tilespmem:s9+$0x4100] =	vst v8;
	v9 =	vadd.f32 v9, v10  }
0x179: {  	v8 =	vld [tilespmem:s17+$0x10100]  }
0x17a: {  	v10 =	vld [tilespmem:s17+$0x4110]  }
0x17b: {  	v11 =	vld [tilespmem:s17+$0x10110]  }
0x17c: {  	v12 =	vld [tilespmem:s17+$0x4120]  }
0x17d: {  	v13 =	vld [tilespmem:s17+$0x10120]  }
0x17e: {  	v5 =	vadd.f32 v7, v5  }
0x17f: {  	[tilespmem:s9+$0x4110] =	vst v9;
	v3 =	vadd.f32 v6, v3  }
0x180: {  	[tilespmem:s9+$0x4120] =	vst v5;
	v4 =	vadd.f32 v8, v4  }
0x181: {  	[tilespmem:s17+$0x4130] =	vst v3;
	v3 =	vadd.f32 v11, v10  }
0x182: {  	[tilespmem:s17+$0x4100] =	vst v4;
	v4 =	vadd.f32 v13, v12  }
0x183: {  	[tilespmem:s17+$0x4110] =	vst v3  }
0x184: {  	[tilespmem:s17+$0x4120] =	vst v4  }
0x185: {  	s9 =	simm.s32 $0x0;
	s17 =	rddreg [dreg:$0x10]  }
0x186: {  	[hbm4b:s17+s9] =	stream.linear.scatter [tilespmem:s28], [sflag:$0x8], $0x4000, $0x38;
	[tilespmem:$0x18100] =	vst v63  }
0x187: {  	_ =	swait.ge [sflag:s4], $0x4000  }
0x188: {  	[sflag:s4] =	ssyncset.done $0x0  }
0x189: {  	[sflag:s4] =	ssyncadd.s32 $0xFFFFC000  }
0x18a: {  	v3 =	vld [tilespmem:$0x60];
	_ =	sdelay $0x4  }
0x18b: {  	v4 =	vshll.u32 v3, $0x3  }
0x18c: {  	v3 =	vand.u32 $0x7, v3;
	v4 =	vand.u32 $0xFFFFFFC0, v4  }
0x18d: {  	v3 =	vor.u32 v3, v4  }
0x18e: {  	v4 =	vperm.xlane v3, v0;
	_ =	sdelay $0x1  }
0x18f: {  	v4 =	vadd.s32 v1, v4;
	_ =	sdelay $0x4  }
0x190: {  	[tilespmem:s18], [sflag:$0x1] =	stream.indirect_vreg.gather [hbm4b:s1+s9], $0x80, v4, vm0, $0xb8;
	[tilespmem:$0x18100] =	vst v63  }
0x191: {  	s20 =	simm.s32 $0x900;
	v3 =	vperm.xlane v3, v2  }
0x192: {  	[tilespmem:s20], [sflag:$0x1] =	stream.indirect_vreg.gather [hbm4b:s5+s9], $0x80, v4, vm0, $0xb8;
	[tilespmem:$0x18100] =	vst v63  }
0x193: {  	s21 =	simm.s32 $0x1100;
	v3 =	vadd.s32 v1, v3  }
0x194: {  	[tilespmem:s21], [sflag:$0x1] =	stream.indirect_vreg.gather [hbm4b:s6+s9], $0x80, v4, vm0, $0xb8;
	[tilespmem:$0x18100] =	vst v63  }
0x195: {  	s19 =	simm.s32 $0x1900  }
0x196: {  	[tilespmem:s19], [sflag:$0x1] =	stream.indirect_vreg.gather [hbm4b:s7+s9], $0x80, v4, vm0, $0xb8;
	[tilespmem:$0x18100] =	vst v63  }
0x197: {  	_ = 	snop  }
0x198: {  	[tilespmem:s22], [sflag:$0x1] =	stream.indirect_vreg.gather [hbm4b:s1+s9], $0x80, v3, vm0, $0xb8;
	[tilespmem:$0x18100] =	vst v63  }
0x199: {  	_ = 	snop  }
0x19a: {  	[tilespmem:s23], [sflag:$0x1] =	stream.indirect_vreg.gather [hbm4b:s5+s9], $0x80, v3, vm0, $0xb8;
	[tilespmem:$0x18100] =	vst v63  }
0x19b: {  	_ = 	snop  }
0x19c: {  	[tilespmem:s24], [sflag:$0x1] =	stream.indirect_vreg.gather [hbm4b:s6+s9], $0x80, v3, vm0, $0xb8;
	[tilespmem:$0x18100] =	vst v63  }
0x19d: {  	_ = 	snop  }
0x19e: {  	[tilespmem:s25], [sflag:$0x1] =	stream.indirect_vreg.gather [hbm4b:s7+s9], $0x80, v3, vm0, $0xb8;
	[tilespmem:$0x18100] =	vst v63  }
0x19f: {  	s20 =	rddreg [dreg:$0x11]  }
0x1a0: {  	[tilespmem:s26], [sflag:$0x4] =	stream.linear.gather [hbm4b:s20+s9], $0x4000, $0x38;
	[tilespmem:$0x18100] =	vst v63  }
0x1a1: {  	_ =	swait.ge [sflag:s10], $0x4000  }
0x1a2: {  	[sflag:s10] =	ssyncset.done $0x0  }
0x1a3: {  	s21 =	simm.s32 $0x0;
	[sflag:s10] =	ssyncadd.s32 $0xFFFFC000  }
0x1a4: {  	s17 =	sand.u32 $0x2040, s21;
	s19 =	sand.u32 $0x1C00, s9;
	_ =	swait.ge [sflag:s11], $0x4000  }
0x1a5: {  	s17 =	sor.u32 s19, s17;
	s9 =	sand.u32 $0x380, s9;
	[sflag:s11] =	ssyncset.done $0x0  }
0x1a6: {  	s9 =	sor.u32 s9, s17;
	[sflag:s11] =	ssyncadd.s32 $0xFFFFC000  }
0x1a7: {  	v3 =	vld [tilespmem:s9+$0x8130]  }
0x1a8: {  	v4 =	vld [tilespmem:s9+$0x14130]  }
0x1a9: {  	v6 =	vld [tilespmem:s9+$0x8100]  }
0x1aa: {  	v8 =	vld [tilespmem:s9+$0x14100]  }
0x1ab: {  	s29 =	simm.s32 $0x40;
	s30 =	simm.s32 $0x200;
	v9 =	vld [tilespmem:s9+$0x8110]  }
0x1ac: {  	s31 =	simm.s32 $0x8;
	s21 =	sand.u32 $0x2040, s29;
	s19 =	sand.u32 $0x1C00, s30;
	v10 =	vld [tilespmem:s9+$0x14110]  }
0x1ad: {  	s20 =	sand.u32 $0x380, s31;
	s17 =	sor.u32 s19, s21;
	v5 =	vld [tilespmem:s9+$0x8120]  }
0x1ae: {  	s17 =	sor.u32 s20, s17;
	v7 =	vld [tilespmem:s9+$0x14120]  }
0x1af: {  	v4 =	vadd.f32 v4, v3;
	v3 =	vld [tilespmem:s17+$0x8130]  }
0x1b0: {  	v8 =	vadd.f32 v8, v6;
	v6 =	vld [tilespmem:s17+$0x14130]  }
0x1b1: {  	v9 =	vadd.f32 v10, v9;
	[tilespmem:s9+$0x8130] =	vst v4;
	v4 =	vld [tilespmem:s17+$0x8100]  }
0x1b2: {  	[tilespmem:s9+$0x8100] =	vst v8;
	v8 =	vld [tilespmem:s17+$0x14100]  }
.LBB2_12:
0x1b3: {  	s29 =	sadd.s32 $0x40, s29;
	v10 =	vld [tilespmem:s17+$0x8110];
	s30 =	sadd.s32 $0x200, s30;
	[tilespmem:s9+$0x8110] =	vst v9;
	v7 =	vadd.f32 v7, v5  }
0x1b4: {  	s31 =	sadd.s32 $0x8, s31;
	s19 =	sand.u32 $0x1C00, s30;
	s20 =	sand.u32 $0x2040, s29;
	v9 =	vld [tilespmem:s17+$0x14110]  }
0x1b5: {  	s21 =	sand.u32 $0x380, s31;
	p0 =	slt.u32 s29, $0x3FC0;
	s19 =	sor.u32 s19, s20;
	v5 =	vld [tilespmem:s17+$0x8120];
	v6 =	vadd.f32 v6, v3;
	[tilespmem:s9+$0x8120] =	vst v7  }
.Ltmp5:
0x1b6: {  	s9 =	smov.u32 s17;
	v7 =	vld [tilespmem:s17+$0x14120];
	s17 =	sor.u32 s21, s19;
	(pc) =	sbr.rel @p0 .LBB2_12-.Ltmp5, $4  }
0x1b7: {  	v3 =	vld [tilespmem:s17+$0x8130];
	v8 =	vadd.f32 v8, v4;
	[tilespmem:s9+$0x8130] =	vst v6  }
0x1b8: {  	v6 =	vld [tilespmem:s17+$0x14130]  }
0x1b9: {  	v4 =	vld [tilespmem:s17+$0x8100];
	[tilespmem:s9+$0x8100] =	vst v8;
	v9 =	vadd.f32 v9, v10  }
0x1ba: {  	v8 =	vld [tilespmem:s17+$0x14100]  }
0x1bb: {  	v10 =	vld [tilespmem:s17+$0x8110]  }
0x1bc: {  	v11 =	vld [tilespmem:s17+$0x14110]  }
0x1bd: {  	v12 =	vld [tilespmem:s17+$0x8120]  }
0x1be: {  	v13 =	vld [tilespmem:s17+$0x14120]  }
0x1bf: {  	v5 =	vadd.f32 v7, v5  }
0x1c0: {  	[tilespmem:s9+$0x8110] =	vst v9;
	v3 =	vadd.f32 v6, v3  }
0x1c1: {  	[tilespmem:s9+$0x8120] =	vst v5;
	v4 =	vadd.f32 v8, v4  }
0x1c2: {  	[tilespmem:s17+$0x8130] =	vst v3;
	v3 =	vadd.f32 v11, v10  }
0x1c3: {  	[tilespmem:s17+$0x8100] =	vst v4;
	v4 =	vadd.f32 v13, v12  }
0x1c4: {  	[tilespmem:s17+$0x8110] =	vst v3  }
0x1c5: {  	[tilespmem:s17+$0x8120] =	vst v4  }
0x1c6: {  	s9 =	simm.s32 $0x0;
	s17 =	rddreg [dreg:$0x12]  }
0x1c7: {  	[hbm4b:s17+s9] =	stream.linear.scatter [tilespmem:s14], [sflag:$0x9], $0x4000, $0x38;
	[tilespmem:$0x18100] =	vst v63  }
0x1c8: {  	_ =	swait.ge [sflag:s15], $0x4000  }
0x1c9: {  	[sflag:s15] =	ssyncset.done $0x0  }
0x1ca: {  	[sflag:s15] =	ssyncadd.s32 $0xFFFFC000  }
0x1cb: {  	v3 =	vld [tilespmem:$0x70];
	_ =	sdelay $0x4  }
0x1cc: {  	v4 =	vshll.u32 v3, $0x3  }
0x1cd: {  	v3 =	vand.u32 $0x7, v3;
	v4 =	vand.u32 $0xFFFFFFC0, v4  }
0x1ce: {  	v3 =	vor.u32 v3, v4  }
0x1cf: {  	v4 =	vperm.xlane v3, v0;
	_ =	sdelay $0x1  }
0x1d0: {  	v4 =	vadd.s32 v1, v4;
	_ =	sdelay $0x4  }
0x1d1: {  	[tilespmem:s28], [sflag:$0x2] =	stream.indirect_vreg.gather [hbm4b:s1+s9], $0x80, v4, vm0, $0xb8;
	[tilespmem:$0x18100] =	vst v63  }
0x1d2: {  	s20 =	simm.s32 $0x4900;
	v3 =	vperm.xlane v3, v2  }
0x1d3: {  	[tilespmem:s20], [sflag:$0x2] =	stream.indirect_vreg.gather [hbm4b:s5+s9], $0x80, v4, vm0, $0xb8;
	[tilespmem:$0x18100] =	vst v63  }
0x1d4: {  	s21 =	simm.s32 $0x5100;
	v3 =	vadd.s32 v1, v3  }
0x1d5: {  	[tilespmem:s21], [sflag:$0x2] =	stream.indirect_vreg.gather [hbm4b:s6+s9], $0x80, v4, vm0, $0xb8;
	[tilespmem:$0x18100] =	vst v63  }
0x1d6: {  	s19 =	simm.s32 $0x5900  }
0x1d7: {  	[tilespmem:s19], [sflag:$0x2] =	stream.indirect_vreg.gather [hbm4b:s7+s9], $0x80, v4, vm0, $0xb8;
	[tilespmem:$0x18100] =	vst v63  }
0x1d8: {  	s20 =	simm.s32 $0x6100  }
0x1d9: {  	[tilespmem:s20], [sflag:$0x2] =	stream.indirect_vreg.gather [hbm4b:s1+s9], $0x80, v3, vm0, $0xb8;
	[tilespmem:$0x18100] =	vst v63  }
0x1da: {  	s21 =	simm.s32 $0x6900  }
0x1db: {  	[tilespmem:s21], [sflag:$0x2] =	stream.indirect_vreg.gather [hbm4b:s5+s9], $0x80, v3, vm0, $0xb8;
	[tilespmem:$0x18100] =	vst v63  }
0x1dc: {  	s19 =	simm.s32 $0x7100  }
0x1dd: {  	[tilespmem:s19], [sflag:$0x2] =	stream.indirect_vreg.gather [hbm4b:s6+s9], $0x80, v3, vm0, $0xb8;
	[tilespmem:$0x18100] =	vst v63  }
0x1de: {  	s20 =	simm.s32 $0x7900  }
0x1df: {  	[tilespmem:s20], [sflag:$0x2] =	stream.indirect_vreg.gather [hbm4b:s7+s9], $0x80, v3, vm0, $0xb8;
	[tilespmem:$0x18100] =	vst v63  }
0x1e0: {  	s21 =	rddreg [dreg:$0x13];
	s19 =	simm.s32 $0x10100  }
0x1e1: {  	[tilespmem:s19], [sflag:$0x5] =	stream.linear.gather [hbm4b:s21+s9], $0x4000, $0x38;
	[tilespmem:$0x18100] =	vst v63  }
0x1e2: {  	_ =	swait.ge [sflag:s12], $0x4000  }
0x1e3: {  	[sflag:s12] =	ssyncset.done $0x0  }
0x1e4: {  	s20 =	simm.s32 $0x0;
	[sflag:s12] =	ssyncadd.s32 $0xFFFFC000  }
0x1e5: {  	s17 =	sand.u32 $0x2040, s20;
	s21 =	sand.u32 $0x1C00, s9;
	_ =	swait.ge [sflag:s13], $0x4000  }
0x1e6: {  	s9 =	sand.u32 $0x380, s9;
	s17 =	sor.u32 s21, s17;
	[sflag:s13] =	ssyncset.done $0x0  }
0x1e7: {  	s9 =	sor.u32 s9, s17;
	[sflag:s13] =	ssyncadd.s32 $0xFFFFC000  }
0x1e8: {  	v3 =	vld [tilespmem:s9+$0x130]  }
0x1e9: {  	v4 =	vld [tilespmem:s9+$0xC130]  }
0x1ea: {  	v6 =	vld [tilespmem:s9+$0x100]  }
0x1eb: {  	v8 =	vld [tilespmem:s9+$0xC100]  }
0x1ec: {  	s29 =	simm.s32 $0x40;
	s30 =	simm.s32 $0x200;
	v9 =	vld [tilespmem:s9+$0x110]  }
0x1ed: {  	s31 =	simm.s32 $0x8;
	s19 =	sand.u32 $0x1C00, s30;
	s21 =	sand.u32 $0x2040, s29;
	v10 =	vld [tilespmem:s9+$0xC110]  }
0x1ee: {  	s20 =	sand.u32 $0x380, s31;
	s17 =	sor.u32 s19, s21;
	v5 =	vld [tilespmem:s9+$0x120]  }
0x1ef: {  	s17 =	sor.u32 s20, s17;
	v7 =	vld [tilespmem:s9+$0xC120]  }
0x1f0: {  	v4 =	vadd.f32 v4, v3;
	v3 =	vld [tilespmem:s17+$0x130]  }
0x1f1: {  	v8 =	vadd.f32 v8, v6;
	v6 =	vld [tilespmem:s17+$0xC130]  }
0x1f2: {  	v9 =	vadd.f32 v10, v9;
	[tilespmem:s9+$0x130] =	vst v4;
	v4 =	vld [tilespmem:s17+$0x100]  }
0x1f3: {  	[tilespmem:s9+$0x100] =	vst v8;
	v8 =	vld [tilespmem:s17+$0xC100]  }
.LBB2_14:
0x1f4: {  	s29 =	sadd.s32 $0x40, s29;
	v10 =	vld [tilespmem:s17+$0x110];
	s30 =	sadd.s32 $0x200, s30;
	[tilespmem:s9+$0x110] =	vst v9;
	v7 =	vadd.f32 v7, v5  }
0x1f5: {  	s31 =	sadd.s32 $0x8, s31;
	s19 =	sand.u32 $0x1C00, s30;
	s20 =	sand.u32 $0x2040, s29;
	v9 =	vld [tilespmem:s17+$0xC110]  }
0x1f6: {  	s21 =	sand.u32 $0x380, s31;
	p0 =	slt.u32 s29, $0x3FC0;
	s19 =	sor.u32 s19, s20;
	v5 =	vld [tilespmem:s17+$0x120];
	v6 =	vadd.f32 v6, v3;
	[tilespmem:s9+$0x120] =	vst v7  }
.Ltmp6:
0x1f7: {  	s9 =	smov.u32 s17;
	v7 =	vld [tilespmem:s17+$0xC120];
	s17 =	sor.u32 s21, s19;
	(pc) =	sbr.rel @p0 .LBB2_14-.Ltmp6, $4  }
0x1f8: {  	v3 =	vld [tilespmem:s17+$0x130];
	v8 =	vadd.f32 v8, v4;
	[tilespmem:s9+$0x130] =	vst v6  }
0x1f9: {  	v6 =	vld [tilespmem:s17+$0xC130]  }
0x1fa: {  	v4 =	vld [tilespmem:s17+$0x100];
	[tilespmem:s9+$0x100] =	vst v8;
	v9 =	vadd.f32 v9, v10  }
0x1fb: {  	v8 =	vld [tilespmem:s17+$0xC100]  }
0x1fc: {  	v10 =	vld [tilespmem:s17+$0x110]  }
0x1fd: {  	v11 =	vld [tilespmem:s17+$0xC110]  }
0x1fe: {  	v12 =	vld [tilespmem:s17+$0x120]  }
0x1ff: {  	v13 =	vld [tilespmem:s17+$0xC120]  }
0x200: {  	v5 =	vadd.f32 v7, v5  }
0x201: {  	[tilespmem:s9+$0x110] =	vst v9;
	v3 =	vadd.f32 v6, v3  }
0x202: {  	[tilespmem:s9+$0x120] =	vst v5;
	v4 =	vadd.f32 v8, v4  }
0x203: {  	[tilespmem:s17+$0x130] =	vst v3;
	v3 =	vadd.f32 v11, v10  }
0x204: {  	[tilespmem:s17+$0x100] =	vst v4;
	v4 =	vadd.f32 v13, v12  }
0x205: {  	[tilespmem:s17+$0x110] =	vst v3  }
0x206: {  	[tilespmem:s17+$0x120] =	vst v4  }
0x207: {  	s9 =	simm.s32 $0x0;
	s17 =	rddreg [dreg:$0x14]  }
0x208: {  	[hbm4b:s17+s9] =	stream.linear.scatter [tilespmem:s18], [sflag:$0x7], $0x4000, $0x38;
	[tilespmem:$0x18100] =	vst v63  }
0x209: {  	_ =	swait.ge [sflag:s16], $0x4000  }
0x20a: {  	[sflag:s16] =	ssyncset.done $0x0  }
0x20b: {  	[sflag:s16] =	ssyncadd.s32 $0xFFFFC000  }
0x20c: {  	v3 =	vld [tilespmem:$0x80];
	_ =	sdelay $0x4  }
0x20d: {  	v4 =	vshll.u32 v3, $0x3  }
0x20e: {  	v3 =	vand.u32 $0x7, v3;
	v4 =	vand.u32 $0xFFFFFFC0, v4  }
0x20f: {  	v3 =	vor.u32 v3, v4  }
0x210: {  	v4 =	vperm.xlane v3, v0;
	_ =	sdelay $0x1  }
0x211: {  	v4 =	vadd.s32 v1, v4;
	_ =	sdelay $0x4  }
0x212: {  	[tilespmem:s14], [sflag:$0x3] =	stream.indirect_vreg.gather [hbm4b:s1+s9], $0x80, v4, vm0, $0xb8;
	[tilespmem:$0x18100] =	vst v63  }
0x213: {  	s20 =	simm.s32 $0x8900;
	v3 =	vperm.xlane v3, v2  }
0x214: {  	[tilespmem:s20], [sflag:$0x3] =	stream.indirect_vreg.gather [hbm4b:s5+s9], $0x80, v4, vm0, $0xb8;
	[tilespmem:$0x18100] =	vst v63  }
0x215: {  	s21 =	simm.s32 $0x9100;
	v3 =	vadd.s32 v1, v3  }
0x216: {  	[tilespmem:s21], [sflag:$0x3] =	stream.indirect_vreg.gather [hbm4b:s6+s9], $0x80, v4, vm0, $0xb8;
	[tilespmem:$0x18100] =	vst v63  }
0x217: {  	s19 =	simm.s32 $0x9900  }
0x218: {  	[tilespmem:s19], [sflag:$0x3] =	stream.indirect_vreg.gather [hbm4b:s7+s9], $0x80, v4, vm0, $0xb8;
	[tilespmem:$0x18100] =	vst v63  }
0x219: {  	s20 =	simm.s32 $0xA100  }
0x21a: {  	[tilespmem:s20], [sflag:$0x3] =	stream.indirect_vreg.gather [hbm4b:s1+s9], $0x80, v3, vm0, $0xb8;
	[tilespmem:$0x18100] =	vst v63  }
0x21b: {  	s21 =	simm.s32 $0xA900  }
0x21c: {  	[tilespmem:s21], [sflag:$0x3] =	stream.indirect_vreg.gather [hbm4b:s5+s9], $0x80, v3, vm0, $0xb8;
	[tilespmem:$0x18100] =	vst v63  }
0x21d: {  	s19 =	simm.s32 $0xB100  }
0x21e: {  	[tilespmem:s19], [sflag:$0x3] =	stream.indirect_vreg.gather [hbm4b:s6+s9], $0x80, v3, vm0, $0xb8;
	[tilespmem:$0x18100] =	vst v63  }
0x21f: {  	s20 =	simm.s32 $0xB900  }
0x220: {  	[tilespmem:s20], [sflag:$0x3] =	stream.indirect_vreg.gather [hbm4b:s7+s9], $0x80, v3, vm0, $0xb8;
	[tilespmem:$0x18100] =	vst v63  }
0x221: {  	s21 =	rddreg [dreg:$0x15];
	s19 =	simm.s32 $0x14100  }
0x222: {  	[tilespmem:s19], [sflag:$0x6] =	stream.linear.gather [hbm4b:s21+s9], $0x4000, $0x38;
	[tilespmem:$0x18100] =	vst v63  }
0x223: {  	_ =	swait.ge [sflag:s2], $0x4000  }
0x224: {  	[sflag:s2] =	ssyncset.done $0x0  }
0x225: {  	s20 =	simm.s32 $0x0;
	[sflag:s2] =	ssyncadd.s32 $0xFFFFC000  }
0x226: {  	s17 =	sand.u32 $0x2040, s20;
	s21 =	sand.u32 $0x1C00, s9;
	_ =	swait.ge [sflag:s0], $0x4000  }
0x227: {  	s9 =	sand.u32 $0x380, s9;
	s17 =	sor.u32 s21, s17;
	[sflag:s0] =	ssyncset.done $0x0  }
0x228: {  	s9 =	sor.u32 s9, s17;
	[sflag:s0] =	ssyncadd.s32 $0xFFFFC000  }
0x229: {  	v3 =	vld [tilespmem:s9+$0x4130]  }
0x22a: {  	v4 =	vld [tilespmem:s9+$0x10130]  }
0x22b: {  	v6 =	vld [tilespmem:s9+$0x4100]  }
0x22c: {  	v8 =	vld [tilespmem:s9+$0x10100]  }
0x22d: {  	s29 =	simm.s32 $0x40;
	s30 =	simm.s32 $0x200;
	v9 =	vld [tilespmem:s9+$0x4110]  }
0x22e: {  	s31 =	simm.s32 $0x8;
	s19 =	sand.u32 $0x1C00, s30;
	s21 =	sand.u32 $0x2040, s29;
	v10 =	vld [tilespmem:s9+$0x10110]  }
0x22f: {  	s20 =	sand.u32 $0x380, s31;
	s17 =	sor.u32 s19, s21;
	v5 =	vld [tilespmem:s9+$0x4120]  }
0x230: {  	s17 =	sor.u32 s20, s17;
	v7 =	vld [tilespmem:s9+$0x10120]  }
0x231: {  	v4 =	vadd.f32 v4, v3;
	v3 =	vld [tilespmem:s17+$0x4130]  }
0x232: {  	v8 =	vadd.f32 v8, v6;
	v6 =	vld [tilespmem:s17+$0x10130]  }
0x233: {  	v9 =	vadd.f32 v10, v9;
	[tilespmem:s9+$0x4130] =	vst v4;
	v4 =	vld [tilespmem:s17+$0x4100]  }
0x234: {  	[tilespmem:s9+$0x4100] =	vst v8;
	v8 =	vld [tilespmem:s17+$0x10100]  }
.LBB2_16:
0x235: {  	s29 =	sadd.s32 $0x40, s29;
	v10 =	vld [tilespmem:s17+$0x4110];
	s30 =	sadd.s32 $0x200, s30;
	[tilespmem:s9+$0x4110] =	vst v9;
	v7 =	vadd.f32 v7, v5  }
0x236: {  	s31 =	sadd.s32 $0x8, s31;
	s19 =	sand.u32 $0x1C00, s30;
	s20 =	sand.u32 $0x2040, s29;
	v9 =	vld [tilespmem:s17+$0x10110]  }
0x237: {  	s21 =	sand.u32 $0x380, s31;
	p0 =	slt.u32 s29, $0x3FC0;
	s19 =	sor.u32 s19, s20;
	v5 =	vld [tilespmem:s17+$0x4120];
	v6 =	vadd.f32 v6, v3;
	[tilespmem:s9+$0x4120] =	vst v7  }
.Ltmp7:
0x238: {  	s9 =	smov.u32 s17;
	v7 =	vld [tilespmem:s17+$0x10120];
	s17 =	sor.u32 s21, s19;
	(pc) =	sbr.rel @p0 .LBB2_16-.Ltmp7, $4  }
0x239: {  	v3 =	vld [tilespmem:s17+$0x4130];
	v8 =	vadd.f32 v8, v4;
	[tilespmem:s9+$0x4130] =	vst v6  }
0x23a: {  	v6 =	vld [tilespmem:s17+$0x10130]  }
0x23b: {  	v4 =	vld [tilespmem:s17+$0x4100];
	[tilespmem:s9+$0x4100] =	vst v8;
	v9 =	vadd.f32 v9, v10  }
0x23c: {  	v8 =	vld [tilespmem:s17+$0x10100]  }
0x23d: {  	v10 =	vld [tilespmem:s17+$0x4110]  }
0x23e: {  	v11 =	vld [tilespmem:s17+$0x10110]  }
0x23f: {  	v12 =	vld [tilespmem:s17+$0x4120]  }
0x240: {  	v13 =	vld [tilespmem:s17+$0x10120]  }
0x241: {  	v5 =	vadd.f32 v7, v5  }
0x242: {  	[tilespmem:s9+$0x4110] =	vst v9;
	v3 =	vadd.f32 v6, v3  }
0x243: {  	[tilespmem:s9+$0x4120] =	vst v5;
	v4 =	vadd.f32 v8, v4  }
0x244: {  	[tilespmem:s17+$0x4130] =	vst v3;
	v3 =	vadd.f32 v11, v10  }
0x245: {  	[tilespmem:s17+$0x4100] =	vst v4;
	v4 =	vadd.f32 v13, v12  }
0x246: {  	[tilespmem:s17+$0x4110] =	vst v3  }
0x247: {  	[tilespmem:s17+$0x4120] =	vst v4  }
0x248: {  	s9 =	simm.s32 $0x0;
	s17 =	rddreg [dreg:$0x16]  }
0x249: {  	[hbm4b:s17+s9] =	stream.linear.scatter [tilespmem:s28], [sflag:$0x8], $0x4000, $0x38;
	[tilespmem:$0x18100] =	vst v63  }
0x24a: {  	_ =	swait.ge [sflag:s4], $0x4000  }
0x24b: {  	[sflag:s4] =	ssyncset.done $0x0  }
0x24c: {  	[sflag:s4] =	ssyncadd.s32 $0xFFFFC000  }
0x24d: {  	v3 =	vld [tilespmem:$0x90];
	_ =	sdelay $0x4  }
0x24e: {  	v4 =	vshll.u32 v3, $0x3  }
0x24f: {  	v3 =	vand.u32 $0x7, v3;
	v4 =	vand.u32 $0xFFFFFFC0, v4  }
0x250: {  	v3 =	vor.u32 v3, v4  }
0x251: {  	v4 =	vperm.xlane v3, v0;
	_ =	sdelay $0x1  }
0x252: {  	v4 =	vadd.s32 v1, v4;
	_ =	sdelay $0x4  }
0x253: {  	[tilespmem:s18], [sflag:$0x1] =	stream.indirect_vreg.gather [hbm4b:s1+s9], $0x80, v4, vm0, $0xb8;
	[tilespmem:$0x18100] =	vst v63  }
0x254: {  	s20 =	simm.s32 $0x900;
	v3 =	vperm.xlane v3, v2  }
0x255: {  	[tilespmem:s20], [sflag:$0x1] =	stream.indirect_vreg.gather [hbm4b:s5+s9], $0x80, v4, vm0, $0xb8;
	[tilespmem:$0x18100] =	vst v63  }
0x256: {  	s21 =	simm.s32 $0x1100;
	v3 =	vadd.s32 v1, v3  }
0x257: {  	[tilespmem:s21], [sflag:$0x1] =	stream.indirect_vreg.gather [hbm4b:s6+s9], $0x80, v4, vm0, $0xb8;
	[tilespmem:$0x18100] =	vst v63  }
0x258: {  	s19 =	simm.s32 $0x1900  }
0x259: {  	[tilespmem:s19], [sflag:$0x1] =	stream.indirect_vreg.gather [hbm4b:s7+s9], $0x80, v4, vm0, $0xb8;
	[tilespmem:$0x18100] =	vst v63  }
0x25a: {  	_ = 	snop  }
0x25b: {  	[tilespmem:s22], [sflag:$0x1] =	stream.indirect_vreg.gather [hbm4b:s1+s9], $0x80, v3, vm0, $0xb8;
	[tilespmem:$0x18100] =	vst v63  }
0x25c: {  	_ = 	snop  }
0x25d: {  	[tilespmem:s23], [sflag:$0x1] =	stream.indirect_vreg.gather [hbm4b:s5+s9], $0x80, v3, vm0, $0xb8;
	[tilespmem:$0x18100] =	vst v63  }
0x25e: {  	_ = 	snop  }
0x25f: {  	[tilespmem:s24], [sflag:$0x1] =	stream.indirect_vreg.gather [hbm4b:s6+s9], $0x80, v3, vm0, $0xb8;
	[tilespmem:$0x18100] =	vst v63  }
0x260: {  	_ = 	snop  }
0x261: {  	[tilespmem:s25], [sflag:$0x1] =	stream.indirect_vreg.gather [hbm4b:s7+s9], $0x80, v3, vm0, $0xb8;
	[tilespmem:$0x18100] =	vst v63  }
0x262: {  	s20 =	rddreg [dreg:$0x18]  }
0x263: {  	[tilespmem:s26], [sflag:$0x4] =	stream.linear.gather [hbm4b:s20+s9], $0x4000, $0x38;
	[tilespmem:$0x18100] =	vst v63  }
0x264: {  	_ =	swait.ge [sflag:s10], $0x4000  }
0x265: {  	[sflag:s10] =	ssyncset.done $0x0  }
0x266: {  	s21 =	simm.s32 $0x0;
	[sflag:s10] =	ssyncadd.s32 $0xFFFFC000  }
0x267: {  	s17 =	sand.u32 $0x2040, s21;
	s19 =	sand.u32 $0x1C00, s9;
	_ =	swait.ge [sflag:s11], $0x4000  }
0x268: {  	s17 =	sor.u32 s19, s17;
	s9 =	sand.u32 $0x380, s9;
	[sflag:s11] =	ssyncset.done $0x0  }
0x269: {  	s9 =	sor.u32 s9, s17;
	[sflag:s11] =	ssyncadd.s32 $0xFFFFC000  }
0x26a: {  	v3 =	vld [tilespmem:s9+$0x8130]  }
0x26b: {  	v4 =	vld [tilespmem:s9+$0x14130]  }
0x26c: {  	v6 =	vld [tilespmem:s9+$0x8100]  }
0x26d: {  	v8 =	vld [tilespmem:s9+$0x14100]  }
0x26e: {  	s29 =	simm.s32 $0x40;
	s30 =	simm.s32 $0x200;
	v9 =	vld [tilespmem:s9+$0x8110]  }
0x26f: {  	s31 =	simm.s32 $0x8;
	s21 =	sand.u32 $0x2040, s29;
	s19 =	sand.u32 $0x1C00, s30;
	v10 =	vld [tilespmem:s9+$0x14110]  }
0x270: {  	s20 =	sand.u32 $0x380, s31;
	s17 =	sor.u32 s19, s21;
	v5 =	vld [tilespmem:s9+$0x8120]  }
0x271: {  	s17 =	sor.u32 s20, s17;
	v7 =	vld [tilespmem:s9+$0x14120]  }
0x272: {  	v4 =	vadd.f32 v4, v3;
	v3 =	vld [tilespmem:s17+$0x8130]  }
0x273: {  	v8 =	vadd.f32 v8, v6;
	v6 =	vld [tilespmem:s17+$0x14130]  }
0x274: {  	v9 =	vadd.f32 v10, v9;
	[tilespmem:s9+$0x8130] =	vst v4;
	v4 =	vld [tilespmem:s17+$0x8100]  }
0x275: {  	[tilespmem:s9+$0x8100] =	vst v8;
	v8 =	vld [tilespmem:s17+$0x14100]  }
.LBB2_18:
0x276: {  	s29 =	sadd.s32 $0x40, s29;
	v10 =	vld [tilespmem:s17+$0x8110];
	s30 =	sadd.s32 $0x200, s30;
	[tilespmem:s9+$0x8110] =	vst v9;
	v7 =	vadd.f32 v7, v5  }
0x277: {  	s31 =	sadd.s32 $0x8, s31;
	s19 =	sand.u32 $0x1C00, s30;
	s20 =	sand.u32 $0x2040, s29;
	v9 =	vld [tilespmem:s17+$0x14110]  }
0x278: {  	s21 =	sand.u32 $0x380, s31;
	p0 =	slt.u32 s29, $0x3FC0;
	s19 =	sor.u32 s19, s20;
	v5 =	vld [tilespmem:s17+$0x8120];
	v6 =	vadd.f32 v6, v3;
	[tilespmem:s9+$0x8120] =	vst v7  }
.Ltmp8:
0x279: {  	s9 =	smov.u32 s17;
	v7 =	vld [tilespmem:s17+$0x14120];
	s17 =	sor.u32 s21, s19;
	(pc) =	sbr.rel @p0 .LBB2_18-.Ltmp8, $4  }
0x27a: {  	v3 =	vld [tilespmem:s17+$0x8130];
	v8 =	vadd.f32 v8, v4;
	[tilespmem:s9+$0x8130] =	vst v6  }
0x27b: {  	v6 =	vld [tilespmem:s17+$0x14130]  }
0x27c: {  	v4 =	vld [tilespmem:s17+$0x8100];
	[tilespmem:s9+$0x8100] =	vst v8;
	v9 =	vadd.f32 v9, v10  }
0x27d: {  	v8 =	vld [tilespmem:s17+$0x14100]  }
0x27e: {  	v10 =	vld [tilespmem:s17+$0x8110]  }
0x27f: {  	v11 =	vld [tilespmem:s17+$0x14110]  }
0x280: {  	v12 =	vld [tilespmem:s17+$0x8120]  }
0x281: {  	v13 =	vld [tilespmem:s17+$0x14120]  }
0x282: {  	v5 =	vadd.f32 v7, v5  }
0x283: {  	[tilespmem:s9+$0x8110] =	vst v9;
	v3 =	vadd.f32 v6, v3  }
0x284: {  	[tilespmem:s9+$0x8120] =	vst v5;
	v4 =	vadd.f32 v8, v4  }
0x285: {  	[tilespmem:s17+$0x8130] =	vst v3;
	v3 =	vadd.f32 v11, v10  }
0x286: {  	[tilespmem:s17+$0x8100] =	vst v4;
	v4 =	vadd.f32 v13, v12  }
0x287: {  	[tilespmem:s17+$0x8110] =	vst v3  }
0x288: {  	[tilespmem:s17+$0x8120] =	vst v4  }
0x289: {  	s9 =	simm.s32 $0x0;
	s17 =	rddreg [dreg:$0x19]  }
0x28a: {  	[hbm4b:s17+s9] =	stream.linear.scatter [tilespmem:s14], [sflag:$0x9], $0x4000, $0x38;
	[tilespmem:$0x18100] =	vst v63  }
0x28b: {  	_ =	swait.ge [sflag:s15], $0x4000  }
0x28c: {  	[sflag:s15] =	ssyncset.done $0x0  }
0x28d: {  	[sflag:s15] =	ssyncadd.s32 $0xFFFFC000  }
0x28e: {  	v3 =	vld [tilespmem:$0xA0];
	_ =	sdelay $0x4  }
0x28f: {  	v4 =	vshll.u32 v3, $0x3  }
0x290: {  	v3 =	vand.u32 $0x7, v3;
	v4 =	vand.u32 $0xFFFFFFC0, v4  }
0x291: {  	v3 =	vor.u32 v3, v4  }
0x292: {  	v4 =	vperm.xlane v3, v0;
	_ =	sdelay $0x1  }
0x293: {  	v4 =	vadd.s32 v1, v4;
	_ =	sdelay $0x4  }
0x294: {  	[tilespmem:s28], [sflag:$0x2] =	stream.indirect_vreg.gather [hbm4b:s1+s9], $0x80, v4, vm0, $0xb8;
	[tilespmem:$0x18100] =	vst v63  }
0x295: {  	s20 =	simm.s32 $0x4900;
	v3 =	vperm.xlane v3, v2  }
0x296: {  	[tilespmem:s20], [sflag:$0x2] =	stream.indirect_vreg.gather [hbm4b:s5+s9], $0x80, v4, vm0, $0xb8;
	[tilespmem:$0x18100] =	vst v63  }
0x297: {  	s21 =	simm.s32 $0x5100;
	v3 =	vadd.s32 v1, v3  }
0x298: {  	[tilespmem:s21], [sflag:$0x2] =	stream.indirect_vreg.gather [hbm4b:s6+s9], $0x80, v4, vm0, $0xb8;
	[tilespmem:$0x18100] =	vst v63  }
0x299: {  	s19 =	simm.s32 $0x5900  }
0x29a: {  	[tilespmem:s19], [sflag:$0x2] =	stream.indirect_vreg.gather [hbm4b:s7+s9], $0x80, v4, vm0, $0xb8;
	[tilespmem:$0x18100] =	vst v63  }
0x29b: {  	s20 =	simm.s32 $0x6100  }
0x29c: {  	[tilespmem:s20], [sflag:$0x2] =	stream.indirect_vreg.gather [hbm4b:s1+s9], $0x80, v3, vm0, $0xb8;
	[tilespmem:$0x18100] =	vst v63  }
0x29d: {  	s21 =	simm.s32 $0x6900  }
0x29e: {  	[tilespmem:s21], [sflag:$0x2] =	stream.indirect_vreg.gather [hbm4b:s5+s9], $0x80, v3, vm0, $0xb8;
	[tilespmem:$0x18100] =	vst v63  }
0x29f: {  	s19 =	simm.s32 $0x7100  }
0x2a0: {  	[tilespmem:s19], [sflag:$0x2] =	stream.indirect_vreg.gather [hbm4b:s6+s9], $0x80, v3, vm0, $0xb8;
	[tilespmem:$0x18100] =	vst v63  }
0x2a1: {  	s20 =	simm.s32 $0x7900  }
0x2a2: {  	[tilespmem:s20], [sflag:$0x2] =	stream.indirect_vreg.gather [hbm4b:s7+s9], $0x80, v3, vm0, $0xb8;
	[tilespmem:$0x18100] =	vst v63  }
0x2a3: {  	s21 =	rddreg [dreg:$0x1a];
	s19 =	simm.s32 $0x10100  }
0x2a4: {  	[tilespmem:s19], [sflag:$0x5] =	stream.linear.gather [hbm4b:s21+s9], $0x4000, $0x38;
	[tilespmem:$0x18100] =	vst v63  }
0x2a5: {  	_ =	swait.ge [sflag:s12], $0x4000  }
0x2a6: {  	[sflag:s12] =	ssyncset.done $0x0  }
0x2a7: {  	s20 =	simm.s32 $0x0;
	[sflag:s12] =	ssyncadd.s32 $0xFFFFC000  }
0x2a8: {  	s17 =	sand.u32 $0x2040, s20;
	s21 =	sand.u32 $0x1C00, s9;
	_ =	swait.ge [sflag:s13], $0x4000  }
0x2a9: {  	s9 =	sand.u32 $0x380, s9;
	s17 =	sor.u32 s21, s17;
	[sflag:s13] =	ssyncset.done $0x0  }
0x2aa: {  	s9 =	sor.u32 s9, s17;
	[sflag:s13] =	ssyncadd.s32 $0xFFFFC000  }
0x2ab: {  	v3 =	vld [tilespmem:s9+$0x130]  }
0x2ac: {  	v4 =	vld [tilespmem:s9+$0xC130]  }
0x2ad: {  	v6 =	vld [tilespmem:s9+$0x100]  }
0x2ae: {  	v8 =	vld [tilespmem:s9+$0xC100]  }
0x2af: {  	s29 =	simm.s32 $0x40;
	s30 =	simm.s32 $0x200;
	v9 =	vld [tilespmem:s9+$0x110]  }
0x2b0: {  	s31 =	simm.s32 $0x8;
	s19 =	sand.u32 $0x1C00, s30;
	s21 =	sand.u32 $0x2040, s29;
	v10 =	vld [tilespmem:s9+$0xC110]  }
0x2b1: {  	s20 =	sand.u32 $0x380, s31;
	s17 =	sor.u32 s19, s21;
	v5 =	vld [tilespmem:s9+$0x120]  }
0x2b2: {  	s17 =	sor.u32 s20, s17;
	v7 =	vld [tilespmem:s9+$0xC120]  }
0x2b3: {  	v4 =	vadd.f32 v4, v3;
	v3 =	vld [tilespmem:s17+$0x130]  }
0x2b4: {  	v8 =	vadd.f32 v8, v6;
	v6 =	vld [tilespmem:s17+$0xC130]  }
0x2b5: {  	v9 =	vadd.f32 v10, v9;
	[tilespmem:s9+$0x130] =	vst v4;
	v4 =	vld [tilespmem:s17+$0x100]  }
0x2b6: {  	[tilespmem:s9+$0x100] =	vst v8;
	v8 =	vld [tilespmem:s17+$0xC100]  }
.LBB2_20:
0x2b7: {  	s29 =	sadd.s32 $0x40, s29;
	v10 =	vld [tilespmem:s17+$0x110];
	s30 =	sadd.s32 $0x200, s30;
	[tilespmem:s9+$0x110] =	vst v9;
	v7 =	vadd.f32 v7, v5  }
0x2b8: {  	s31 =	sadd.s32 $0x8, s31;
	s19 =	sand.u32 $0x1C00, s30;
	s20 =	sand.u32 $0x2040, s29;
	v9 =	vld [tilespmem:s17+$0xC110]  }
0x2b9: {  	s21 =	sand.u32 $0x380, s31;
	p0 =	slt.u32 s29, $0x3FC0;
	s19 =	sor.u32 s19, s20;
	v5 =	vld [tilespmem:s17+$0x120];
	v6 =	vadd.f32 v6, v3;
	[tilespmem:s9+$0x120] =	vst v7  }
.Ltmp9:
0x2ba: {  	s9 =	smov.u32 s17;
	v7 =	vld [tilespmem:s17+$0xC120];
	s17 =	sor.u32 s21, s19;
	(pc) =	sbr.rel @p0 .LBB2_20-.Ltmp9, $4  }
0x2bb: {  	v3 =	vld [tilespmem:s17+$0x130];
	v8 =	vadd.f32 v8, v4;
	[tilespmem:s9+$0x130] =	vst v6  }
0x2bc: {  	v6 =	vld [tilespmem:s17+$0xC130]  }
0x2bd: {  	v4 =	vld [tilespmem:s17+$0x100];
	[tilespmem:s9+$0x100] =	vst v8;
	v9 =	vadd.f32 v9, v10  }
0x2be: {  	v8 =	vld [tilespmem:s17+$0xC100]  }
0x2bf: {  	v10 =	vld [tilespmem:s17+$0x110]  }
0x2c0: {  	v11 =	vld [tilespmem:s17+$0xC110]  }
0x2c1: {  	v12 =	vld [tilespmem:s17+$0x120]  }
0x2c2: {  	v13 =	vld [tilespmem:s17+$0xC120]  }
0x2c3: {  	v5 =	vadd.f32 v7, v5  }
0x2c4: {  	[tilespmem:s9+$0x110] =	vst v9;
	v3 =	vadd.f32 v6, v3  }
0x2c5: {  	[tilespmem:s9+$0x120] =	vst v5;
	v4 =	vadd.f32 v8, v4  }
0x2c6: {  	[tilespmem:s17+$0x130] =	vst v3;
	v3 =	vadd.f32 v11, v10  }
0x2c7: {  	[tilespmem:s17+$0x100] =	vst v4;
	v4 =	vadd.f32 v13, v12  }
0x2c8: {  	[tilespmem:s17+$0x110] =	vst v3  }
0x2c9: {  	[tilespmem:s17+$0x120] =	vst v4  }
0x2ca: {  	s9 =	simm.s32 $0x0;
	s17 =	rddreg [dreg:$0x1b]  }
0x2cb: {  	[hbm4b:s17+s9] =	stream.linear.scatter [tilespmem:s18], [sflag:$0x7], $0x4000, $0x38;
	[tilespmem:$0x18100] =	vst v63  }
0x2cc: {  	_ =	swait.ge [sflag:s16], $0x4000  }
0x2cd: {  	[sflag:s16] =	ssyncset.done $0x0  }
0x2ce: {  	[sflag:s16] =	ssyncadd.s32 $0xFFFFC000  }
0x2cf: {  	v3 =	vld [tilespmem:$0xB0];
	_ =	sdelay $0x4  }
0x2d0: {  	v4 =	vshll.u32 v3, $0x3  }
0x2d1: {  	v3 =	vand.u32 $0x7, v3;
	v4 =	vand.u32 $0xFFFFFFC0, v4  }
0x2d2: {  	v3 =	vor.u32 v3, v4  }
0x2d3: {  	v4 =	vperm.xlane v3, v0;
	_ =	sdelay $0x1  }
0x2d4: {  	v4 =	vadd.s32 v1, v4;
	_ =	sdelay $0x4  }
0x2d5: {  	[tilespmem:s14], [sflag:$0x3] =	stream.indirect_vreg.gather [hbm4b:s1+s9], $0x80, v4, vm0, $0xb8;
	[tilespmem:$0x18100] =	vst v63  }
0x2d6: {  	s20 =	simm.s32 $0x8900;
	v3 =	vperm.xlane v3, v2  }
0x2d7: {  	[tilespmem:s20], [sflag:$0x3] =	stream.indirect_vreg.gather [hbm4b:s5+s9], $0x80, v4, vm0, $0xb8;
	[tilespmem:$0x18100] =	vst v63  }
0x2d8: {  	s21 =	simm.s32 $0x9100;
	v3 =	vadd.s32 v1, v3  }
0x2d9: {  	[tilespmem:s21], [sflag:$0x3] =	stream.indirect_vreg.gather [hbm4b:s6+s9], $0x80, v4, vm0, $0xb8;
	[tilespmem:$0x18100] =	vst v63  }
0x2da: {  	s19 =	simm.s32 $0x9900  }
0x2db: {  	[tilespmem:s19], [sflag:$0x3] =	stream.indirect_vreg.gather [hbm4b:s7+s9], $0x80, v4, vm0, $0xb8;
	[tilespmem:$0x18100] =	vst v63  }
0x2dc: {  	s20 =	simm.s32 $0xA100  }
0x2dd: {  	[tilespmem:s20], [sflag:$0x3] =	stream.indirect_vreg.gather [hbm4b:s1+s9], $0x80, v3, vm0, $0xb8;
	[tilespmem:$0x18100] =	vst v63  }
0x2de: {  	s21 =	simm.s32 $0xA900  }
0x2df: {  	[tilespmem:s21], [sflag:$0x3] =	stream.indirect_vreg.gather [hbm4b:s5+s9], $0x80, v3, vm0, $0xb8;
	[tilespmem:$0x18100] =	vst v63  }
0x2e0: {  	s19 =	simm.s32 $0xB100  }
0x2e1: {  	[tilespmem:s19], [sflag:$0x3] =	stream.indirect_vreg.gather [hbm4b:s6+s9], $0x80, v3, vm0, $0xb8;
	[tilespmem:$0x18100] =	vst v63  }
0x2e2: {  	s20 =	simm.s32 $0xB900  }
0x2e3: {  	[tilespmem:s20], [sflag:$0x3] =	stream.indirect_vreg.gather [hbm4b:s7+s9], $0x80, v3, vm0, $0xb8;
	[tilespmem:$0x18100] =	vst v63  }
0x2e4: {  	s21 =	rddreg [dreg:$0x1c];
	s19 =	simm.s32 $0x14100  }
0x2e5: {  	[tilespmem:s19], [sflag:$0x6] =	stream.linear.gather [hbm4b:s21+s9], $0x4000, $0x38;
	[tilespmem:$0x18100] =	vst v63  }
0x2e6: {  	_ =	swait.ge [sflag:s2], $0x4000  }
0x2e7: {  	[sflag:s2] =	ssyncset.done $0x0  }
0x2e8: {  	s20 =	simm.s32 $0x0;
	[sflag:s2] =	ssyncadd.s32 $0xFFFFC000  }
0x2e9: {  	s17 =	sand.u32 $0x2040, s20;
	s21 =	sand.u32 $0x1C00, s9;
	_ =	swait.ge [sflag:s0], $0x4000  }
0x2ea: {  	s9 =	sand.u32 $0x380, s9;
	s17 =	sor.u32 s21, s17;
	[sflag:s0] =	ssyncset.done $0x0  }
0x2eb: {  	s9 =	sor.u32 s9, s17;
	[sflag:s0] =	ssyncadd.s32 $0xFFFFC000  }
0x2ec: {  	v3 =	vld [tilespmem:s9+$0x4130]  }
0x2ed: {  	v4 =	vld [tilespmem:s9+$0x10130]  }
0x2ee: {  	v6 =	vld [tilespmem:s9+$0x4100]  }
0x2ef: {  	v8 =	vld [tilespmem:s9+$0x10100]  }
0x2f0: {  	s29 =	simm.s32 $0x40;
	s30 =	simm.s32 $0x200;
	v9 =	vld [tilespmem:s9+$0x4110]  }
0x2f1: {  	s31 =	simm.s32 $0x8;
	s19 =	sand.u32 $0x1C00, s30;
	s21 =	sand.u32 $0x2040, s29;
	v10 =	vld [tilespmem:s9+$0x10110]  }
0x2f2: {  	s20 =	sand.u32 $0x380, s31;
	s17 =	sor.u32 s19, s21;
	v5 =	vld [tilespmem:s9+$0x4120]  }
0x2f3: {  	s17 =	sor.u32 s20, s17;
	v7 =	vld [tilespmem:s9+$0x10120]  }
0x2f4: {  	v4 =	vadd.f32 v4, v3;
	v3 =	vld [tilespmem:s17+$0x4130]  }
0x2f5: {  	v8 =	vadd.f32 v8, v6;
	v6 =	vld [tilespmem:s17+$0x10130]  }
0x2f6: {  	v9 =	vadd.f32 v10, v9;
	[tilespmem:s9+$0x4130] =	vst v4;
	v4 =	vld [tilespmem:s17+$0x4100]  }
0x2f7: {  	[tilespmem:s9+$0x4100] =	vst v8;
	v8 =	vld [tilespmem:s17+$0x10100]  }
.LBB2_22:
0x2f8: {  	s29 =	sadd.s32 $0x40, s29;
	v10 =	vld [tilespmem:s17+$0x4110];
	s30 =	sadd.s32 $0x200, s30;
	[tilespmem:s9+$0x4110] =	vst v9;
	v7 =	vadd.f32 v7, v5  }
0x2f9: {  	s31 =	sadd.s32 $0x8, s31;
	s19 =	sand.u32 $0x1C00, s30;
	s20 =	sand.u32 $0x2040, s29;
	v9 =	vld [tilespmem:s17+$0x10110]  }
0x2fa: {  	s21 =	sand.u32 $0x380, s31;
	p0 =	slt.u32 s29, $0x3FC0;
	s19 =	sor.u32 s19, s20;
	v5 =	vld [tilespmem:s17+$0x4120];
	v6 =	vadd.f32 v6, v3;
	[tilespmem:s9+$0x4120] =	vst v7  }
.Ltmp10:
0x2fb: {  	s9 =	smov.u32 s17;
	v7 =	vld [tilespmem:s17+$0x10120];
	s17 =	sor.u32 s21, s19;
	(pc) =	sbr.rel @p0 .LBB2_22-.Ltmp10, $4  }
0x2fc: {  	v3 =	vld [tilespmem:s17+$0x4130];
	v8 =	vadd.f32 v8, v4;
	[tilespmem:s9+$0x4130] =	vst v6  }
0x2fd: {  	v6 =	vld [tilespmem:s17+$0x10130]  }
0x2fe: {  	v4 =	vld [tilespmem:s17+$0x4100];
	[tilespmem:s9+$0x4100] =	vst v8;
	v9 =	vadd.f32 v9, v10  }
0x2ff: {  	v8 =	vld [tilespmem:s17+$0x10100]  }
0x300: {  	v10 =	vld [tilespmem:s17+$0x4110]  }
0x301: {  	v11 =	vld [tilespmem:s17+$0x10110]  }
0x302: {  	v12 =	vld [tilespmem:s17+$0x4120]  }
0x303: {  	v13 =	vld [tilespmem:s17+$0x10120]  }
0x304: {  	v5 =	vadd.f32 v7, v5  }
0x305: {  	[tilespmem:s9+$0x4110] =	vst v9;
	v3 =	vadd.f32 v6, v3  }
0x306: {  	[tilespmem:s9+$0x4120] =	vst v5;
	v4 =	vadd.f32 v8, v4  }
0x307: {  	[tilespmem:s17+$0x4130] =	vst v3;
	v3 =	vadd.f32 v11, v10  }
0x308: {  	[tilespmem:s17+$0x4100] =	vst v4;
	v4 =	vadd.f32 v13, v12  }
0x309: {  	[tilespmem:s17+$0x4110] =	vst v3  }
0x30a: {  	[tilespmem:s17+$0x4120] =	vst v4  }
0x30b: {  	s9 =	simm.s32 $0x0;
	s17 =	rddreg [dreg:$0x1d]  }
0x30c: {  	[hbm4b:s17+s9] =	stream.linear.scatter [tilespmem:s28], [sflag:$0x8], $0x4000, $0x38;
	[tilespmem:$0x18100] =	vst v63  }
0x30d: {  	_ =	swait.ge [sflag:s4], $0x4000  }
0x30e: {  	[sflag:s4] =	ssyncset.done $0x0  }
0x30f: {  	[sflag:s4] =	ssyncadd.s32 $0xFFFFC000  }
0x310: {  	v3 =	vld [tilespmem:$0xC0];
	_ =	sdelay $0x4  }
0x311: {  	v4 =	vshll.u32 v3, $0x3  }
0x312: {  	v3 =	vand.u32 $0x7, v3;
	v4 =	vand.u32 $0xFFFFFFC0, v4  }
0x313: {  	v3 =	vor.u32 v3, v4  }
0x314: {  	v4 =	vperm.xlane v3, v0;
	_ =	sdelay $0x1  }
0x315: {  	v4 =	vadd.s32 v1, v4;
	_ =	sdelay $0x4  }
0x316: {  	[tilespmem:s18], [sflag:$0x1] =	stream.indirect_vreg.gather [hbm4b:s1+s9], $0x80, v4, vm0, $0xb8;
	[tilespmem:$0x18100] =	vst v63  }
0x317: {  	s20 =	simm.s32 $0x900;
	v3 =	vperm.xlane v3, v2  }
0x318: {  	[tilespmem:s20], [sflag:$0x1] =	stream.indirect_vreg.gather [hbm4b:s5+s9], $0x80, v4, vm0, $0xb8;
	[tilespmem:$0x18100] =	vst v63  }
0x319: {  	s21 =	simm.s32 $0x1100;
	v3 =	vadd.s32 v1, v3  }
0x31a: {  	[tilespmem:s21], [sflag:$0x1] =	stream.indirect_vreg.gather [hbm4b:s6+s9], $0x80, v4, vm0, $0xb8;
	[tilespmem:$0x18100] =	vst v63  }
0x31b: {  	s19 =	simm.s32 $0x1900  }
0x31c: {  	[tilespmem:s19], [sflag:$0x1] =	stream.indirect_vreg.gather [hbm4b:s7+s9], $0x80, v4, vm0, $0xb8;
	[tilespmem:$0x18100] =	vst v63  }
0x31d: {  	_ = 	snop  }
0x31e: {  	[tilespmem:s22], [sflag:$0x1] =	stream.indirect_vreg.gather [hbm4b:s1+s9], $0x80, v3, vm0, $0xb8;
	[tilespmem:$0x18100] =	vst v63  }
0x31f: {  	_ = 	snop  }
0x320: {  	[tilespmem:s23], [sflag:$0x1] =	stream.indirect_vreg.gather [hbm4b:s5+s9], $0x80, v3, vm0, $0xb8;
	[tilespmem:$0x18100] =	vst v63  }
0x321: {  	_ = 	snop  }
0x322: {  	[tilespmem:s24], [sflag:$0x1] =	stream.indirect_vreg.gather [hbm4b:s6+s9], $0x80, v3, vm0, $0xb8;
	[tilespmem:$0x18100] =	vst v63  }
0x323: {  	_ = 	snop  }
0x324: {  	[tilespmem:s25], [sflag:$0x1] =	stream.indirect_vreg.gather [hbm4b:s7+s9], $0x80, v3, vm0, $0xb8;
	[tilespmem:$0x18100] =	vst v63  }
0x325: {  	s20 =	rddreg [dreg:$0x1e]  }
0x326: {  	[tilespmem:s26], [sflag:$0x4] =	stream.linear.gather [hbm4b:s20+s9], $0x4000, $0x38;
	[tilespmem:$0x18100] =	vst v63  }
0x327: {  	_ =	swait.ge [sflag:s10], $0x4000  }
0x328: {  	[sflag:s10] =	ssyncset.done $0x0  }
0x329: {  	s21 =	simm.s32 $0x0;
	[sflag:s10] =	ssyncadd.s32 $0xFFFFC000  }
0x32a: {  	s17 =	sand.u32 $0x2040, s21;
	s19 =	sand.u32 $0x1C00, s9;
	_ =	swait.ge [sflag:s11], $0x4000  }
0x32b: {  	s17 =	sor.u32 s19, s17;
	s9 =	sand.u32 $0x380, s9;
	[sflag:s11] =	ssyncset.done $0x0  }
0x32c: {  	s9 =	sor.u32 s9, s17;
	[sflag:s11] =	ssyncadd.s32 $0xFFFFC000  }
0x32d: {  	v3 =	vld [tilespmem:s9+$0x8130]  }
0x32e: {  	v4 =	vld [tilespmem:s9+$0x14130]  }
0x32f: {  	v6 =	vld [tilespmem:s9+$0x8100]  }
0x330: {  	v8 =	vld [tilespmem:s9+$0x14100]  }
0x331: {  	s29 =	simm.s32 $0x40;
	s30 =	simm.s32 $0x200;
	v9 =	vld [tilespmem:s9+$0x8110]  }
0x332: {  	s31 =	simm.s32 $0x8;
	s21 =	sand.u32 $0x2040, s29;
	s19 =	sand.u32 $0x1C00, s30;
	v10 =	vld [tilespmem:s9+$0x14110]  }
0x333: {  	s20 =	sand.u32 $0x380, s31;
	s17 =	sor.u32 s19, s21;
	v5 =	vld [tilespmem:s9+$0x8120]  }
0x334: {  	s17 =	sor.u32 s20, s17;
	v7 =	vld [tilespmem:s9+$0x14120]  }
0x335: {  	v4 =	vadd.f32 v4, v3;
	v3 =	vld [tilespmem:s17+$0x8130]  }
0x336: {  	v8 =	vadd.f32 v8, v6;
	v6 =	vld [tilespmem:s17+$0x14130]  }
0x337: {  	v9 =	vadd.f32 v10, v9;
	[tilespmem:s9+$0x8130] =	vst v4;
	v4 =	vld [tilespmem:s17+$0x8100]  }
0x338: {  	[tilespmem:s9+$0x8100] =	vst v8;
	v8 =	vld [tilespmem:s17+$0x14100]  }
.LBB2_24:
0x339: {  	s29 =	sadd.s32 $0x40, s29;
	v10 =	vld [tilespmem:s17+$0x8110];
	s30 =	sadd.s32 $0x200, s30;
	[tilespmem:s9+$0x8110] =	vst v9;
	v7 =	vadd.f32 v7, v5  }
0x33a: {  	s31 =	sadd.s32 $0x8, s31;
	s19 =	sand.u32 $0x1C00, s30;
	s20 =	sand.u32 $0x2040, s29;
	v9 =	vld [tilespmem:s17+$0x14110]  }
0x33b: {  	s21 =	sand.u32 $0x380, s31;
	p0 =	slt.u32 s29, $0x3FC0;
	s19 =	sor.u32 s19, s20;
	v5 =	vld [tilespmem:s17+$0x8120];
	v6 =	vadd.f32 v6, v3;
	[tilespmem:s9+$0x8120] =	vst v7  }
.Ltmp11:
0x33c: {  	s9 =	smov.u32 s17;
	v7 =	vld [tilespmem:s17+$0x14120];
	s17 =	sor.u32 s21, s19;
	(pc) =	sbr.rel @p0 .LBB2_24-.Ltmp11, $4  }
0x33d: {  	v3 =	vld [tilespmem:s17+$0x8130];
	v8 =	vadd.f32 v8, v4;
	[tilespmem:s9+$0x8130] =	vst v6  }
0x33e: {  	v6 =	vld [tilespmem:s17+$0x14130]  }
0x33f: {  	v4 =	vld [tilespmem:s17+$0x8100];
	[tilespmem:s9+$0x8100] =	vst v8;
	v9 =	vadd.f32 v9, v10  }
0x340: {  	v8 =	vld [tilespmem:s17+$0x14100]  }
0x341: {  	v10 =	vld [tilespmem:s17+$0x8110]  }
0x342: {  	v11 =	vld [tilespmem:s17+$0x14110]  }
0x343: {  	v12 =	vld [tilespmem:s17+$0x8120]  }
0x344: {  	v13 =	vld [tilespmem:s17+$0x14120]  }
0x345: {  	v5 =	vadd.f32 v7, v5  }
0x346: {  	[tilespmem:s9+$0x8110] =	vst v9;
	v3 =	vadd.f32 v6, v3  }
0x347: {  	[tilespmem:s9+$0x8120] =	vst v5;
	v4 =	vadd.f32 v8, v4  }
0x348: {  	[tilespmem:s17+$0x8130] =	vst v3;
	v3 =	vadd.f32 v11, v10  }
0x349: {  	[tilespmem:s17+$0x8100] =	vst v4;
	v4 =	vadd.f32 v13, v12  }
0x34a: {  	[tilespmem:s17+$0x8110] =	vst v3  }
0x34b: {  	[tilespmem:s17+$0x8120] =	vst v4  }
0x34c: {  	s9 =	simm.s32 $0x0;
	s17 =	rddreg [dreg:$0x1f]  }
0x34d: {  	[hbm4b:s17+s9] =	stream.linear.scatter [tilespmem:s14], [sflag:$0x9], $0x4000, $0x38;
	[tilespmem:$0x18100] =	vst v63  }
0x34e: {  	_ =	swait.ge [sflag:s15], $0x4000  }
0x34f: {  	[sflag:s15] =	ssyncset.done $0x0  }
0x350: {  	[sflag:s15] =	ssyncadd.s32 $0xFFFFC000  }
0x351: {  	v3 =	vld [tilespmem:$0xD0];
	_ =	sdelay $0x4  }
0x352: {  	v4 =	vshll.u32 v3, $0x3  }
0x353: {  	v3 =	vand.u32 $0x7, v3;
	v4 =	vand.u32 $0xFFFFFFC0, v4  }
0x354: {  	v3 =	vor.u32 v3, v4  }
0x355: {  	v4 =	vperm.xlane v3, v0;
	_ =	sdelay $0x1  }
0x356: {  	v4 =	vadd.s32 v1, v4;
	_ =	sdelay $0x4  }
0x357: {  	[tilespmem:s28], [sflag:$0x2] =	stream.indirect_vreg.gather [hbm4b:s1+s9], $0x80, v4, vm0, $0xb8;
	[tilespmem:$0x18100] =	vst v63  }
0x358: {  	s20 =	simm.s32 $0x4900;
	v3 =	vperm.xlane v3, v2  }
0x359: {  	[tilespmem:s20], [sflag:$0x2] =	stream.indirect_vreg.gather [hbm4b:s5+s9], $0x80, v4, vm0, $0xb8;
	[tilespmem:$0x18100] =	vst v63  }
0x35a: {  	s21 =	simm.s32 $0x5100;
	v3 =	vadd.s32 v1, v3  }
0x35b: {  	[tilespmem:s21], [sflag:$0x2] =	stream.indirect_vreg.gather [hbm4b:s6+s9], $0x80, v4, vm0, $0xb8;
	[tilespmem:$0x18100] =	vst v63  }
0x35c: {  	s19 =	simm.s32 $0x5900  }
0x35d: {  	[tilespmem:s19], [sflag:$0x2] =	stream.indirect_vreg.gather [hbm4b:s7+s9], $0x80, v4, vm0, $0xb8;
	[tilespmem:$0x18100] =	vst v63  }
0x35e: {  	s20 =	simm.s32 $0x6100  }
0x35f: {  	[tilespmem:s20], [sflag:$0x2] =	stream.indirect_vreg.gather [hbm4b:s1+s9], $0x80, v3, vm0, $0xb8;
	[tilespmem:$0x18100] =	vst v63  }
0x360: {  	s21 =	simm.s32 $0x6900  }
0x361: {  	[tilespmem:s21], [sflag:$0x2] =	stream.indirect_vreg.gather [hbm4b:s5+s9], $0x80, v3, vm0, $0xb8;
	[tilespmem:$0x18100] =	vst v63  }
0x362: {  	s19 =	simm.s32 $0x7100  }
0x363: {  	[tilespmem:s19], [sflag:$0x2] =	stream.indirect_vreg.gather [hbm4b:s6+s9], $0x80, v3, vm0, $0xb8;
	[tilespmem:$0x18100] =	vst v63  }
0x364: {  	s20 =	simm.s32 $0x7900;
	s21 =	sld [smem:$0x7F7]  }
0x365: {  	[tilespmem:s20], [sflag:$0x2] =	stream.indirect_vreg.gather [hbm4b:s7+s9], $0x80, v3, vm0, $0xb8;
	[tilespmem:$0x18100] =	vst v63  }
0x366: {  	s19 =	simm.s32 $0x10100  }
0x367: {  	[tilespmem:s19], [sflag:$0x5] =	stream.linear.gather [hbm4b:s21+s9], $0x4000, $0x38;
	[tilespmem:$0x18100] =	vst v63  }
0x368: {  	_ =	swait.ge [sflag:s12], $0x4000  }
0x369: {  	[sflag:s12] =	ssyncset.done $0x0  }
0x36a: {  	s20 =	simm.s32 $0x0;
	[sflag:s12] =	ssyncadd.s32 $0xFFFFC000  }
0x36b: {  	s17 =	sand.u32 $0x2040, s20;
	s21 =	sand.u32 $0x1C00, s9;
	_ =	swait.ge [sflag:s13], $0x4000  }
0x36c: {  	s9 =	sand.u32 $0x380, s9;
	s17 =	sor.u32 s21, s17;
	[sflag:s13] =	ssyncset.done $0x0  }
0x36d: {  	s9 =	sor.u32 s9, s17;
	[sflag:s13] =	ssyncadd.s32 $0xFFFFC000  }
0x36e: {  	v3 =	vld [tilespmem:s9+$0x130]  }
0x36f: {  	v4 =	vld [tilespmem:s9+$0xC130]  }
0x370: {  	v6 =	vld [tilespmem:s9+$0x100]  }
0x371: {  	v8 =	vld [tilespmem:s9+$0xC100]  }
0x372: {  	s29 =	simm.s32 $0x40;
	s30 =	simm.s32 $0x200;
	v9 =	vld [tilespmem:s9+$0x110]  }
0x373: {  	s31 =	simm.s32 $0x8;
	s19 =	sand.u32 $0x1C00, s30;
	s21 =	sand.u32 $0x2040, s29;
	v10 =	vld [tilespmem:s9+$0xC110]  }
0x374: {  	s20 =	sand.u32 $0x380, s31;
	s17 =	sor.u32 s19, s21;
	v5 =	vld [tilespmem:s9+$0x120]  }
0x375: {  	s17 =	sor.u32 s20, s17;
	v7 =	vld [tilespmem:s9+$0xC120]  }
0x376: {  	v4 =	vadd.f32 v4, v3;
	v3 =	vld [tilespmem:s17+$0x130]  }
0x377: {  	v8 =	vadd.f32 v8, v6;
	v6 =	vld [tilespmem:s17+$0xC130]  }
0x378: {  	v9 =	vadd.f32 v10, v9;
	[tilespmem:s9+$0x130] =	vst v4;
	v4 =	vld [tilespmem:s17+$0x100]  }
0x379: {  	[tilespmem:s9+$0x100] =	vst v8;
	v8 =	vld [tilespmem:s17+$0xC100]  }
.LBB2_26:
0x37a: {  	s29 =	sadd.s32 $0x40, s29;
	v10 =	vld [tilespmem:s17+$0x110];
	s30 =	sadd.s32 $0x200, s30;
	[tilespmem:s9+$0x110] =	vst v9;
	v7 =	vadd.f32 v7, v5  }
0x37b: {  	s31 =	sadd.s32 $0x8, s31;
	s19 =	sand.u32 $0x1C00, s30;
	s20 =	sand.u32 $0x2040, s29;
	v9 =	vld [tilespmem:s17+$0xC110]  }
0x37c: {  	s21 =	sand.u32 $0x380, s31;
	p0 =	slt.u32 s29, $0x3FC0;
	s19 =	sor.u32 s19, s20;
	v5 =	vld [tilespmem:s17+$0x120];
	v6 =	vadd.f32 v6, v3;
	[tilespmem:s9+$0x120] =	vst v7  }
.Ltmp12:
0x37d: {  	s9 =	smov.u32 s17;
	v7 =	vld [tilespmem:s17+$0xC120];
	s17 =	sor.u32 s21, s19;
	(pc) =	sbr.rel @p0 .LBB2_26-.Ltmp12, $4  }
0x37e: {  	v3 =	vld [tilespmem:s17+$0x130];
	v8 =	vadd.f32 v8, v4;
	[tilespmem:s9+$0x130] =	vst v6  }
0x37f: {  	v6 =	vld [tilespmem:s17+$0xC130]  }
0x380: {  	v4 =	vld [tilespmem:s17+$0x100];
	[tilespmem:s9+$0x100] =	vst v8;
	v9 =	vadd.f32 v9, v10  }
0x381: {  	v8 =	vld [tilespmem:s17+$0xC100]  }
0x382: {  	v10 =	vld [tilespmem:s17+$0x110]  }
0x383: {  	v11 =	vld [tilespmem:s17+$0xC110]  }
0x384: {  	v12 =	vld [tilespmem:s17+$0x120]  }
0x385: {  	v13 =	vld [tilespmem:s17+$0xC120]  }
0x386: {  	v5 =	vadd.f32 v7, v5  }
0x387: {  	[tilespmem:s9+$0x110] =	vst v9;
	v3 =	vadd.f32 v6, v3  }
0x388: {  	[tilespmem:s9+$0x120] =	vst v5;
	v4 =	vadd.f32 v8, v4  }
0x389: {  	[tilespmem:s17+$0x130] =	vst v3;
	v3 =	vadd.f32 v11, v10  }
0x38a: {  	[tilespmem:s17+$0x100] =	vst v4;
	v4 =	vadd.f32 v13, v12  }
0x38b: {  	[tilespmem:s17+$0x110] =	vst v3  }
0x38c: {  	[tilespmem:s17+$0x120] =	vst v4  }
0x38d: {  	s17 =	sld [smem:$0x7F8];
	_ =	sdelay $0x1  }
0x38e: {  	s9 =	simm.s32 $0x0  }
0x38f: {  	[hbm4b:s17+s9] =	stream.linear.scatter [tilespmem:s18], [sflag:$0x7], $0x4000, $0x38;
	[tilespmem:$0x18100] =	vst v63  }
0x390: {  	_ =	swait.ge [sflag:s16], $0x4000  }
0x391: {  	[sflag:s16] =	ssyncset.done $0x0  }
0x392: {  	[sflag:s16] =	ssyncadd.s32 $0xFFFFC000  }
0x393: {  	v3 =	vld [tilespmem:$0xE0];
	_ =	sdelay $0x4  }
0x394: {  	v4 =	vshll.u32 v3, $0x3  }
0x395: {  	v3 =	vand.u32 $0x7, v3;
	v4 =	vand.u32 $0xFFFFFFC0, v4  }
0x396: {  	v3 =	vor.u32 v3, v4  }
0x397: {  	v4 =	vperm.xlane v3, v0;
	_ =	sdelay $0x1  }
0x398: {  	v4 =	vadd.s32 v1, v4;
	_ =	sdelay $0x4  }
0x399: {  	[tilespmem:s14], [sflag:$0x3] =	stream.indirect_vreg.gather [hbm4b:s1+s9], $0x80, v4, vm0, $0xb8;
	[tilespmem:$0x18100] =	vst v63  }
0x39a: {  	s20 =	simm.s32 $0x8900;
	v3 =	vperm.xlane v3, v2  }
0x39b: {  	[tilespmem:s20], [sflag:$0x3] =	stream.indirect_vreg.gather [hbm4b:s5+s9], $0x80, v4, vm0, $0xb8;
	[tilespmem:$0x18100] =	vst v63  }
0x39c: {  	s21 =	simm.s32 $0x9100;
	v3 =	vadd.s32 v1, v3  }
0x39d: {  	[tilespmem:s21], [sflag:$0x3] =	stream.indirect_vreg.gather [hbm4b:s6+s9], $0x80, v4, vm0, $0xb8;
	[tilespmem:$0x18100] =	vst v63  }
0x39e: {  	s19 =	simm.s32 $0x9900  }
0x39f: {  	[tilespmem:s19], [sflag:$0x3] =	stream.indirect_vreg.gather [hbm4b:s7+s9], $0x80, v4, vm0, $0xb8;
	[tilespmem:$0x18100] =	vst v63  }
0x3a0: {  	s20 =	simm.s32 $0xA100  }
0x3a1: {  	[tilespmem:s20], [sflag:$0x3] =	stream.indirect_vreg.gather [hbm4b:s1+s9], $0x80, v3, vm0, $0xb8;
	[tilespmem:$0x18100] =	vst v63  }
0x3a2: {  	s21 =	simm.s32 $0xA900  }
0x3a3: {  	[tilespmem:s21], [sflag:$0x3] =	stream.indirect_vreg.gather [hbm4b:s5+s9], $0x80, v3, vm0, $0xb8;
	[tilespmem:$0x18100] =	vst v63  }
0x3a4: {  	s19 =	simm.s32 $0xB100  }
0x3a5: {  	[tilespmem:s19], [sflag:$0x3] =	stream.indirect_vreg.gather [hbm4b:s6+s9], $0x80, v3, vm0, $0xb8;
	[tilespmem:$0x18100] =	vst v63  }
0x3a6: {  	s20 =	simm.s32 $0xB900;
	s21 =	sld [smem:$0x7F9]  }
0x3a7: {  	[tilespmem:s20], [sflag:$0x3] =	stream.indirect_vreg.gather [hbm4b:s7+s9], $0x80, v3, vm0, $0xb8;
	[tilespmem:$0x18100] =	vst v63  }
0x3a8: {  	s19 =	simm.s32 $0x14100  }
0x3a9: {  	[tilespmem:s19], [sflag:$0x6] =	stream.linear.gather [hbm4b:s21+s9], $0x4000, $0x38;
	[tilespmem:$0x18100] =	vst v63  }
0x3aa: {  	_ =	swait.ge [sflag:s2], $0x4000  }
0x3ab: {  	[sflag:s2] =	ssyncset.done $0x0  }
0x3ac: {  	s20 =	simm.s32 $0x0;
	[sflag:s2] =	ssyncadd.s32 $0xFFFFC000  }
0x3ad: {  	s17 =	sand.u32 $0x2040, s20;
	s21 =	sand.u32 $0x1C00, s9;
	_ =	swait.ge [sflag:s0], $0x4000  }
0x3ae: {  	s9 =	sand.u32 $0x380, s9;
	s17 =	sor.u32 s21, s17;
	[sflag:s0] =	ssyncset.done $0x0  }
0x3af: {  	s9 =	sor.u32 s9, s17;
	[sflag:s0] =	ssyncadd.s32 $0xFFFFC000  }
0x3b0: {  	v3 =	vld [tilespmem:s9+$0x4130]  }
0x3b1: {  	v4 =	vld [tilespmem:s9+$0x10130]  }
0x3b2: {  	v6 =	vld [tilespmem:s9+$0x4100]  }
0x3b3: {  	v8 =	vld [tilespmem:s9+$0x10100]  }
0x3b4: {  	s29 =	simm.s32 $0x40;
	s30 =	simm.s32 $0x200;
	v9 =	vld [tilespmem:s9+$0x4110]  }
0x3b5: {  	s31 =	simm.s32 $0x8;
	s19 =	sand.u32 $0x1C00, s30;
	s21 =	sand.u32 $0x2040, s29;
	v10 =	vld [tilespmem:s9+$0x10110]  }
0x3b6: {  	s20 =	sand.u32 $0x380, s31;
	s17 =	sor.u32 s19, s21;
	v5 =	vld [tilespmem:s9+$0x4120]  }
0x3b7: {  	s17 =	sor.u32 s20, s17;
	v7 =	vld [tilespmem:s9+$0x10120]  }
0x3b8: {  	v4 =	vadd.f32 v4, v3;
	v3 =	vld [tilespmem:s17+$0x4130]  }
0x3b9: {  	v8 =	vadd.f32 v8, v6;
	v6 =	vld [tilespmem:s17+$0x10130]  }
0x3ba: {  	v9 =	vadd.f32 v10, v9;
	[tilespmem:s9+$0x4130] =	vst v4;
	v4 =	vld [tilespmem:s17+$0x4100]  }
0x3bb: {  	[tilespmem:s9+$0x4100] =	vst v8;
	v8 =	vld [tilespmem:s17+$0x10100]  }
.LBB2_28:
0x3bc: {  	s29 =	sadd.s32 $0x40, s29;
	v10 =	vld [tilespmem:s17+$0x4110];
	s30 =	sadd.s32 $0x200, s30;
	[tilespmem:s9+$0x4110] =	vst v9;
	v7 =	vadd.f32 v7, v5  }
0x3bd: {  	s31 =	sadd.s32 $0x8, s31;
	s19 =	sand.u32 $0x1C00, s30;
	s20 =	sand.u32 $0x2040, s29;
	v9 =	vld [tilespmem:s17+$0x10110]  }
0x3be: {  	s21 =	sand.u32 $0x380, s31;
	p0 =	slt.u32 s29, $0x3FC0;
	s19 =	sor.u32 s19, s20;
	v5 =	vld [tilespmem:s17+$0x4120];
	v6 =	vadd.f32 v6, v3;
	[tilespmem:s9+$0x4120] =	vst v7  }
.Ltmp13:
0x3bf: {  	s9 =	smov.u32 s17;
	v7 =	vld [tilespmem:s17+$0x10120];
	s17 =	sor.u32 s21, s19;
	(pc) =	sbr.rel @p0 .LBB2_28-.Ltmp13, $4  }
0x3c0: {  	v3 =	vld [tilespmem:s17+$0x4130];
	v8 =	vadd.f32 v8, v4;
	[tilespmem:s9+$0x4130] =	vst v6  }
0x3c1: {  	v6 =	vld [tilespmem:s17+$0x10130]  }
0x3c2: {  	v4 =	vld [tilespmem:s17+$0x4100];
	[tilespmem:s9+$0x4100] =	vst v8;
	v9 =	vadd.f32 v9, v10  }
0x3c3: {  	v8 =	vld [tilespmem:s17+$0x10100]  }
0x3c4: {  	v10 =	vld [tilespmem:s17+$0x4110]  }
0x3c5: {  	v11 =	vld [tilespmem:s17+$0x10110]  }
0x3c6: {  	v12 =	vld [tilespmem:s17+$0x4120]  }
0x3c7: {  	v13 =	vld [tilespmem:s17+$0x10120]  }
0x3c8: {  	v5 =	vadd.f32 v7, v5  }
0x3c9: {  	[tilespmem:s9+$0x4110] =	vst v9;
	v3 =	vadd.f32 v6, v3  }
0x3ca: {  	[tilespmem:s9+$0x4120] =	vst v5;
	v4 =	vadd.f32 v8, v4  }
0x3cb: {  	[tilespmem:s17+$0x4130] =	vst v3;
	v3 =	vadd.f32 v11, v10  }
0x3cc: {  	[tilespmem:s17+$0x4100] =	vst v4;
	v4 =	vadd.f32 v13, v12  }
0x3cd: {  	[tilespmem:s17+$0x4110] =	vst v3  }
0x3ce: {  	[tilespmem:s17+$0x4120] =	vst v4  }
0x3cf: {  	s17 =	sld [smem:$0x7FA];
	_ =	sdelay $0x1  }
0x3d0: {  	s9 =	simm.s32 $0x0  }
0x3d1: {  	[hbm4b:s17+s9] =	stream.linear.scatter [tilespmem:s28], [sflag:$0x8], $0x4000, $0x38;
	[tilespmem:$0x18100] =	vst v63  }
0x3d2: {  	_ =	swait.ge [sflag:s4], $0x4000  }
0x3d3: {  	[sflag:s4] =	ssyncset.done $0x0  }
0x3d4: {  	[sflag:s4] =	ssyncadd.s32 $0xFFFFC000  }
0x3d5: {  	v3 =	vld [tilespmem:$0xF0];
	_ =	sdelay $0x4  }
0x3d6: {  	v4 =	vshll.u32 v3, $0x3  }
0x3d7: {  	v3 =	vand.u32 $0x7, v3;
	v4 =	vand.u32 $0xFFFFFFC0, v4  }
0x3d8: {  	v3 =	vor.u32 v3, v4  }
0x3d9: {  	v4 =	vperm.xlane v3, v0;
	_ =	sdelay $0x1  }
0x3da: {  	v4 =	vadd.s32 v1, v4;
	_ =	sdelay $0x4  }
0x3db: {  	[tilespmem:s18], [sflag:$0x1] =	stream.indirect_vreg.gather [hbm4b:s1+s9], $0x80, v4, vm0, $0xb8;
	[tilespmem:$0x18100] =	vst v63  }
0x3dc: {  	s20 =	simm.s32 $0x900;
	v3 =	vperm.xlane v3, v2  }
0x3dd: {  	[tilespmem:s20], [sflag:$0x1] =	stream.indirect_vreg.gather [hbm4b:s5+s9], $0x80, v4, vm0, $0xb8;
	[tilespmem:$0x18100] =	vst v63  }
0x3de: {  	s21 =	simm.s32 $0x1100;
	v3 =	vadd.s32 v1, v3  }
0x3df: {  	[tilespmem:s21], [sflag:$0x1] =	stream.indirect_vreg.gather [hbm4b:s6+s9], $0x80, v4, vm0, $0xb8;
	[tilespmem:$0x18100] =	vst v63  }
0x3e0: {  	s19 =	simm.s32 $0x1900  }
0x3e1: {  	[tilespmem:s19], [sflag:$0x1] =	stream.indirect_vreg.gather [hbm4b:s7+s9], $0x80, v4, vm0, $0xb8;
	[tilespmem:$0x18100] =	vst v63  }
0x3e2: {  	_ = 	snop  }
0x3e3: {  	[tilespmem:s22], [sflag:$0x1] =	stream.indirect_vreg.gather [hbm4b:s1+s9], $0x80, v3, vm0, $0xb8;
	[tilespmem:$0x18100] =	vst v63  }
0x3e4: {  	_ = 	snop  }
0x3e5: {  	[tilespmem:s23], [sflag:$0x1] =	stream.indirect_vreg.gather [hbm4b:s5+s9], $0x80, v3, vm0, $0xb8;
	[tilespmem:$0x18100] =	vst v63  }
0x3e6: {  	_ = 	snop  }
0x3e7: {  	[tilespmem:s24], [sflag:$0x1] =	stream.indirect_vreg.gather [hbm4b:s6+s9], $0x80, v3, vm0, $0xb8;
	[tilespmem:$0x18100] =	vst v63  }
0x3e8: {  	s20 =	sld [smem:$0x7FB]  }
0x3e9: {  	[tilespmem:s25], [sflag:$0x1] =	stream.indirect_vreg.gather [hbm4b:s7+s9], $0x80, v3, vm0, $0xb8;
	[tilespmem:$0x18100] =	vst v63  }
0x3ea: {  	_ = 	snop  }
0x3eb: {  	[tilespmem:s26], [sflag:$0x4] =	stream.linear.gather [hbm4b:s20+s9], $0x4000, $0x38;
	[tilespmem:$0x18100] =	vst v63  }
0x3ec: {  	_ =	swait.ge [sflag:s10], $0x4000  }
0x3ed: {  	[sflag:s10] =	ssyncset.done $0x0  }
0x3ee: {  	s21 =	simm.s32 $0x0;
	[sflag:s10] =	ssyncadd.s32 $0xFFFFC000  }
0x3ef: {  	s17 =	sand.u32 $0x2040, s21;
	s19 =	sand.u32 $0x1C00, s9;
	_ =	swait.ge [sflag:s11], $0x4000  }
0x3f0: {  	s17 =	sor.u32 s19, s17;
	s9 =	sand.u32 $0x380, s9;
	[sflag:s11] =	ssyncset.done $0x0  }
0x3f1: {  	s9 =	sor.u32 s9, s17;
	[sflag:s11] =	ssyncadd.s32 $0xFFFFC000  }
0x3f2: {  	v3 =	vld [tilespmem:s9+$0x8130]  }
0x3f3: {  	v4 =	vld [tilespmem:s9+$0x14130]  }
0x3f4: {  	v6 =	vld [tilespmem:s9+$0x8100]  }
0x3f5: {  	v8 =	vld [tilespmem:s9+$0x14100]  }
0x3f6: {  	s29 =	simm.s32 $0x40;
	s30 =	simm.s32 $0x200;
	v9 =	vld [tilespmem:s9+$0x8110]  }
0x3f7: {  	s31 =	simm.s32 $0x8;
	s21 =	sand.u32 $0x2040, s29;
	s19 =	sand.u32 $0x1C00, s30;
	v10 =	vld [tilespmem:s9+$0x14110]  }
0x3f8: {  	s20 =	sand.u32 $0x380, s31;
	s17 =	sor.u32 s19, s21;
	v5 =	vld [tilespmem:s9+$0x8120]  }
0x3f9: {  	s17 =	sor.u32 s20, s17;
	v7 =	vld [tilespmem:s9+$0x14120]  }
0x3fa: {  	v4 =	vadd.f32 v4, v3;
	v3 =	vld [tilespmem:s17+$0x8130]  }
0x3fb: {  	v8 =	vadd.f32 v8, v6;
	v6 =	vld [tilespmem:s17+$0x14130]  }
0x3fc: {  	v9 =	vadd.f32 v10, v9;
	[tilespmem:s9+$0x8130] =	vst v4;
	v4 =	vld [tilespmem:s17+$0x8100]  }
0x3fd: {  	[tilespmem:s9+$0x8100] =	vst v8;
	v8 =	vld [tilespmem:s17+$0x14100]  }
.LBB2_30:
0x3fe: {  	s29 =	sadd.s32 $0x40, s29;
	v10 =	vld [tilespmem:s17+$0x8110];
	s30 =	sadd.s32 $0x200, s30;
	[tilespmem:s9+$0x8110] =	vst v9;
	v7 =	vadd.f32 v7, v5  }
0x3ff: {  	s31 =	sadd.s32 $0x8, s31;
	s19 =	sand.u32 $0x1C00, s30;
	s20 =	sand.u32 $0x2040, s29;
	v9 =	vld [tilespmem:s17+$0x14110]  }
0x400: {  	s21 =	sand.u32 $0x380, s31;
	p0 =	slt.u32 s29, $0x3FC0;
	s19 =	sor.u32 s19, s20;
	v5 =	vld [tilespmem:s17+$0x8120];
	v6 =	vadd.f32 v6, v3;
	[tilespmem:s9+$0x8120] =	vst v7  }
.Ltmp14:
0x401: {  	s9 =	smov.u32 s17;
	v7 =	vld [tilespmem:s17+$0x14120];
	s17 =	sor.u32 s21, s19;
	(pc) =	sbr.rel @p0 .LBB2_30-.Ltmp14, $4  }
0x402: {  	v3 =	vld [tilespmem:s17+$0x8130];
	v8 =	vadd.f32 v8, v4;
	[tilespmem:s9+$0x8130] =	vst v6  }
0x403: {  	v6 =	vld [tilespmem:s17+$0x14130]  }
0x404: {  	v4 =	vld [tilespmem:s17+$0x8100];
	[tilespmem:s9+$0x8100] =	vst v8;
	v9 =	vadd.f32 v9, v10  }
0x405: {  	v8 =	vld [tilespmem:s17+$0x14100]  }
0x406: {  	v10 =	vld [tilespmem:s17+$0x8110]  }
0x407: {  	v11 =	vld [tilespmem:s17+$0x14110]  }
0x408: {  	v12 =	vld [tilespmem:s17+$0x8120]  }
0x409: {  	v13 =	vld [tilespmem:s17+$0x14120]  }
0x40a: {  	v5 =	vadd.f32 v7, v5  }
0x40b: {  	[tilespmem:s9+$0x8110] =	vst v9;
	v3 =	vadd.f32 v6, v3  }
0x40c: {  	[tilespmem:s9+$0x8120] =	vst v5;
	v4 =	vadd.f32 v8, v4  }
0x40d: {  	[tilespmem:s17+$0x8130] =	vst v3;
	v3 =	vadd.f32 v11, v10  }
0x40e: {  	[tilespmem:s17+$0x8100] =	vst v4;
	v4 =	vadd.f32 v13, v12  }
0x40f: {  	[tilespmem:s17+$0x8110] =	vst v3  }
0x410: {  	[tilespmem:s17+$0x8120] =	vst v4  }
0x411: {  	s17 =	sld [smem:$0x7FC];
	_ =	sdelay $0x1  }
0x412: {  	s20 =	simm.s32 $0x0  }
0x413: {  	[hbm4b:s17+s20] =	stream.linear.scatter [tilespmem:s14], [sflag:$0x9], $0x4000, $0x38;
	[tilespmem:$0x18100] =	vst v63  }
0x414: {  	_ =	swait.ge [sflag:s12], $0x4000  }
0x415: {  	[sflag:s12] =	ssyncset.done $0x0  }
0x416: {  	s21 =	simm.s32 $0x0;
	[sflag:s12] =	ssyncadd.s32 $0xFFFFC000  }
0x417: {  	s19 =	sand.u32 $0x1C00, s20;
	s17 =	sand.u32 $0x2040, s21;
	_ =	swait.ge [sflag:s13], $0x4000  }
0x418: {  	s9 =	sand.u32 $0x380, s20;
	s17 =	sor.u32 s19, s17;
	[sflag:s13] =	ssyncset.done $0x0  }
0x419: {  	s9 =	sor.u32 s9, s17;
	[sflag:s13] =	ssyncadd.s32 $0xFFFFC000  }
0x41a: {  	v3 =	vld [tilespmem:s9+$0x130]  }
0x41b: {  	v4 =	vld [tilespmem:s9+$0xC130]  }
0x41c: {  	v6 =	vld [tilespmem:s9+$0x100]  }
0x41d: {  	v8 =	vld [tilespmem:s9+$0xC100]  }
0x41e: {  	s29 =	simm.s32 $0x40;
	s30 =	simm.s32 $0x200;
	v9 =	vld [tilespmem:s9+$0x110]  }
0x41f: {  	s31 =	simm.s32 $0x8;
	s21 =	sand.u32 $0x2040, s29;
	s19 =	sand.u32 $0x1C00, s30;
	v10 =	vld [tilespmem:s9+$0xC110]  }
0x420: {  	s20 =	sand.u32 $0x380, s31;
	s17 =	sor.u32 s19, s21;
	v5 =	vld [tilespmem:s9+$0x120]  }
0x421: {  	s17 =	sor.u32 s20, s17;
	v7 =	vld [tilespmem:s9+$0xC120]  }
0x422: {  	v4 =	vadd.f32 v4, v3;
	v3 =	vld [tilespmem:s17+$0x130]  }
0x423: {  	v8 =	vadd.f32 v8, v6;
	v6 =	vld [tilespmem:s17+$0xC130]  }
0x424: {  	v9 =	vadd.f32 v10, v9;
	[tilespmem:s9+$0x130] =	vst v4;
	v4 =	vld [tilespmem:s17+$0x100]  }
0x425: {  	[tilespmem:s9+$0x100] =	vst v8;
	v8 =	vld [tilespmem:s17+$0xC100]  }
.LBB2_32:
0x426: {  	s29 =	sadd.s32 $0x40, s29;
	v10 =	vld [tilespmem:s17+$0x110];
	s30 =	sadd.s32 $0x200, s30;
	[tilespmem:s9+$0x110] =	vst v9;
	v7 =	vadd.f32 v7, v5  }
0x427: {  	s31 =	sadd.s32 $0x8, s31;
	s19 =	sand.u32 $0x1C00, s30;
	s20 =	sand.u32 $0x2040, s29;
	v9 =	vld [tilespmem:s17+$0xC110]  }
0x428: {  	s21 =	sand.u32 $0x380, s31;
	p0 =	slt.u32 s29, $0x3FC0;
	s19 =	sor.u32 s19, s20;
	v5 =	vld [tilespmem:s17+$0x120];
	v6 =	vadd.f32 v6, v3;
	[tilespmem:s9+$0x120] =	vst v7  }
.Ltmp15:
0x429: {  	s9 =	smov.u32 s17;
	v7 =	vld [tilespmem:s17+$0xC120];
	s17 =	sor.u32 s21, s19;
	(pc) =	sbr.rel @p0 .LBB2_32-.Ltmp15, $4  }
0x42a: {  	v3 =	vld [tilespmem:s17+$0x130];
	v8 =	vadd.f32 v8, v4;
	[tilespmem:s9+$0x130] =	vst v6  }
0x42b: {  	v6 =	vld [tilespmem:s17+$0xC130]  }
0x42c: {  	v4 =	vld [tilespmem:s17+$0x100];
	[tilespmem:s9+$0x100] =	vst v8;
	v9 =	vadd.f32 v9, v10  }
0x42d: {  	v8 =	vld [tilespmem:s17+$0xC100]  }
0x42e: {  	v10 =	vld [tilespmem:s17+$0x110]  }
0x42f: {  	v11 =	vld [tilespmem:s17+$0xC110]  }
0x430: {  	v12 =	vld [tilespmem:s17+$0x120]  }
0x431: {  	v13 =	vld [tilespmem:s17+$0xC120]  }
0x432: {  	v5 =	vadd.f32 v7, v5  }
0x433: {  	[tilespmem:s9+$0x110] =	vst v9;
	v3 =	vadd.f32 v6, v3  }
0x434: {  	[tilespmem:s9+$0x120] =	vst v5;
	v4 =	vadd.f32 v8, v4  }
0x435: {  	[tilespmem:s17+$0x130] =	vst v3;
	v3 =	vadd.f32 v11, v10  }
0x436: {  	v63 =	vadd.f32 v13, v12;
	[tilespmem:s17+$0x100] =	vst v4  }
0x437: {  	[tilespmem:s17+$0x110] =	vst v3  }
0x438: {  	[tilespmem:s17+$0x120] =	vst v63  }
0x439: {  	s9 =	sld [smem:$0x7FD];
	_ =	sdelay $0x2  }
0x43a: {  	[hbm4b:s9+s3] =	stream.linear.scatter [tilespmem:s18], [sflag:$0x7], $0x4000, $0x38;
	[tilespmem:$0x18100] =	vst v63  }
0x43b: {  	_ =	swait.ge [sflag:s4], $0x4000  }
0x43c: {  	[sflag:s4] =	ssyncset.done $0x0  }
0x43d: {  	[sflag:s4] =	ssyncadd.s32 $0xFFFFC000  }
0x43e: {  	_ =	swait.ge [sflag:s15], $0x4000  }
0x43f: {  	[sflag:s15] =	ssyncset.done $0x0  }
0x440: {  	[sflag:s15] =	ssyncadd.s32 $0xFFFFC000  }
0x441: {  	_ =	swait.ge [sflag:s16], $0x4000  }
0x442: {  	s8 =	sadd.s32 $0x1, s8;
	s31 =	rddreg [dreg:$0x17]  }
0x443: {  	p0 =	sne.s32 s8, s31  }
.Ltmp16:
0x444: {  	_ = 	snop;
	(pc) =	sbr.rel @p0 .LBB2_1-.Ltmp16, $3  }
0x445: {  	_ =	sdelay $0x1  }
0x446: {  	[sflag:s16] =	ssyncset.done $0x0  }
0x447: {  	[sflag:s16] =	ssyncadd.s32 $0xFFFFC000  }
0x448: {  	_ =	sfence.sel $0x180000  }
0x449: {  	[bflag:$0x0] =	sbarrier.arrive $0xFFFF  }
0x44a: {  	_ =	strace $0x90000047  }
0x44b: {  	s0 =	stileid.u32;
	[bflag:$0x2] =	sbarrier.arrive $0xFFFF  }
0x44c: {  	p0 =	sne.s32 s0, $0x0;
	s0 =	rddreg [dreg:$0x4]  }
0x44d: {  	s0 =	sadd.s32 @!p0 $0x100000, s0  }
0x44e: {  	[sflag:s0] =	ssyncadd.tile.s32 @!p0 $0x1;
	_ =	shalt  }
.Lfunc_end2:
_tile_overlayer_lowered:
.L_overlay_start_2:
0x44f: {  	(tag) =	ssettag $0x2  }
0x450: {  	s0 =	rddreg [dreg:$0x0];
	s2 =	stileid.u32  }
0x451: {  	s1 =	rddreg [dreg:$0x1];
	p0 =	sne.s32 s2, $0x0  }
0x452: {  	s3 =	rddreg [dreg:$0x2];
	[bflag:$0x3] =	sbarrier.arrive $0xFFFF;
	s2 =	simm.s32 @!p0 $0x1C0A  }
0x453: {  	[timem:s3], [sflag:s2] =	dma.local @!p0 [hbm:s0], s1  }
0x454: {  	s0 =	simm.s32 @!p0 $0xA  }
0x455: {  	_ =	swait.ge @!p0 [sflag:s0], s1  }
0x456: {  	s1 =	ssub.s32 @!p0 $0x0, s1;
	[sflag:s0] =	ssyncset.done @!p0 $0x0  }
0x457: {  	[sflag:s0] =	ssyncadd.s32 @!p0 s1  }
0x458: {  	[bflag:$0x3] =	sbarrier.arrive $0xFFFF  }
0x459: {  	_ =	shalt  }

</sc_bundles>
